<compile_context>
chip_gen: v7x
topology: tpu7x:2x2x1
jax: 0.10.2.dev20260603
libtpu: 0.0.44.dev20260713+nightly
codegen_flags: <defaults>
</compile_context>

<pallas_src>
import functools

import jax
import jax.numpy as jnp
from jax import lax
from jax.experimental import pallas as pl
from jax.experimental.pallas import tpu as pltpu
from jax.experimental.pallas import tpu_sc as plsc

D = 64
L = 16
NC, NS = 2, 16
NW = NC * NS
CHUNK = 128
GN = 5
AHEAD = 3


def _pe_row():
    i = jnp.arange(D // 2, dtype=jnp.float32)
    ij = i / jnp.power(10000.0, 2.0 * (i / D))
    sin_cos = jnp.stack([jnp.sin(ij), jnp.cos(ij)], axis=1)
    return jnp.reshape(sin_cos, (D,))


def _g_body(n_chunks_w, idx_hbm, pe_hbm, table_hbm, out_hbm,
            idx_v, pe_v, gbufs, tbufs, gsem, wsem):
    wid = lax.axis_index("s") * NC + lax.axis_index("c")
    n_tok_w = n_chunks_w * CHUNK
    base = wid * n_chunks_w
    pltpu.sync_copy(idx_hbm.at[pl.ds(wid * n_tok_w, n_tok_w)], idx_v)
    pltpu.sync_copy(pe_hbm, pe_v)
    pe_regs = [pe_v[pl.ds(L * t, L)] for t in range(D // L)]
    d_base = [lax.iota(jnp.int32, L) + t * L for t in range(D // L)]

    def fire_gather(chunk, b):
        pltpu.async_copy(table_hbm.at[idx_v.at[pl.ds(chunk * CHUNK, CHUNK)]],
                         gbufs.at[b], gsem.at[b])

    def wait_gather(b):
        pltpu.make_async_copy(table_hbm.at[idx_v.at[pl.ds(0, CHUNK)]],
                              gbufs.at[b], gsem.at[b]).wait()

    def fire_write(chunk, b):
        gc = base + chunk
        s = gc // (1024 // CHUNK)
        b0 = (gc % (1024 // CHUNK)) * CHUNK
        pltpu.async_copy(tbufs.at[b, :, pl.ds(0, CHUNK)],
                         out_hbm.at[s, :, pl.ds(b0, CHUNK)], wsem.at[b])

    def wait_write(b):
        pltpu.make_async_copy(tbufs.at[b, :, pl.ds(0, CHUNK)],
                              out_hbm.at[0, :, pl.ds(0, CHUNK)],
                              wsem.at[b]).wait()

    for j in range(AHEAD):
        fire_gather(j, j % GN)

    @pl.loop(0, n_chunks_w, step=GN)
    def _group(j0):
        for b in range(GN):
            j = j0 + b
            k = j + AHEAD
            kb = (b + AHEAD) % GN

            @pl.when(k < n_chunks_w)
            def _():
                fire_gather(k, kb)

            wait_gather(b)

            @pl.when(j >= GN)
            def _():
                wait_write(b)

            @plsc.parallel_loop(0, CHUNK, unroll=4)
            def _tok(c):
                c_vec = jnp.full((L,), c, dtype=jnp.int32)
                for t in range(D // L):
                    v = gbufs[b, c, pl.ds(t * L, L)] + pe_regs[t]
                    plsc.store_scatter(tbufs.at[b], [d_base[t], c_vec], v)

            fire_write(j, b)

    for b in range(GN):
        wait_write(b)


def kernel(inputs, table):
    bsz, seq = inputs.shape
    n = bsz * seq
    assert bsz % CHUNK == 0 and n % (NW * CHUNK) == 0
    n_chunks_w = n // (NW * CHUNK)
    assert n_chunks_w % GN == 0
    idx = inputs.T.reshape(-1).astype(jnp.int32)
    pe = _pe_row()
    mesh = plsc.VectorSubcoreMesh(core_axis_name="c", subcore_axis_name="s")

    gather_k = pl.kernel(
        functools.partial(_g_body, n_chunks_w),
        out_type=jax.ShapeDtypeStruct((seq, D, bsz), jnp.float32),
        mesh=mesh,
        compiler_params=pltpu.CompilerParams(use_tc_tiling_on_sc=False,
                                             needs_layout_passes=False),
        scratch_types=[
            pltpu.VMEM((n_chunks_w * CHUNK,), jnp.int32),
            pltpu.VMEM((D,), jnp.float32),
            pltpu.VMEM((GN, CHUNK, D), jnp.float32),
            pltpu.VMEM((GN, D, CHUNK + 1), jnp.float32),
            pltpu.SemaphoreType.DMA((GN,)),
            pltpu.SemaphoreType.DMA((GN,)),
        ],
    )
    out = gather_k(idx, pe, table)
    return jnp.transpose(out, (2, 0, 1))

# --- scband reference (transcript-rebuilt; emitter-appended) ---
"""Pipeline reference for scband-positional-encoding-50002009260645 (READ-ONLY COPY).

The authoritative reference and input builder live on the scoring server;
editing this copy changes nothing except your own understanding.
"""

import jax, jax.numpy as jnp
import numpy as np

VOCAB_SIZE = 1000000
EMBED_DIM = 64


def _position_embeddings(length, embed_dim):
    # Faithful translation of get_position_embeddings (note: the original
    # layer tiles the SAME sinusoidal row for every position).
    position_i = jnp.arange(embed_dim // 2, dtype=jnp.float32)
    position_j = jnp.power(10000.0, 2.0 * (position_i / embed_dim))
    position_ij = position_i / position_j
    sinusoidal = jnp.stack([jnp.sin(position_ij), jnp.cos(position_ij)], axis=1)
    sinusoidal = jnp.reshape(sinusoidal, (1, -1))
    sinusoidal = jnp.pad(sinusoidal, ((0, 0), (0, embed_dim % 2)))
    sinusoidal = jnp.reshape(sinusoidal, (1, embed_dim))
    pe = jnp.tile(sinusoidal, (length, 1))
    pe = jnp.reshape(pe, (length, embed_dim))
    pe = jnp.expand_dims(pe, 0)
    return pe


def setup_inputs(seed: int = 0) -> dict:
    key = jax.random.key(seed)
    k_idx, k_tab = jax.random.split(key)
    inputs = jax.random.randint(k_idx, (1024, 200), 0, VOCAB_SIZE, dtype=jnp.int64)
    # Embedding table (learned parameter), keras default uniform init
    table = jax.random.uniform(k_tab, (VOCAB_SIZE, EMBED_DIM), dtype=jnp.float32, minval=-0.05, maxval=0.05)
    return {"inputs": inputs, "table": table}


def reference(inputs, table):
    length = inputs.shape[1]
    position_embeddings = _position_embeddings(length, EMBED_DIM)
    embedded_tokens = jnp.take(table, inputs, axis=0)
    return embedded_tokens + position_embeddings

if __name__ == "__main__":
    import jax
    _d = setup_inputs()
    print(jax.jit(kernel)(*tuple(_d.values())))

</pallas_src>

<mosaic_0001>
#map = affine_map<(d0, d1) -> (0)>
#map1 = affine_map<(d0, d1) -> (0, 0)>
#map2 = affine_map<(d0, d1) -> (0, 0, 0)>
module attributes {stable_mosaic.version = 14 : i64} {
  func.func @_g_body(%arg0: i32, %arg1: i32, %arg2: memref<204800xi32, #tpu.memory_space<hbm>>, %arg3: memref<64xf32, #tpu.memory_space<hbm>>, %arg4: memref<1000000x64xf32, #tpu.memory_space<hbm>>, %arg5: memref<200x64x1024xf32, #tpu.memory_space<hbm>>, %arg6: memref<6400xi32, #tpu.memory_space<vmem>>, %arg7: memref<64xf32, #tpu.memory_space<vmem>>, %arg8: memref<5x128x64xf32, #tpu.memory_space<vmem>>, %arg9: memref<5x64x129xf32, #tpu.memory_space<vmem>>, %arg10: memref<5x!tpu.dma_semaphore, #tpu.memory_space<semaphore_mem>>, %arg11: memref<5x!tpu.dma_semaphore, #tpu.memory_space<semaphore_mem>>) attributes {dimension_semantics = [#tpu.dimension_semantics<core_parallel>, #tpu.dimension_semantics<subcore_parallel>], iteration_bounds = array<i64: 2, 16>, scalar_prefetch = 0 : i64, scratch_operands = 6 : i64, tpu.core_type = #tpu.core_type<sc_vector_subcore>, window_params = [{transform_indices = #map}, {transform_indices = #map}, {transform_indices = #map1}, {transform_indices = #map2}]} {
    %mul3A = arith.constant 2 : i32
    %mul3A_0 = arith.muli %arg1, %mul3A : i32
    %add3A = arith.addi %mul3A_0, %arg0 : i32
    %mul3A_1 = arith.constant 50 : i32
    %mul3A_2 = arith.muli %add3A, %mul3A_1 : i32
    %mul3A_3 = arith.constant 6400 : i32
    %mul3A_4 = arith.muli %add3A, %mul3A_3 : i32
    "tpu.region"() ({
      %run_scoped3A = tpu.sem_alloc : memref<!tpu.dma_semaphore, #tpu.memory_space<semaphore_mem>>
      %dma_start3A_173 = tpu.memref_slice %arg2[%mul3A_4] : memref<204800xi32, #tpu.memory_space<hbm>> -> memref<6400xi32, #tpu.memory_space<hbm>>
      %dma_start3A_174 = tpu.memref_slice %arg2[%mul3A_4] : memref<204800xi32, #tpu.memory_space<hbm>> -> memref<6400xi32, #tpu.memory_space<hbm>>
      tpu.enqueue_dma source(%dma_start3A_174 : memref<6400xi32, #tpu.memory_space<hbm>>) target(%arg6 : memref<6400xi32, #tpu.memory_space<vmem>>) target_semaphore(%run_scoped3A : memref<!tpu.dma_semaphore, #tpu.memory_space<semaphore_mem>>)
      %dma_wait3A_175 = tpu.memref_slice %arg2[%mul3A_4] : memref<204800xi32, #tpu.memory_space<hbm>> -> memref<6400xi32, #tpu.memory_space<hbm>>
      %dma_wait3A_176 = tpu.memref_slice %arg2[%mul3A_4] : memref<204800xi32, #tpu.memory_space<hbm>> -> memref<6400xi32, #tpu.memory_space<hbm>>
      tpu.wait_dma2 semaphore(%run_scoped3A : memref<!tpu.dma_semaphore, #tpu.memory_space<semaphore_mem>>) src(%dma_wait3A_176 : memref<6400xi32, #tpu.memory_space<hbm>>) dst(%arg6 : memref<6400xi32, #tpu.memory_space<vmem>>)
      tpu.yield
    }) : () -> ()
    "tpu.region"() ({
      %run_scoped3A = tpu.sem_alloc : memref<!tpu.dma_semaphore, #tpu.memory_space<semaphore_mem>>
      tpu.enqueue_dma source(%arg3 : memref<64xf32, #tpu.memory_space<hbm>>) target(%arg7 : memref<64xf32, #tpu.memory_space<vmem>>) target_semaphore(%run_scoped3A : memref<!tpu.dma_semaphore, #tpu.memory_space<semaphore_mem>>)
      tpu.wait_dma2 semaphore(%run_scoped3A : memref<!tpu.dma_semaphore, #tpu.memory_space<semaphore_mem>>) src(%arg3 : memref<64xf32, #tpu.memory_space<hbm>>) dst(%arg7 : memref<64xf32, #tpu.memory_space<vmem>>)
      tpu.yield
    }) : () -> ()
    %get3A = arith.constant 0 : index
    %get3A_5 = tpu.vector_load %arg7[%get3A] {strides = array<i32>} : memref<64xf32, #tpu.memory_space<vmem>>, vector<16xf32>,
    %get3A_6 = arith.constant 16 : index
    %get3A_7 = tpu.vector_load %arg7[%get3A_6] {strides = array<i32>} : memref<64xf32, #tpu.memory_space<vmem>>, vector<16xf32>,
    %get3A_8 = arith.constant 32 : index
    %get3A_9 = tpu.vector_load %arg7[%get3A_8] {strides = array<i32>} : memref<64xf32, #tpu.memory_space<vmem>>, vector<16xf32>,
    %get3A_10 = arith.constant 48 : index
    %get3A_11 = tpu.vector_load %arg7[%get3A_10] {strides = array<i32>} : memref<64xf32, #tpu.memory_space<vmem>>, vector<16xf32>,
    %iota3A = tpu.iota {dimensions = array<i32: 0>} : vector<16xi32>
    %add3A_12 = arith.constant 0 : i32
    %add3A_13 = vector.broadcast %add3A_12 : i32 to vector<16xi32>
    %add3A_14 = arith.addi %iota3A, %add3A_13 : vector<16xi32>
    %iota3A_15 = tpu.iota {dimensions = array<i32: 0>} : vector<16xi32>
    %add3A_16 = arith.constant 16 : i32
    %add3A_17 = vector.broadcast %add3A_16 : i32 to vector<16xi32>
    %add3A_18 = arith.addi %iota3A_15, %add3A_17 : vector<16xi32>
    %iota3A_19 = tpu.iota {dimensions = array<i32: 0>} : vector<16xi32>
    %add3A_20 = arith.constant 32 : i32
    %add3A_21 = vector.broadcast %add3A_20 : i32 to vector<16xi32>
    %add3A_22 = arith.addi %iota3A_19, %add3A_21 : vector<16xi32>
    %iota3A_23 = tpu.iota {dimensions = array<i32: 0>} : vector<16xi32>
    %add3A_24 = arith.constant 48 : i32
    %add3A_25 = vector.broadcast %add3A_24 : i32 to vector<16xi32>
    %add3A_26 = arith.addi %iota3A_23, %add3A_25 : vector<16xi32>
    %dma_start3A = arith.constant 0 : i32
    %dma_start3A_27 = arith.constant 0 : i32
    %dma_start3A_28 = arith.constant 0 : i32
    %dma_start3A_29 = arith.constant 0 : i32
    %dma_start3A_30 = tpu.memref_slice %arg8[%dma_start3A, %dma_start3A_28, %dma_start3A_29] : memref<5x128x64xf32, #tpu.memory_space<vmem>> -> memref<1x128x64xf32, #tpu.memory_space<vmem>>
    %dma_start3A_31 = tpu.memref_squeeze %dma_start3A_30 : memref<1x128x64xf32, #tpu.memory_space<vmem>> -> memref<128x64xf32, #tpu.memory_space<vmem>>
    %dma_start3A_32 = arith.constant 0 : i32
    %dma_start3A_33 = tpu.memref_slice %arg6[%dma_start3A_32] : memref<6400xi32, #tpu.memory_space<vmem>> -> memref<128xi32, #tpu.memory_space<vmem>>
    %dma_start3A_34 = arith.constant 0 : i32
    %dma_start3A_35 = arith.constant 0 : i32
    %dma_start3A_36 = tpu.memref_slice %arg4[%dma_start3A_34, %dma_start3A_35] : memref<1000000x64xf32, #tpu.memory_space<hbm>> -> memref<1000000x64xf32, #tpu.memory_space<hbm>>
    %dma_start3A_37 = tpu.memref_slice %arg10[%dma_start3A_27] : memref<5x!tpu.dma_semaphore, #tpu.memory_space<semaphore_mem>> -> memref<1x!tpu.dma_semaphore, #tpu.memory_space<semaphore_mem>>
    %dma_start3A_38 = tpu.memref_squeeze %dma_start3A_37 : memref<1x!tpu.dma_semaphore, #tpu.memory_space<semaphore_mem>> -> memref<!tpu.dma_semaphore, #tpu.memory_space<semaphore_mem>>
    tpu.enqueue_indirect_dma source(%dma_start3A_36 : memref<1000000x64xf32, #tpu.memory_space<hbm>>) target(%dma_start3A_31 : memref<128x64xf32, #tpu.memory_space<vmem>>) offsets(%dma_start3A_33 : memref<128xi32, #tpu.memory_space<vmem>>) semaphore(%dma_start3A_38 : memref<!tpu.dma_semaphore, #tpu.memory_space<semaphore_mem>>)
    %dma_start3A_39 = arith.constant 1 : i32
    %dma_start3A_40 = arith.constant 1 : i32
    %dma_start3A_41 = arith.constant 0 : i32
    %dma_start3A_42 = arith.constant 0 : i32
    %dma_start3A_43 = tpu.memref_slice %arg8[%dma_start3A_39, %dma_start3A_41, %dma_start3A_42] : memref<5x128x64xf32, #tpu.memory_space<vmem>> -> memref<1x128x64xf32, #tpu.memory_space<vmem>>
    %dma_start3A_44 = tpu.memref_squeeze %dma_start3A_43 : memref<1x128x64xf32, #tpu.memory_space<vmem>> -> memref<128x64xf32, #tpu.memory_space<vmem>>
    %dma_start3A_45 = arith.constant 128 : i32
    %dma_start3A_46 = tpu.memref_slice %arg6[%dma_start3A_45] : memref<6400xi32, #tpu.memory_space<vmem>> -> memref<128xi32, #tpu.memory_space<vmem>>
    %dma_start3A_47 = arith.constant 0 : i32
    %dma_start3A_48 = arith.constant 0 : i32
    %dma_start3A_49 = tpu.memref_slice %arg4[%dma_start3A_47, %dma_start3A_48] : memref<1000000x64xf32, #tpu.memory_space<hbm>> -> memref<1000000x64xf32, #tpu.memory_space<hbm>>
    %dma_start3A_50 = tpu.memref_slice %arg10[%dma_start3A_40] : memref<5x!tpu.dma_semaphore, #tpu.memory_space<semaphore_mem>> -> memref<1x!tpu.dma_semaphore, #tpu.memory_space<semaphore_mem>>
    %dma_start3A_51 = tpu.memref_squeeze %dma_start3A_50 : memref<1x!tpu.dma_semaphore, #tpu.memory_space<semaphore_mem>> -> memref<!tpu.dma_semaphore, #tpu.memory_space<semaphore_mem>>
    tpu.enqueue_indirect_dma source(%dma_start3A_49 : memref<1000000x64xf32, #tpu.memory_space<hbm>>) target(%dma_start3A_44 : memref<128x64xf32, #tpu.memory_space<vmem>>) offsets(%dma_start3A_46 : memref<128xi32, #tpu.memory_space<vmem>>) semaphore(%dma_start3A_51 : memref<!tpu.dma_semaphore, #tpu.memory_space<semaphore_mem>>)
    %dma_start3A_52 = arith.constant 2 : i32
    %dma_start3A_53 = arith.constant 2 : i32
    %dma_start3A_54 = arith.constant 0 : i32
    %dma_start3A_55 = arith.constant 0 : i32
    %dma_start3A_56 = tpu.memref_slice %arg8[%dma_start3A_52, %dma_start3A_54, %dma_start3A_55] : memref<5x128x64xf32, #tpu.memory_space<vmem>> -> memref<1x128x64xf32, #tpu.memory_space<vmem>>
    %dma_start3A_57 = tpu.memref_squeeze %dma_start3A_56 : memref<1x128x64xf32, #tpu.memory_space<vmem>> -> memref<128x64xf32, #tpu.memory_space<vmem>>
    %dma_start3A_58 = arith.constant 256 : i32
    %dma_start3A_59 = tpu.memref_slice %arg6[%dma_start3A_58] : memref<6400xi32, #tpu.memory_space<vmem>> -> memref<128xi32, #tpu.memory_space<vmem>>
    %dma_start3A_60 = arith.constant 0 : i32
    %dma_start3A_61 = arith.constant 0 : i32
    %dma_start3A_62 = tpu.memref_slice %arg4[%dma_start3A_60, %dma_start3A_61] : memref<1000000x64xf32, #tpu.memory_space<hbm>> -> memref<1000000x64xf32, #tpu.memory_space<hbm>>
    %dma_start3A_63 = tpu.memref_slice %arg10[%dma_start3A_53] : memref<5x!tpu.dma_semaphore, #tpu.memory_space<semaphore_mem>> -> memref<1x!tpu.dma_semaphore, #tpu.memory_space<semaphore_mem>>
    %dma_start3A_64 = tpu.memref_squeeze %dma_start3A_63 : memref<1x!tpu.dma_semaphore, #tpu.memory_space<semaphore_mem>> -> memref<!tpu.dma_semaphore, #tpu.memory_space<semaphore_mem>>
    tpu.enqueue_indirect_dma source(%dma_start3A_62 : memref<1000000x64xf32, #tpu.memory_space<hbm>>) target(%dma_start3A_57 : memref<128x64xf32, #tpu.memory_space<vmem>>) offsets(%dma_start3A_59 : memref<128xi32, #tpu.memory_space<vmem>>) semaphore(%dma_start3A_64 : memref<!tpu.dma_semaphore, #tpu.memory_space<semaphore_mem>>)
    %scan3A = arith.constant 0 : i32
    %scan3A_65 = arith.constant 10 : i32
    %scan3A_66 = arith.addi %scan3A, %scan3A_65 : i32
    %scan3A_67 = arith.constant 1 : i32
    scf.for %scan3A_173 = %scan3A to %scan3A_66 step %scan3A_67  : i32 {
      %mul3A_174 = arith.constant 5 : i32
      %mul3A_175 = arith.muli %scan3A_173, %mul3A_174 : i32
      %add3A_176 = arith.constant 0 : i32
      %add3A_177 = arith.addi %add3A_176, %mul3A_175 : i32
      %add3A_178 = arith.constant 0 : i32
      %add3A_179 = arith.addi %add3A_177, %add3A_178 : i32
      %add3A_180 = arith.constant 3 : i32
      %add3A_181 = arith.addi %add3A_179, %add3A_180 : i32
      %lt3A = arith.constant 50 : i32
      %lt3A_182 = arith.cmpi slt, %add3A_181, %lt3A : i32
      %convert_element_type3A = arith.extui %lt3A_182 : i1 to i32
      %cond3A = arith.constant 0 : i32
      %cond3A_183 = arith.cmpi ne, %convert_element_type3A, %cond3A : i32
      scf.if %cond3A_183 {
        %mul3A_619 = arith.constant 128 : i32
        %mul3A_620 = arith.muli %add3A_181, %mul3A_619 : i32
        %dma_start3A_621 = arith.constant 3 : i32
        %dma_start3A_622 = arith.constant 3 : i32
        %dma_start3A_623 = arith.constant 0 : i32
        %dma_start3A_624 = arith.constant 0 : i32
        %dma_start3A_625 = tpu.memref_slice %arg8[%dma_start3A_621, %dma_start3A_623, %dma_start3A_624] : memref<5x128x64xf32, #tpu.memory_space<vmem>> -> memref<1x128x64xf32, #tpu.memory_space<vmem>>
        %dma_start3A_626 = tpu.memref_squeeze %dma_start3A_625 : memref<1x128x64xf32, #tpu.memory_space<vmem>> -> memref<128x64xf32, #tpu.memory_space<vmem>>
        %dma_start3A_627 = tpu.memref_slice %arg6[%mul3A_620] : memref<6400xi32, #tpu.memory_space<vmem>> -> memref<128xi32, #tpu.memory_space<vmem>>
        %dma_start3A_628 = arith.constant 0 : i32
        %dma_start3A_629 = arith.constant 0 : i32
        %dma_start3A_630 = tpu.memref_slice %arg4[%dma_start3A_628, %dma_start3A_629] : memref<1000000x64xf32, #tpu.memory_space<hbm>> -> memref<1000000x64xf32, #tpu.memory_space<hbm>>
        %dma_start3A_631 = tpu.memref_slice %arg10[%dma_start3A_622] : memref<5x!tpu.dma_semaphore, #tpu.memory_space<semaphore_mem>> -> memref<1x!tpu.dma_semaphore, #tpu.memory_space<semaphore_mem>>
        %dma_start3A_632 = tpu.memref_squeeze %dma_start3A_631 : memref<1x!tpu.dma_semaphore, #tpu.memory_space<semaphore_mem>> -> memref<!tpu.dma_semaphore, #tpu.memory_space<semaphore_mem>>
        tpu.enqueue_indirect_dma source(%dma_start3A_630 : memref<1000000x64xf32, #tpu.memory_space<hbm>>) target(%dma_start3A_626 : memref<128x64xf32, #tpu.memory_space<vmem>>) offsets(%dma_start3A_627 : memref<128xi32, #tpu.memory_space<vmem>>) semaphore(%dma_start3A_632 : memref<!tpu.dma_semaphore, #tpu.memory_space<semaphore_mem>>)
      } else {
      }
      %dma_wait3A_184 = arith.constant 0 : i32
      %dma_wait3A_185 = arith.constant 0 : i32
      %dma_wait3A_186 = arith.constant 0 : i32
      %dma_wait3A_187 = arith.constant 0 : i32
      %dma_wait3A_188 = tpu.memref_slice %arg8[%dma_wait3A_184, %dma_wait3A_186, %dma_wait3A_187] : memref<5x128x64xf32, #tpu.memory_space<vmem>> -> memref<1x128x64xf32, #tpu.memory_space<vmem>>
      %dma_wait3A_189 = tpu.memref_squeeze %dma_wait3A_188 : memref<1x128x64xf32, #tpu.memory_space<vmem>> -> memref<128x64xf32, #tpu.memory_space<vmem>>
      %dma_wait3A_190 = arith.constant 0 : i32
      %dma_wait3A_191 = tpu.memref_slice %arg6[%dma_wait3A_190] : memref<6400xi32, #tpu.memory_space<vmem>> -> memref<128xi32, #tpu.memory_space<vmem>>
      %dma_wait3A_192 = arith.constant 0 : i32
      %dma_wait3A_193 = arith.constant 0 : i32
      %dma_wait3A_194 = tpu.memref_slice %arg4[%dma_wait3A_192, %dma_wait3A_193] : memref<1000000x64xf32, #tpu.memory_space<hbm>> -> memref<1000000x64xf32, #tpu.memory_space<hbm>>
      %dma_wait3A_195 = tpu.memref_slice %arg10[%dma_wait3A_185] : memref<5x!tpu.dma_semaphore, #tpu.memory_space<semaphore_mem>> -> memref<1x!tpu.dma_semaphore, #tpu.memory_space<semaphore_mem>>
      %dma_wait3A_196 = tpu.memref_squeeze %dma_wait3A_195 : memref<1x!tpu.dma_semaphore, #tpu.memory_space<semaphore_mem>> -> memref<!tpu.dma_semaphore, #tpu.memory_space<semaphore_mem>>
      tpu.wait_indirect_dma semaphore(%dma_wait3A_196 : memref<!tpu.dma_semaphore, #tpu.memory_space<semaphore_mem>>) src(%dma_wait3A_194 : memref<1000000x64xf32, #tpu.memory_space<hbm>>) dst(%dma_wait3A_189 : memref<128x64xf32, #tpu.memory_space<vmem>>)
      %ge3A = arith.constant 5 : i32
      %ge3A_197 = arith.cmpi sge, %add3A_179, %ge3A : i32
      %convert_element_type3A_198 = arith.extui %ge3A_197 : i1 to i32
      %cond3A_199 = arith.constant 0 : i32
      %cond3A_200 = arith.cmpi ne, %convert_element_type3A_198, %cond3A_199 : i32
      scf.if %cond3A_200 {
        %dma_wait3A_619 = arith.constant 0 : i32
        %dma_wait3A_620 = arith.constant 0 : i32
        %dma_wait3A_621 = arith.constant 0 : i32
        %dma_wait3A_622 = arith.constant 0 : i32
        %dma_wait3A_623 = arith.constant 0 : i32
        %dma_wait3A_624 = tpu.memref_slice %arg9[%dma_wait3A_619, %dma_wait3A_622, %dma_wait3A_623] : memref<5x64x129xf32, #tpu.memory_space<vmem>> -> memref<1x64x128xf32, #tpu.memory_space<vmem>>
        %dma_wait3A_625 = tpu.memref_squeeze %dma_wait3A_624 : memref<1x64x128xf32, #tpu.memory_space<vmem>> -> memref<64x128xf32, #tpu.memory_space<vmem>>
        %dma_wait3A_626 = arith.constant 0 : i32
        %dma_wait3A_627 = arith.constant 0 : i32
        %dma_wait3A_628 = tpu.memref_slice %arg5[%dma_wait3A_620, %dma_wait3A_626, %dma_wait3A_627] : memref<200x64x1024xf32, #tpu.memory_space<hbm>> -> memref<1x64x128xf32, #tpu.memory_space<hbm>>
        %dma_wait3A_629 = tpu.memref_squeeze %dma_wait3A_628 : memref<1x64x128xf32, #tpu.memory_space<hbm>> -> memref<64x128xf32, #tpu.memory_space<hbm>>
        %dma_wait3A_630 = tpu.memref_slice %arg11[%dma_wait3A_621] : memref<5x!tpu.dma_semaphore, #tpu.memory_space<semaphore_mem>> -> memref<1x!tpu.dma_semaphore, #tpu.memory_space<semaphore_mem>>
        %dma_wait3A_631 = tpu.memref_squeeze %dma_wait3A_630 : memref<1x!tpu.dma_semaphore, #tpu.memory_space<semaphore_mem>> -> memref<!tpu.dma_semaphore, #tpu.memory_space<semaphore_mem>>
        %dma_wait3A_632 = arith.constant 0 : i32
        %dma_wait3A_633 = arith.constant 0 : i32
        %dma_wait3A_634 = tpu.memref_slice %arg5[%dma_wait3A_620, %dma_wait3A_632, %dma_wait3A_633] : memref<200x64x1024xf32, #tpu.memory_space<hbm>> -> memref<1x64x128xf32, #tpu.memory_space<hbm>>
        %dma_wait3A_635 = tpu.memref_squeeze %dma_wait3A_634 : memref<1x64x128xf32, #tpu.memory_space<hbm>> -> memref<64x128xf32, #tpu.memory_space<hbm>>
        %dma_wait3A_636 = arith.constant 0 : i32
        %dma_wait3A_637 = arith.constant 0 : i32
        %dma_wait3A_638 = tpu.memref_slice %arg9[%dma_wait3A_619, %dma_wait3A_636, %dma_wait3A_637] : memref<5x64x129xf32, #tpu.memory_space<vmem>> -> memref<1x64x128xf32, #tpu.memory_space<vmem>>
        %dma_wait3A_639 = tpu.memref_squeeze %dma_wait3A_638 : memref<1x64x128xf32, #tpu.memory_space<vmem>> -> memref<64x128xf32, #tpu.memory_space<vmem>>
        tpu.wait_dma2 semaphore(%dma_wait3A_631 : memref<!tpu.dma_semaphore, #tpu.memory_space<semaphore_mem>>) src(%dma_wait3A_639 : memref<64x128xf32, #tpu.memory_space<vmem>>) dst(%dma_wait3A_635 : memref<64x128xf32, #tpu.memory_space<hbm>>)
      } else {
      }
      %parallel_loop3A = arith.constant 0 : i32
      %parallel_loop3A_201 = arith.constant 128 : i32
      %parallel_loop3A_202 = arith.constant 1 : i32
      scf.for %parallel_loop3A_619 = %parallel_loop3A to %parallel_loop3A_201 step %parallel_loop3A_202  : i32 {
        %parallel_loop3A_620 = vector.broadcast %parallel_loop3A_619 : i32 to vector<16xi32>
        %parallel_loop3A_621 = arith.constant 0 : i32
        %parallel_loop3A_622 = arith.index_cast %parallel_loop3A_621 : i32 to index
        %parallel_loop3A_623 = arith.index_cast %parallel_loop3A_619 : i32 to index
        %parallel_loop3A_624 = arith.constant 0 : index
        %parallel_loop3A_625 = tpu.vector_load %arg8[%parallel_loop3A_622, %parallel_loop3A_623, %parallel_loop3A_624] {strides = array<i32>} : memref<5x128x64xf32, #tpu.memory_space<vmem>>, vector<16xf32>,
        %parallel_loop3A_626 = arith.addf %parallel_loop3A_625, %get3A_5 : vector<16xf32>
        %parallel_loop3A_627 = arith.constant 0 : i32
        %parallel_loop3A_628 = arith.constant 0 : i32
        %parallel_loop3A_629 = arith.constant 0 : i32
        %parallel_loop3A_630 = tpu.memref_slice %arg9[%parallel_loop3A_627, %parallel_loop3A_628, %parallel_loop3A_629] : memref<5x64x129xf32, #tpu.memory_space<vmem>> -> memref<1x64x129xf32, #tpu.memory_space<vmem>>
        %parallel_loop3A_631 = tpu.memref_squeeze %parallel_loop3A_630 : memref<1x64x129xf32, #tpu.memory_space<vmem>> -> memref<64x129xf32, #tpu.memory_space<vmem>>
        tpu.vector_store_idx %parallel_loop3A_631[%add3A_14, %parallel_loop3A_620], %parallel_loop3A_626 : memref<64x129xf32, #tpu.memory_space<vmem>>[vector<16xi32>, vector<16xi32>], vector<16xf32>,
        %parallel_loop3A_632 = arith.constant 0 : i32
        %parallel_loop3A_633 = arith.index_cast %parallel_loop3A_632 : i32 to index
        %parallel_loop3A_634 = arith.index_cast %parallel_loop3A_619 : i32 to index
        %parallel_loop3A_635 = arith.constant 16 : index
        %parallel_loop3A_636 = tpu.vector_load %arg8[%parallel_loop3A_633, %parallel_loop3A_634, %parallel_loop3A_635] {strides = array<i32>} : memref<5x128x64xf32, #tpu.memory_space<vmem>>, vector<16xf32>,
        %parallel_loop3A_637 = arith.addf %parallel_loop3A_636, %get3A_7 : vector<16xf32>
        %parallel_loop3A_638 = arith.constant 0 : i32
        %parallel_loop3A_639 = arith.constant 0 : i32
        %parallel_loop3A_640 = arith.constant 0 : i32
        %parallel_loop3A_641 = tpu.memref_slice %arg9[%parallel_loop3A_638, %parallel_loop3A_639, %parallel_loop3A_640] : memref<5x64x129xf32, #tpu.memory_space<vmem>> -> memref<1x64x129xf32, #tpu.memory_space<vmem>>
        %parallel_loop3A_642 = tpu.memref_squeeze %parallel_loop3A_641 : memref<1x64x129xf32, #tpu.memory_space<vmem>> -> memref<64x129xf32, #tpu.memory_space<vmem>>
        tpu.vector_store_idx %parallel_loop3A_642[%add3A_18, %parallel_loop3A_620], %parallel_loop3A_637 : memref<64x129xf32, #tpu.memory_space<vmem>>[vector<16xi32>, vector<16xi32>], vector<16xf32>,
        %parallel_loop3A_643 = arith.constant 0 : i32
        %parallel_loop3A_644 = arith.index_cast %parallel_loop3A_643 : i32 to index
        %parallel_loop3A_645 = arith.index_cast %parallel_loop3A_619 : i32 to index
        %parallel_loop3A_646 = arith.constant 32 : index
        %parallel_loop3A_647 = tpu.vector_load %arg8[%parallel_loop3A_644, %parallel_loop3A_645, %parallel_loop3A_646] {strides = array<i32>} : memref<5x128x64xf32, #tpu.memory_space<vmem>>, vector<16xf32>,
        %parallel_loop3A_648 = arith.addf %parallel_loop3A_647, %get3A_9 : vector<16xf32>
        %parallel_loop3A_649 = arith.constant 0 : i32
        %parallel_loop3A_650 = arith.constant 0 : i32
        %parallel_loop3A_651 = arith.constant 0 : i32
        %parallel_loop3A_652 = tpu.memref_slice %arg9[%parallel_loop3A_649, %parallel_loop3A_650, %parallel_loop3A_651] : memref<5x64x129xf32, #tpu.memory_space<vmem>> -> memref<1x64x129xf32, #tpu.memory_space<vmem>>
        %parallel_loop3A_653 = tpu.memref_squeeze %parallel_loop3A_652 : memref<1x64x129xf32, #tpu.memory_space<vmem>> -> memref<64x129xf32, #tpu.memory_space<vmem>>
        tpu.vector_store_idx %parallel_loop3A_653[%add3A_22, %parallel_loop3A_620], %parallel_loop3A_648 : memref<64x129xf32, #tpu.memory_space<vmem>>[vector<16xi32>, vector<16xi32>], vector<16xf32>,
        %parallel_loop3A_654 = arith.constant 0 : i32
        %parallel_loop3A_655 = arith.index_cast %parallel_loop3A_654 : i32 to index
        %parallel_loop3A_656 = arith.index_cast %parallel_loop3A_619 : i32 to index
        %parallel_loop3A_657 = arith.constant 48 : index
        %parallel_loop3A_658 = tpu.vector_load %arg8[%parallel_loop3A_655, %parallel_loop3A_656, %parallel_loop3A_657] {strides = array<i32>} : memref<5x128x64xf32, #tpu.memory_space<vmem>>, vector<16xf32>,
        %parallel_loop3A_659 = arith.addf %parallel_loop3A_658, %get3A_11 : vector<16xf32>
        %parallel_loop3A_660 = arith.constant 0 : i32
        %parallel_loop3A_661 = arith.constant 0 : i32
        %parallel_loop3A_662 = arith.constant 0 : i32
        %parallel_loop3A_663 = tpu.memref_slice %arg9[%parallel_loop3A_660, %parallel_loop3A_661, %parallel_loop3A_662] : memref<5x64x129xf32, #tpu.memory_space<vmem>> -> memref<1x64x129xf32, #tpu.memory_space<vmem>>
        %parallel_loop3A_664 = tpu.memref_squeeze %parallel_loop3A_663 : memref<1x64x129xf32, #tpu.memory_space<vmem>> -> memref<64x129xf32, #tpu.memory_space<vmem>>
        tpu.vector_store_idx %parallel_loop3A_664[%add3A_26, %parallel_loop3A_620], %parallel_loop3A_659 : memref<64x129xf32, #tpu.memory_space<vmem>>[vector<16xi32>, vector<16xi32>], vector<16xf32>,
      } {sc.loop_unroll_factor = 4 : i64, sc.parallel_access}
      %add3A_203 = arith.addi %mul3A_2, %add3A_179 : i32
      %jit3A = arith.constant 8 : i32
      %div3A = arith.divsi %add3A_203, %jit3A : i32
      %sign3A = arith.constant 0 : i32
      %sign3A_204 = arith.cmpi sgt, %add3A_203, %sign3A : i32
      %sign3A_205 = arith.extui %sign3A_204 : i1 to i32
      %sign3A_206 = arith.constant 0 : i32
      %sign3A_207 = arith.cmpi slt, %add3A_203, %sign3A_206 : i32
      %sign3A_208 = arith.extui %sign3A_207 : i1 to i32
      %sign3A_209 = arith.subi %sign3A_205, %sign3A_208 : i32
      %sign3A_210 = arith.constant 0 : i32
      %sign3A_211 = arith.cmpi sgt, %jit3A, %sign3A_210 : i32
      %sign3A_212 = arith.extui %sign3A_211 : i1 to i32
      %sign3A_213 = arith.constant 0 : i32
      %sign3A_214 = arith.cmpi slt, %jit3A, %sign3A_213 : i32
      %sign3A_215 = arith.extui %sign3A_214 : i1 to i32
      %sign3A_216 = arith.subi %sign3A_212, %sign3A_215 : i32
      %ne3A = arith.cmpi ne, %sign3A_209, %sign3A_216 : i32
      %rem3A = arith.remsi %add3A_203, %jit3A : i32
      %ne3A_217 = arith.constant 0 : i32
      %ne3A_218 = arith.cmpi ne, %rem3A, %ne3A_217 : i32
      %and3A = arith.andi %ne3A, %ne3A_218 : i1
      %sub3A = arith.constant 1 : i32
      %sub3A_219 = arith.subi %div3A, %sub3A : i32
      %select_n3A = arith.select %and3A, %sub3A_219, %div3A : i32
      %jit3A_220 = arith.constant 8 : i32
      %eq3A = arith.constant 0 : i32
      %eq3A_221 = arith.cmpi eq, %jit3A_220, %eq3A : i32
      %jit3A_222 = arith.constant 1 : i32
      %select_n3A_223 = arith.select %eq3A_221, %jit3A_222, %jit3A_220 : i32
      %rem3A_224 = arith.remsi %add3A_203, %select_n3A_223 : i32
      %ne3A_225 = arith.constant 0 : i32
      %ne3A_226 = arith.cmpi ne, %rem3A_224, %ne3A_225 : i32
      %lt3A_227 = arith.constant 0 : i32
      %lt3A_228 = arith.cmpi slt, %rem3A_224, %lt3A_227 : i32
      %lt3A_229 = arith.constant 0 : i32
      %lt3A_230 = arith.cmpi slt, %select_n3A_223, %lt3A_229 : i32
      %ne3A_231 = arith.xori %lt3A_228, %lt3A_230 : i1
      %and3A_232 = arith.andi %ne3A_231, %ne3A_226 : i1
      %add3A_233 = arith.addi %rem3A_224, %select_n3A_223 : i32
      %select_n3A_234 = arith.select %and3A_232, %add3A_233, %rem3A_224 : i32
      %mul3A_235 = arith.constant 128 : i32
      %mul3A_236 = arith.muli %select_n3A_234, %mul3A_235 : i32
      %dma_start3A_237 = arith.constant 0 : i32
      %dma_start3A_238 = arith.constant 0 : i32
      %dma_start3A_239 = arith.constant 0 : i32
      %dma_start3A_240 = arith.constant 0 : i32
      %dma_start3A_241 = tpu.memref_slice %arg9[%dma_start3A_237, %dma_start3A_239, %dma_start3A_240] : memref<5x64x129xf32, #tpu.memory_space<vmem>> -> memref<1x64x128xf32, #tpu.memory_space<vmem>>
      %dma_start3A_242 = tpu.memref_squeeze %dma_start3A_241 : memref<1x64x128xf32, #tpu.memory_space<vmem>> -> memref<64x128xf32, #tpu.memory_space<vmem>>
      %dma_start3A_243 = arith.constant 0 : i32
      %dma_start3A_244 = tpu.memref_slice %arg5[%select_n3A, %dma_start3A_243, %mul3A_236] : memref<200x64x1024xf32, #tpu.memory_space<hbm>> -> memref<1x64x128xf32, #tpu.memory_space<hbm>>
      %dma_start3A_245 = tpu.memref_squeeze %dma_start3A_244 : memref<1x64x128xf32, #tpu.memory_space<hbm>> -> memref<64x128xf32, #tpu.memory_space<hbm>>
      %dma_start3A_246 = tpu.memref_slice %arg11[%dma_start3A_238] : memref<5x!tpu.dma_semaphore, #tpu.memory_space<semaphore_mem>> -> memref<1x!tpu.dma_semaphore, #tpu.memory_space<semaphore_mem>>
      %dma_start3A_247 = tpu.memref_squeeze %dma_start3A_246 : memref<1x!tpu.dma_semaphore, #tpu.memory_space<semaphore_mem>> -> memref<!tpu.dma_semaphore, #tpu.memory_space<semaphore_mem>>
      %dma_start3A_248 = arith.constant 0 : i32
      %dma_start3A_249 = tpu.memref_slice %arg5[%select_n3A, %dma_start3A_248, %mul3A_236] : memref<200x64x1024xf32, #tpu.memory_space<hbm>> -> memref<1x64x128xf32, #tpu.memory_space<hbm>>
      %dma_start3A_250 = tpu.memref_squeeze %dma_start3A_249 : memref<1x64x128xf32, #tpu.memory_space<hbm>> -> memref<64x128xf32, #tpu.memory_space<hbm>>
      %dma_start3A_251 = arith.constant 0 : i32
      %dma_start3A_252 = arith.constant 0 : i32
      %dma_start3A_253 = tpu.memref_slice %arg9[%dma_start3A_237, %dma_start3A_251, %dma_start3A_252] : memref<5x64x129xf32, #tpu.memory_space<vmem>> -> memref<1x64x128xf32, #tpu.memory_space<vmem>>
      %dma_start3A_254 = tpu.memref_squeeze %dma_start3A_253 : memref<1x64x128xf32, #tpu.memory_space<vmem>> -> memref<64x128xf32, #tpu.memory_space<vmem>>
      tpu.enqueue_dma source(%dma_start3A_254 : memref<64x128xf32, #tpu.memory_space<vmem>>) target(%dma_start3A_250 : memref<64x128xf32, #tpu.memory_space<hbm>>) target_semaphore(%dma_start3A_247 : memref<!tpu.dma_semaphore, #tpu.memory_space<semaphore_mem>>)
      %add3A_255 = arith.constant 1 : i32
      %add3A_256 = arith.addi %add3A_177, %add3A_255 : i32
      %add3A_257 = arith.constant 3 : i32
      %add3A_258 = arith.addi %add3A_256, %add3A_257 : i32
      %lt3A_259 = arith.constant 50 : i32
      %lt3A_260 = arith.cmpi slt, %add3A_258, %lt3A_259 : i32
      %convert_element_type3A_261 = arith.extui %lt3A_260 : i1 to i32
      %cond3A_262 = arith.constant 0 : i32
      %cond3A_263 = arith.cmpi ne, %convert_element_type3A_261, %cond3A_262 : i32
      scf.if %cond3A_263 {
        %mul3A_619 = arith.constant 128 : i32
        %mul3A_620 = arith.muli %add3A_258, %mul3A_619 : i32
        %dma_start3A_621 = arith.constant 4 : i32
        %dma_start3A_622 = arith.constant 4 : i32
        %dma_start3A_623 = arith.constant 0 : i32
        %dma_start3A_624 = arith.constant 0 : i32
        %dma_start3A_625 = tpu.memref_slice %arg8[%dma_start3A_621, %dma_start3A_623, %dma_start3A_624] : memref<5x128x64xf32, #tpu.memory_space<vmem>> -> memref<1x128x64xf32, #tpu.memory_space<vmem>>
        %dma_start3A_626 = tpu.memref_squeeze %dma_start3A_625 : memref<1x128x64xf32, #tpu.memory_space<vmem>> -> memref<128x64xf32, #tpu.memory_space<vmem>>
        %dma_start3A_627 = tpu.memref_slice %arg6[%mul3A_620] : memref<6400xi32, #tpu.memory_space<vmem>> -> memref<128xi32, #tpu.memory_space<vmem>>
        %dma_start3A_628 = arith.constant 0 : i32
        %dma_start3A_629 = arith.constant 0 : i32
        %dma_start3A_630 = tpu.memref_slice %arg4[%dma_start3A_628, %dma_start3A_629] : memref<1000000x64xf32, #tpu.memory_space<hbm>> -> memref<1000000x64xf32, #tpu.memory_space<hbm>>
        %dma_start3A_631 = tpu.memref_slice %arg10[%dma_start3A_622] : memref<5x!tpu.dma_semaphore, #tpu.memory_space<semaphore_mem>> -> memref<1x!tpu.dma_semaphore, #tpu.memory_space<semaphore_mem>>
        %dma_start3A_632 = tpu.memref_squeeze %dma_start3A_631 : memref<1x!tpu.dma_semaphore, #tpu.memory_space<semaphore_mem>> -> memref<!tpu.dma_semaphore, #tpu.memory_space<semaphore_mem>>
        tpu.enqueue_indirect_dma source(%dma_start3A_630 : memref<1000000x64xf32, #tpu.memory_space<hbm>>) target(%dma_start3A_626 : memref<128x64xf32, #tpu.memory_space<vmem>>) offsets(%dma_start3A_627 : memref<128xi32, #tpu.memory_space<vmem>>) semaphore(%dma_start3A_632 : memref<!tpu.dma_semaphore, #tpu.memory_space<semaphore_mem>>)
      } else {
      }
      %dma_wait3A_264 = arith.constant 1 : i32
      %dma_wait3A_265 = arith.constant 1 : i32
      %dma_wait3A_266 = arith.constant 0 : i32
      %dma_wait3A_267 = arith.constant 0 : i32
      %dma_wait3A_268 = tpu.memref_slice %arg8[%dma_wait3A_264, %dma_wait3A_266, %dma_wait3A_267] : memref<5x128x64xf32, #tpu.memory_space<vmem>> -> memref<1x128x64xf32, #tpu.memory_space<vmem>>
      %dma_wait3A_269 = tpu.memref_squeeze %dma_wait3A_268 : memref<1x128x64xf32, #tpu.memory_space<vmem>> -> memref<128x64xf32, #tpu.memory_space<vmem>>
      %dma_wait3A_270 = arith.constant 0 : i32
      %dma_wait3A_271 = tpu.memref_slice %arg6[%dma_wait3A_270] : memref<6400xi32, #tpu.memory_space<vmem>> -> memref<128xi32, #tpu.memory_space<vmem>>
      %dma_wait3A_272 = arith.constant 0 : i32
      %dma_wait3A_273 = arith.constant 0 : i32
      %dma_wait3A_274 = tpu.memref_slice %arg4[%dma_wait3A_272, %dma_wait3A_273] : memref<1000000x64xf32, #tpu.memory_space<hbm>> -> memref<1000000x64xf32, #tpu.memory_space<hbm>>
      %dma_wait3A_275 = tpu.memref_slice %arg10[%dma_wait3A_265] : memref<5x!tpu.dma_semaphore, #tpu.memory_space<semaphore_mem>> -> memref<1x!tpu.dma_semaphore, #tpu.memory_space<semaphore_mem>>
      %dma_wait3A_276 = tpu.memref_squeeze %dma_wait3A_275 : memref<1x!tpu.dma_semaphore, #tpu.memory_space<semaphore_mem>> -> memref<!tpu.dma_semaphore, #tpu.memory_space<semaphore_mem>>
      tpu.wait_indirect_dma semaphore(%dma_wait3A_276 : memref<!tpu.dma_semaphore, #tpu.memory_space<semaphore_mem>>) src(%dma_wait3A_274 : memref<1000000x64xf32, #tpu.memory_space<hbm>>) dst(%dma_wait3A_269 : memref<128x64xf32, #tpu.memory_space<vmem>>)
      %ge3A_277 = arith.constant 5 : i32
      %ge3A_278 = arith.cmpi sge, %add3A_256, %ge3A_277 : i32
      %convert_element_type3A_279 = arith.extui %ge3A_278 : i1 to i32
      %cond3A_280 = arith.constant 0 : i32
      %cond3A_281 = arith.cmpi ne, %convert_element_type3A_279, %cond3A_280 : i32
      scf.if %cond3A_281 {
        %dma_wait3A_619 = arith.constant 1 : i32
        %dma_wait3A_620 = arith.constant 0 : i32
        %dma_wait3A_621 = arith.constant 1 : i32
        %dma_wait3A_622 = arith.constant 0 : i32
        %dma_wait3A_623 = arith.constant 0 : i32
        %dma_wait3A_624 = tpu.memref_slice %arg9[%dma_wait3A_619, %dma_wait3A_622, %dma_wait3A_623] : memref<5x64x129xf32, #tpu.memory_space<vmem>> -> memref<1x64x128xf32, #tpu.memory_space<vmem>>
        %dma_wait3A_625 = tpu.memref_squeeze %dma_wait3A_624 : memref<1x64x128xf32, #tpu.memory_space<vmem>> -> memref<64x128xf32, #tpu.memory_space<vmem>>
        %dma_wait3A_626 = arith.constant 0 : i32
        %dma_wait3A_627 = arith.constant 0 : i32
        %dma_wait3A_628 = tpu.memref_slice %arg5[%dma_wait3A_620, %dma_wait3A_626, %dma_wait3A_627] : memref<200x64x1024xf32, #tpu.memory_space<hbm>> -> memref<1x64x128xf32, #tpu.memory_space<hbm>>
        %dma_wait3A_629 = tpu.memref_squeeze %dma_wait3A_628 : memref<1x64x128xf32, #tpu.memory_space<hbm>> -> memref<64x128xf32, #tpu.memory_space<hbm>>
        %dma_wait3A_630 = tpu.memref_slice %arg11[%dma_wait3A_621] : memref<5x!tpu.dma_semaphore, #tpu.memory_space<semaphore_mem>> -> memref<1x!tpu.dma_semaphore, #tpu.memory_space<semaphore_mem>>
        %dma_wait3A_631 = tpu.memref_squeeze %dma_wait3A_630 : memref<1x!tpu.dma_semaphore, #tpu.memory_space<semaphore_mem>> -> memref<!tpu.dma_semaphore, #tpu.memory_space<semaphore_mem>>
        %dma_wait3A_632 = arith.constant 0 : i32
        %dma_wait3A_633 = arith.constant 0 : i32
        %dma_wait3A_634 = tpu.memref_slice %arg5[%dma_wait3A_620, %dma_wait3A_632, %dma_wait3A_633] : memref<200x64x1024xf32, #tpu.memory_space<hbm>> -> memref<1x64x128xf32, #tpu.memory_space<hbm>>
        %dma_wait3A_635 = tpu.memref_squeeze %dma_wait3A_634 : memref<1x64x128xf32, #tpu.memory_space<hbm>> -> memref<64x128xf32, #tpu.memory_space<hbm>>
        %dma_wait3A_636 = arith.constant 0 : i32
        %dma_wait3A_637 = arith.constant 0 : i32
        %dma_wait3A_638 = tpu.memref_slice %arg9[%dma_wait3A_619, %dma_wait3A_636, %dma_wait3A_637] : memref<5x64x129xf32, #tpu.memory_space<vmem>> -> memref<1x64x128xf32, #tpu.memory_space<vmem>>
        %dma_wait3A_639 = tpu.memref_squeeze %dma_wait3A_638 : memref<1x64x128xf32, #tpu.memory_space<vmem>> -> memref<64x128xf32, #tpu.memory_space<vmem>>
        tpu.wait_dma2 semaphore(%dma_wait3A_631 : memref<!tpu.dma_semaphore, #tpu.memory_space<semaphore_mem>>) src(%dma_wait3A_639 : memref<64x128xf32, #tpu.memory_space<vmem>>) dst(%dma_wait3A_635 : memref<64x128xf32, #tpu.memory_space<hbm>>)
      } else {
      }
      %parallel_loop3A_282 = arith.constant 0 : i32
      %parallel_loop3A_283 = arith.constant 128 : i32
      %parallel_loop3A_284 = arith.constant 1 : i32
      scf.for %parallel_loop3A_619 = %parallel_loop3A_282 to %parallel_loop3A_283 step %parallel_loop3A_284  : i32 {
        %parallel_loop3A_620 = vector.broadcast %parallel_loop3A_619 : i32 to vector<16xi32>
        %parallel_loop3A_621 = arith.constant 1 : i32
        %parallel_loop3A_622 = arith.index_cast %parallel_loop3A_621 : i32 to index
        %parallel_loop3A_623 = arith.index_cast %parallel_loop3A_619 : i32 to index
        %parallel_loop3A_624 = arith.constant 0 : index
        %parallel_loop3A_625 = tpu.vector_load %arg8[%parallel_loop3A_622, %parallel_loop3A_623, %parallel_loop3A_624] {strides = array<i32>} : memref<5x128x64xf32, #tpu.memory_space<vmem>>, vector<16xf32>,
        %parallel_loop3A_626 = arith.addf %parallel_loop3A_625, %get3A_5 : vector<16xf32>
        %parallel_loop3A_627 = arith.constant 1 : i32
        %parallel_loop3A_628 = arith.constant 0 : i32
        %parallel_loop3A_629 = arith.constant 0 : i32
        %parallel_loop3A_630 = tpu.memref_slice %arg9[%parallel_loop3A_627, %parallel_loop3A_628, %parallel_loop3A_629] : memref<5x64x129xf32, #tpu.memory_space<vmem>> -> memref<1x64x129xf32, #tpu.memory_space<vmem>>
        %parallel_loop3A_631 = tpu.memref_squeeze %parallel_loop3A_630 : memref<1x64x129xf32, #tpu.memory_space<vmem>> -> memref<64x129xf32, #tpu.memory_space<vmem>>
        tpu.vector_store_idx %parallel_loop3A_631[%add3A_14, %parallel_loop3A_620], %parallel_loop3A_626 : memref<64x129xf32, #tpu.memory_space<vmem>>[vector<16xi32>, vector<16xi32>], vector<16xf32>,
        %parallel_loop3A_632 = arith.constant 1 : i32
        %parallel_loop3A_633 = arith.index_cast %parallel_loop3A_632 : i32 to index
        %parallel_loop3A_634 = arith.index_cast %parallel_loop3A_619 : i32 to index
        %parallel_loop3A_635 = arith.constant 16 : index
        %parallel_loop3A_636 = tpu.vector_load %arg8[%parallel_loop3A_633, %parallel_loop3A_634, %parallel_loop3A_635] {strides = array<i32>} : memref<5x128x64xf32, #tpu.memory_space<vmem>>, vector<16xf32>,
        %parallel_loop3A_637 = arith.addf %parallel_loop3A_636, %get3A_7 : vector<16xf32>
        %parallel_loop3A_638 = arith.constant 1 : i32
        %parallel_loop3A_639 = arith.constant 0 : i32
        %parallel_loop3A_640 = arith.constant 0 : i32
        %parallel_loop3A_641 = tpu.memref_slice %arg9[%parallel_loop3A_638, %parallel_loop3A_639, %parallel_loop3A_640] : memref<5x64x129xf32, #tpu.memory_space<vmem>> -> memref<1x64x129xf32, #tpu.memory_space<vmem>>
        %parallel_loop3A_642 = tpu.memref_squeeze %parallel_loop3A_641 : memref<1x64x129xf32, #tpu.memory_space<vmem>> -> memref<64x129xf32, #tpu.memory_space<vmem>>
        tpu.vector_store_idx %parallel_loop3A_642[%add3A_18, %parallel_loop3A_620], %parallel_loop3A_637 : memref<64x129xf32, #tpu.memory_space<vmem>>[vector<16xi32>, vector<16xi32>], vector<16xf32>,
        %parallel_loop3A_643 = arith.constant 1 : i32
        %parallel_loop3A_644 = arith.index_cast %parallel_loop3A_643 : i32 to index
        %parallel_loop3A_645 = arith.index_cast %parallel_loop3A_619 : i32 to index
        %parallel_loop3A_646 = arith.constant 32 : index
        %parallel_loop3A_647 = tpu.vector_load %arg8[%parallel_loop3A_644, %parallel_loop3A_645, %parallel_loop3A_646] {strides = array<i32>} : memref<5x128x64xf32, #tpu.memory_space<vmem>>, vector<16xf32>,
        %parallel_loop3A_648 = arith.addf %parallel_loop3A_647, %get3A_9 : vector<16xf32>
        %parallel_loop3A_649 = arith.constant 1 : i32
        %parallel_loop3A_650 = arith.constant 0 : i32
        %parallel_loop3A_651 = arith.constant 0 : i32
        %parallel_loop3A_652 = tpu.memref_slice %arg9[%parallel_loop3A_649, %parallel_loop3A_650, %parallel_loop3A_651] : memref<5x64x129xf32, #tpu.memory_space<vmem>> -> memref<1x64x129xf32, #tpu.memory_space<vmem>>
        %parallel_loop3A_653 = tpu.memref_squeeze %parallel_loop3A_652 : memref<1x64x129xf32, #tpu.memory_space<vmem>> -> memref<64x129xf32, #tpu.memory_space<vmem>>
        tpu.vector_store_idx %parallel_loop3A_653[%add3A_22, %parallel_loop3A_620], %parallel_loop3A_648 : memref<64x129xf32, #tpu.memory_space<vmem>>[vector<16xi32>, vector<16xi32>], vector<16xf32>,
        %parallel_loop3A_654 = arith.constant 1 : i32
        %parallel_loop3A_655 = arith.index_cast %parallel_loop3A_654 : i32 to index
        %parallel_loop3A_656 = arith.index_cast %parallel_loop3A_619 : i32 to index
        %parallel_loop3A_657 = arith.constant 48 : index
        %parallel_loop3A_658 = tpu.vector_load %arg8[%parallel_loop3A_655, %parallel_loop3A_656, %parallel_loop3A_657] {strides = array<i32>} : memref<5x128x64xf32, #tpu.memory_space<vmem>>, vector<16xf32>,
        %parallel_loop3A_659 = arith.addf %parallel_loop3A_658, %get3A_11 : vector<16xf32>
        %parallel_loop3A_660 = arith.constant 1 : i32
        %parallel_loop3A_661 = arith.constant 0 : i32
        %parallel_loop3A_662 = arith.constant 0 : i32
        %parallel_loop3A_663 = tpu.memref_slice %arg9[%parallel_loop3A_660, %parallel_loop3A_661, %parallel_loop3A_662] : memref<5x64x129xf32, #tpu.memory_space<vmem>> -> memref<1x64x129xf32, #tpu.memory_space<vmem>>
        %parallel_loop3A_664 = tpu.memref_squeeze %parallel_loop3A_663 : memref<1x64x129xf32, #tpu.memory_space<vmem>> -> memref<64x129xf32, #tpu.memory_space<vmem>>
        tpu.vector_store_idx %parallel_loop3A_664[%add3A_26, %parallel_loop3A_620], %parallel_loop3A_659 : memref<64x129xf32, #tpu.memory_space<vmem>>[vector<16xi32>, vector<16xi32>], vector<16xf32>,
      } {sc.loop_unroll_factor = 4 : i64, sc.parallel_access}
      %add3A_285 = arith.addi %mul3A_2, %add3A_256 : i32
      %jit3A_286 = arith.constant 8 : i32
      %div3A_287 = arith.divsi %add3A_285, %jit3A_286 : i32
      %sign3A_288 = arith.constant 0 : i32
      %sign3A_289 = arith.cmpi sgt, %add3A_285, %sign3A_288 : i32
      %sign3A_290 = arith.extui %sign3A_289 : i1 to i32
      %sign3A_291 = arith.constant 0 : i32
      %sign3A_292 = arith.cmpi slt, %add3A_285, %sign3A_291 : i32
      %sign3A_293 = arith.extui %sign3A_292 : i1 to i32
      %sign3A_294 = arith.subi %sign3A_290, %sign3A_293 : i32
      %sign3A_295 = arith.constant 0 : i32
      %sign3A_296 = arith.cmpi sgt, %jit3A_286, %sign3A_295 : i32
      %sign3A_297 = arith.extui %sign3A_296 : i1 to i32
      %sign3A_298 = arith.constant 0 : i32
      %sign3A_299 = arith.cmpi slt, %jit3A_286, %sign3A_298 : i32
      %sign3A_300 = arith.extui %sign3A_299 : i1 to i32
      %sign3A_301 = arith.subi %sign3A_297, %sign3A_300 : i32
      %ne3A_302 = arith.cmpi ne, %sign3A_294, %sign3A_301 : i32
      %rem3A_303 = arith.remsi %add3A_285, %jit3A_286 : i32
      %ne3A_304 = arith.constant 0 : i32
      %ne3A_305 = arith.cmpi ne, %rem3A_303, %ne3A_304 : i32
      %and3A_306 = arith.andi %ne3A_302, %ne3A_305 : i1
      %sub3A_307 = arith.constant 1 : i32
      %sub3A_308 = arith.subi %div3A_287, %sub3A_307 : i32
      %select_n3A_309 = arith.select %and3A_306, %sub3A_308, %div3A_287 : i32
      %jit3A_310 = arith.constant 8 : i32
      %eq3A_311 = arith.constant 0 : i32
      %eq3A_312 = arith.cmpi eq, %jit3A_310, %eq3A_311 : i32
      %jit3A_313 = arith.constant 1 : i32
      %select_n3A_314 = arith.select %eq3A_312, %jit3A_313, %jit3A_310 : i32
      %rem3A_315 = arith.remsi %add3A_285, %select_n3A_314 : i32
      %ne3A_316 = arith.constant 0 : i32
      %ne3A_317 = arith.cmpi ne, %rem3A_315, %ne3A_316 : i32
      %lt3A_318 = arith.constant 0 : i32
      %lt3A_319 = arith.cmpi slt, %rem3A_315, %lt3A_318 : i32
      %lt3A_320 = arith.constant 0 : i32
      %lt3A_321 = arith.cmpi slt, %select_n3A_314, %lt3A_320 : i32
      %ne3A_322 = arith.xori %lt3A_319, %lt3A_321 : i1
      %and3A_323 = arith.andi %ne3A_322, %ne3A_317 : i1
      %add3A_324 = arith.addi %rem3A_315, %select_n3A_314 : i32
      %select_n3A_325 = arith.select %and3A_323, %add3A_324, %rem3A_315 : i32
      %mul3A_326 = arith.constant 128 : i32
      %mul3A_327 = arith.muli %select_n3A_325, %mul3A_326 : i32
      %dma_start3A_328 = arith.constant 1 : i32
      %dma_start3A_329 = arith.constant 1 : i32
      %dma_start3A_330 = arith.constant 0 : i32
      %dma_start3A_331 = arith.constant 0 : i32
      %dma_start3A_332 = tpu.memref_slice %arg9[%dma_start3A_328, %dma_start3A_330, %dma_start3A_331] : memref<5x64x129xf32, #tpu.memory_space<vmem>> -> memref<1x64x128xf32, #tpu.memory_space<vmem>>
      %dma_start3A_333 = tpu.memref_squeeze %dma_start3A_332 : memref<1x64x128xf32, #tpu.memory_space<vmem>> -> memref<64x128xf32, #tpu.memory_space<vmem>>
      %dma_start3A_334 = arith.constant 0 : i32
      %dma_start3A_335 = tpu.memref_slice %arg5[%select_n3A_309, %dma_start3A_334, %mul3A_327] : memref<200x64x1024xf32, #tpu.memory_space<hbm>> -> memref<1x64x128xf32, #tpu.memory_space<hbm>>
      %dma_start3A_336 = tpu.memref_squeeze %dma_start3A_335 : memref<1x64x128xf32, #tpu.memory_space<hbm>> -> memref<64x128xf32, #tpu.memory_space<hbm>>
      %dma_start3A_337 = tpu.memref_slice %arg11[%dma_start3A_329] : memref<5x!tpu.dma_semaphore, #tpu.memory_space<semaphore_mem>> -> memref<1x!tpu.dma_semaphore, #tpu.memory_space<semaphore_mem>>
      %dma_start3A_338 = tpu.memref_squeeze %dma_start3A_337 : memref<1x!tpu.dma_semaphore, #tpu.memory_space<semaphore_mem>> -> memref<!tpu.dma_semaphore, #tpu.memory_space<semaphore_mem>>
      %dma_start3A_339 = arith.constant 0 : i32
      %dma_start3A_340 = tpu.memref_slice %arg5[%select_n3A_309, %dma_start3A_339, %mul3A_327] : memref<200x64x1024xf32, #tpu.memory_space<hbm>> -> memref<1x64x128xf32, #tpu.memory_space<hbm>>
      %dma_start3A_341 = tpu.memref_squeeze %dma_start3A_340 : memref<1x64x128xf32, #tpu.memory_space<hbm>> -> memref<64x128xf32, #tpu.memory_space<hbm>>
      %dma_start3A_342 = arith.constant 0 : i32
      %dma_start3A_343 = arith.constant 0 : i32
      %dma_start3A_344 = tpu.memref_slice %arg9[%dma_start3A_328, %dma_start3A_342, %dma_start3A_343] : memref<5x64x129xf32, #tpu.memory_space<vmem>> -> memref<1x64x128xf32, #tpu.memory_space<vmem>>
      %dma_start3A_345 = tpu.memref_squeeze %dma_start3A_344 : memref<1x64x128xf32, #tpu.memory_space<vmem>> -> memref<64x128xf32, #tpu.memory_space<vmem>>
      tpu.enqueue_dma source(%dma_start3A_345 : memref<64x128xf32, #tpu.memory_space<vmem>>) target(%dma_start3A_341 : memref<64x128xf32, #tpu.memory_space<hbm>>) target_semaphore(%dma_start3A_338 : memref<!tpu.dma_semaphore, #tpu.memory_space<semaphore_mem>>)
      %add3A_346 = arith.constant 2 : i32
      %add3A_347 = arith.addi %add3A_177, %add3A_346 : i32
      %add3A_348 = arith.constant 3 : i32
      %add3A_349 = arith.addi %add3A_347, %add3A_348 : i32
      %lt3A_350 = arith.constant 50 : i32
      %lt3A_351 = arith.cmpi slt, %add3A_349, %lt3A_350 : i32
      %convert_element_type3A_352 = arith.extui %lt3A_351 : i1 to i32
      %cond3A_353 = arith.constant 0 : i32
      %cond3A_354 = arith.cmpi ne, %convert_element_type3A_352, %cond3A_353 : i32
      scf.if %cond3A_354 {
        %mul3A_619 = arith.constant 128 : i32
        %mul3A_620 = arith.muli %add3A_349, %mul3A_619 : i32
        %dma_start3A_621 = arith.constant 0 : i32
        %dma_start3A_622 = arith.constant 0 : i32
        %dma_start3A_623 = arith.constant 0 : i32
        %dma_start3A_624 = arith.constant 0 : i32
        %dma_start3A_625 = tpu.memref_slice %arg8[%dma_start3A_621, %dma_start3A_623, %dma_start3A_624] : memref<5x128x64xf32, #tpu.memory_space<vmem>> -> memref<1x128x64xf32, #tpu.memory_space<vmem>>
        %dma_start3A_626 = tpu.memref_squeeze %dma_start3A_625 : memref<1x128x64xf32, #tpu.memory_space<vmem>> -> memref<128x64xf32, #tpu.memory_space<vmem>>
        %dma_start3A_627 = tpu.memref_slice %arg6[%mul3A_620] : memref<6400xi32, #tpu.memory_space<vmem>> -> memref<128xi32, #tpu.memory_space<vmem>>
        %dma_start3A_628 = arith.constant 0 : i32
        %dma_start3A_629 = arith.constant 0 : i32
        %dma_start3A_630 = tpu.memref_slice %arg4[%dma_start3A_628, %dma_start3A_629] : memref<1000000x64xf32, #tpu.memory_space<hbm>> -> memref<1000000x64xf32, #tpu.memory_space<hbm>>
        %dma_start3A_631 = tpu.memref_slice %arg10[%dma_start3A_622] : memref<5x!tpu.dma_semaphore, #tpu.memory_space<semaphore_mem>> -> memref<1x!tpu.dma_semaphore, #tpu.memory_space<semaphore_mem>>
        %dma_start3A_632 = tpu.memref_squeeze %dma_start3A_631 : memref<1x!tpu.dma_semaphore, #tpu.memory_space<semaphore_mem>> -> memref<!tpu.dma_semaphore, #tpu.memory_space<semaphore_mem>>
        tpu.enqueue_indirect_dma source(%dma_start3A_630 : memref<1000000x64xf32, #tpu.memory_space<hbm>>) target(%dma_start3A_626 : memref<128x64xf32, #tpu.memory_space<vmem>>) offsets(%dma_start3A_627 : memref<128xi32, #tpu.memory_space<vmem>>) semaphore(%dma_start3A_632 : memref<!tpu.dma_semaphore, #tpu.memory_space<semaphore_mem>>)
      } else {
      }
      %dma_wait3A_355 = arith.constant 2 : i32
      %dma_wait3A_356 = arith.constant 2 : i32
      %dma_wait3A_357 = arith.constant 0 : i32
      %dma_wait3A_358 = arith.constant 0 : i32
      %dma_wait3A_359 = tpu.memref_slice %arg8[%dma_wait3A_355, %dma_wait3A_357, %dma_wait3A_358] : memref<5x128x64xf32, #tpu.memory_space<vmem>> -> memref<1x128x64xf32, #tpu.memory_space<vmem>>
      %dma_wait3A_360 = tpu.memref_squeeze %dma_wait3A_359 : memref<1x128x64xf32, #tpu.memory_space<vmem>> -> memref<128x64xf32, #tpu.memory_space<vmem>>
      %dma_wait3A_361 = arith.constant 0 : i32
      %dma_wait3A_362 = tpu.memref_slice %arg6[%dma_wait3A_361] : memref<6400xi32, #tpu.memory_space<vmem>> -> memref<128xi32, #tpu.memory_space<vmem>>
      %dma_wait3A_363 = arith.constant 0 : i32
      %dma_wait3A_364 = arith.constant 0 : i32
      %dma_wait3A_365 = tpu.memref_slice %arg4[%dma_wait3A_363, %dma_wait3A_364] : memref<1000000x64xf32, #tpu.memory_space<hbm>> -> memref<1000000x64xf32, #tpu.memory_space<hbm>>
      %dma_wait3A_366 = tpu.memref_slice %arg10[%dma_wait3A_356] : memref<5x!tpu.dma_semaphore, #tpu.memory_space<semaphore_mem>> -> memref<1x!tpu.dma_semaphore, #tpu.memory_space<semaphore_mem>>
      %dma_wait3A_367 = tpu.memref_squeeze %dma_wait3A_366 : memref<1x!tpu.dma_semaphore, #tpu.memory_space<semaphore_mem>> -> memref<!tpu.dma_semaphore, #tpu.memory_space<semaphore_mem>>
      tpu.wait_indirect_dma semaphore(%dma_wait3A_367 : memref<!tpu.dma_semaphore, #tpu.memory_space<semaphore_mem>>) src(%dma_wait3A_365 : memref<1000000x64xf32, #tpu.memory_space<hbm>>) dst(%dma_wait3A_360 : memref<128x64xf32, #tpu.memory_space<vmem>>)
      %ge3A_368 = arith.constant 5 : i32
      %ge3A_369 = arith.cmpi sge, %add3A_347, %ge3A_368 : i32
      %convert_element_type3A_370 = arith.extui %ge3A_369 : i1 to i32
      %cond3A_371 = arith.constant 0 : i32
      %cond3A_372 = arith.cmpi ne, %convert_element_type3A_370, %cond3A_371 : i32
      scf.if %cond3A_372 {
        %dma_wait3A_619 = arith.constant 2 : i32
        %dma_wait3A_620 = arith.constant 0 : i32
        %dma_wait3A_621 = arith.constant 2 : i32
        %dma_wait3A_622 = arith.constant 0 : i32
        %dma_wait3A_623 = arith.constant 0 : i32
        %dma_wait3A_624 = tpu.memref_slice %arg9[%dma_wait3A_619, %dma_wait3A_622, %dma_wait3A_623] : memref<5x64x129xf32, #tpu.memory_space<vmem>> -> memref<1x64x128xf32, #tpu.memory_space<vmem>>
        %dma_wait3A_625 = tpu.memref_squeeze %dma_wait3A_624 : memref<1x64x128xf32, #tpu.memory_space<vmem>> -> memref<64x128xf32, #tpu.memory_space<vmem>>
        %dma_wait3A_626 = arith.constant 0 : i32
        %dma_wait3A_627 = arith.constant 0 : i32
        %dma_wait3A_628 = tpu.memref_slice %arg5[%dma_wait3A_620, %dma_wait3A_626, %dma_wait3A_627] : memref<200x64x1024xf32, #tpu.memory_space<hbm>> -> memref<1x64x128xf32, #tpu.memory_space<hbm>>
        %dma_wait3A_629 = tpu.memref_squeeze %dma_wait3A_628 : memref<1x64x128xf32, #tpu.memory_space<hbm>> -> memref<64x128xf32, #tpu.memory_space<hbm>>
        %dma_wait3A_630 = tpu.memref_slice %arg11[%dma_wait3A_621] : memref<5x!tpu.dma_semaphore, #tpu.memory_space<semaphore_mem>> -> memref<1x!tpu.dma_semaphore, #tpu.memory_space<semaphore_mem>>
        %dma_wait3A_631 = tpu.memref_squeeze %dma_wait3A_630 : memref<1x!tpu.dma_semaphore, #tpu.memory_space<semaphore_mem>> -> memref<!tpu.dma_semaphore, #tpu.memory_space<semaphore_mem>>
        %dma_wait3A_632 = arith.constant 0 : i32
        %dma_wait3A_633 = arith.constant 0 : i32
        %dma_wait3A_634 = tpu.memref_slice %arg5[%dma_wait3A_620, %dma_wait3A_632, %dma_wait3A_633] : memref<200x64x1024xf32, #tpu.memory_space<hbm>> -> memref<1x64x128xf32, #tpu.memory_space<hbm>>
        %dma_wait3A_635 = tpu.memref_squeeze %dma_wait3A_634 : memref<1x64x128xf32, #tpu.memory_space<hbm>> -> memref<64x128xf32, #tpu.memory_space<hbm>>
        %dma_wait3A_636 = arith.constant 0 : i32
        %dma_wait3A_637 = arith.constant 0 : i32
        %dma_wait3A_638 = tpu.memref_slice %arg9[%dma_wait3A_619, %dma_wait3A_636, %dma_wait3A_637] : memref<5x64x129xf32, #tpu.memory_space<vmem>> -> memref<1x64x128xf32, #tpu.memory_space<vmem>>
        %dma_wait3A_639 = tpu.memref_squeeze %dma_wait3A_638 : memref<1x64x128xf32, #tpu.memory_space<vmem>> -> memref<64x128xf32, #tpu.memory_space<vmem>>
        tpu.wait_dma2 semaphore(%dma_wait3A_631 : memref<!tpu.dma_semaphore, #tpu.memory_space<semaphore_mem>>) src(%dma_wait3A_639 : memref<64x128xf32, #tpu.memory_space<vmem>>) dst(%dma_wait3A_635 : memref<64x128xf32, #tpu.memory_space<hbm>>)
      } else {
      }
      %parallel_loop3A_373 = arith.constant 0 : i32
      %parallel_loop3A_374 = arith.constant 128 : i32
      %parallel_loop3A_375 = arith.constant 1 : i32
      scf.for %parallel_loop3A_619 = %parallel_loop3A_373 to %parallel_loop3A_374 step %parallel_loop3A_375  : i32 {
        %parallel_loop3A_620 = vector.broadcast %parallel_loop3A_619 : i32 to vector<16xi32>
        %parallel_loop3A_621 = arith.constant 2 : i32
        %parallel_loop3A_622 = arith.index_cast %parallel_loop3A_621 : i32 to index
        %parallel_loop3A_623 = arith.index_cast %parallel_loop3A_619 : i32 to index
        %parallel_loop3A_624 = arith.constant 0 : index
        %parallel_loop3A_625 = tpu.vector_load %arg8[%parallel_loop3A_622, %parallel_loop3A_623, %parallel_loop3A_624] {strides = array<i32>} : memref<5x128x64xf32, #tpu.memory_space<vmem>>, vector<16xf32>,
        %parallel_loop3A_626 = arith.addf %parallel_loop3A_625, %get3A_5 : vector<16xf32>
        %parallel_loop3A_627 = arith.constant 2 : i32
        %parallel_loop3A_628 = arith.constant 0 : i32
        %parallel_loop3A_629 = arith.constant 0 : i32
        %parallel_loop3A_630 = tpu.memref_slice %arg9[%parallel_loop3A_627, %parallel_loop3A_628, %parallel_loop3A_629] : memref<5x64x129xf32, #tpu.memory_space<vmem>> -> memref<1x64x129xf32, #tpu.memory_space<vmem>>
        %parallel_loop3A_631 = tpu.memref_squeeze %parallel_loop3A_630 : memref<1x64x129xf32, #tpu.memory_space<vmem>> -> memref<64x129xf32, #tpu.memory_space<vmem>>
        tpu.vector_store_idx %parallel_loop3A_631[%add3A_14, %parallel_loop3A_620], %parallel_loop3A_626 : memref<64x129xf32, #tpu.memory_space<vmem>>[vector<16xi32>, vector<16xi32>], vector<16xf32>,
        %parallel_loop3A_632 = arith.constant 2 : i32
        %parallel_loop3A_633 = arith.index_cast %parallel_loop3A_632 : i32 to index
        %parallel_loop3A_634 = arith.index_cast %parallel_loop3A_619 : i32 to index
        %parallel_loop3A_635 = arith.constant 16 : index
        %parallel_loop3A_636 = tpu.vector_load %arg8[%parallel_loop3A_633, %parallel_loop3A_634, %parallel_loop3A_635] {strides = array<i32>} : memref<5x128x64xf32, #tpu.memory_space<vmem>>, vector<16xf32>,
        %parallel_loop3A_637 = arith.addf %parallel_loop3A_636, %get3A_7 : vector<16xf32>
        %parallel_loop3A_638 = arith.constant 2 : i32
        %parallel_loop3A_639 = arith.constant 0 : i32
        %parallel_loop3A_640 = arith.constant 0 : i32
        %parallel_loop3A_641 = tpu.memref_slice %arg9[%parallel_loop3A_638, %parallel_loop3A_639, %parallel_loop3A_640] : memref<5x64x129xf32, #tpu.memory_space<vmem>> -> memref<1x64x129xf32, #tpu.memory_space<vmem>>
        %parallel_loop3A_642 = tpu.memref_squeeze %parallel_loop3A_641 : memref<1x64x129xf32, #tpu.memory_space<vmem>> -> memref<64x129xf32, #tpu.memory_space<vmem>>
        tpu.vector_store_idx %parallel_loop3A_642[%add3A_18, %parallel_loop3A_620], %parallel_loop3A_637 : memref<64x129xf32, #tpu.memory_space<vmem>>[vector<16xi32>, vector<16xi32>], vector<16xf32>,
        %parallel_loop3A_643 = arith.constant 2 : i32
        %parallel_loop3A_644 = arith.index_cast %parallel_loop3A_643 : i32 to index
        %parallel_loop3A_645 = arith.index_cast %parallel_loop3A_619 : i32 to index
        %parallel_loop3A_646 = arith.constant 32 : index
        %parallel_loop3A_647 = tpu.vector_load %arg8[%parallel_loop3A_644, %parallel_loop3A_645, %parallel_loop3A_646] {strides = array<i32>} : memref<5x128x64xf32, #tpu.memory_space<vmem>>, vector<16xf32>,
        %parallel_loop3A_648 = arith.addf %parallel_loop3A_647, %get3A_9 : vector<16xf32>
        %parallel_loop3A_649 = arith.constant 2 : i32
        %parallel_loop3A_650 = arith.constant 0 : i32
        %parallel_loop3A_651 = arith.constant 0 : i32
        %parallel_loop3A_652 = tpu.memref_slice %arg9[%parallel_loop3A_649, %parallel_loop3A_650, %parallel_loop3A_651] : memref<5x64x129xf32, #tpu.memory_space<vmem>> -> memref<1x64x129xf32, #tpu.memory_space<vmem>>
        %parallel_loop3A_653 = tpu.memref_squeeze %parallel_loop3A_652 : memref<1x64x129xf32, #tpu.memory_space<vmem>> -> memref<64x129xf32, #tpu.memory_space<vmem>>
        tpu.vector_store_idx %parallel_loop3A_653[%add3A_22, %parallel_loop3A_620], %parallel_loop3A_648 : memref<64x129xf32, #tpu.memory_space<vmem>>[vector<16xi32>, vector<16xi32>], vector<16xf32>,
        %parallel_loop3A_654 = arith.constant 2 : i32
        %parallel_loop3A_655 = arith.index_cast %parallel_loop3A_654 : i32 to index
        %parallel_loop3A_656 = arith.index_cast %parallel_loop3A_619 : i32 to index
        %parallel_loop3A_657 = arith.constant 48 : index
        %parallel_loop3A_658 = tpu.vector_load %arg8[%parallel_loop3A_655, %parallel_loop3A_656, %parallel_loop3A_657] {strides = array<i32>} : memref<5x128x64xf32, #tpu.memory_space<vmem>>, vector<16xf32>,
        %parallel_loop3A_659 = arith.addf %parallel_loop3A_658, %get3A_11 : vector<16xf32>
        %parallel_loop3A_660 = arith.constant 2 : i32
        %parallel_loop3A_661 = arith.constant 0 : i32
        %parallel_loop3A_662 = arith.constant 0 : i32
        %parallel_loop3A_663 = tpu.memref_slice %arg9[%parallel_loop3A_660, %parallel_loop3A_661, %parallel_loop3A_662] : memref<5x64x129xf32, #tpu.memory_space<vmem>> -> memref<1x64x129xf32, #tpu.memory_space<vmem>>
        %parallel_loop3A_664 = tpu.memref_squeeze %parallel_loop3A_663 : memref<1x64x129xf32, #tpu.memory_space<vmem>> -> memref<64x129xf32, #tpu.memory_space<vmem>>
        tpu.vector_store_idx %parallel_loop3A_664[%add3A_26, %parallel_loop3A_620], %parallel_loop3A_659 : memref<64x129xf32, #tpu.memory_space<vmem>>[vector<16xi32>, vector<16xi32>], vector<16xf32>,
      } {sc.loop_unroll_factor = 4 : i64, sc.parallel_access}
      %add3A_376 = arith.addi %mul3A_2, %add3A_347 : i32
      %jit3A_377 = arith.constant 8 : i32
      %div3A_378 = arith.divsi %add3A_376, %jit3A_377 : i32
      %sign3A_379 = arith.constant 0 : i32
      %sign3A_380 = arith.cmpi sgt, %add3A_376, %sign3A_379 : i32
      %sign3A_381 = arith.extui %sign3A_380 : i1 to i32
      %sign3A_382 = arith.constant 0 : i32
      %sign3A_383 = arith.cmpi slt, %add3A_376, %sign3A_382 : i32
      %sign3A_384 = arith.extui %sign3A_383 : i1 to i32
      %sign3A_385 = arith.subi %sign3A_381, %sign3A_384 : i32
      %sign3A_386 = arith.constant 0 : i32
      %sign3A_387 = arith.cmpi sgt, %jit3A_377, %sign3A_386 : i32
      %sign3A_388 = arith.extui %sign3A_387 : i1 to i32
      %sign3A_389 = arith.constant 0 : i32
      %sign3A_390 = arith.cmpi slt, %jit3A_377, %sign3A_389 : i32
      %sign3A_391 = arith.extui %sign3A_390 : i1 to i32
      %sign3A_392 = arith.subi %sign3A_388, %sign3A_391 : i32
      %ne3A_393 = arith.cmpi ne, %sign3A_385, %sign3A_392 : i32
      %rem3A_394 = arith.remsi %add3A_376, %jit3A_377 : i32
      %ne3A_395 = arith.constant 0 : i32
      %ne3A_396 = arith.cmpi ne, %rem3A_394, %ne3A_395 : i32
      %and3A_397 = arith.andi %ne3A_393, %ne3A_396 : i1
      %sub3A_398 = arith.constant 1 : i32
      %sub3A_399 = arith.subi %div3A_378, %sub3A_398 : i32
      %select_n3A_400 = arith.select %and3A_397, %sub3A_399, %div3A_378 : i32
      %jit3A_401 = arith.constant 8 : i32
      %eq3A_402 = arith.constant 0 : i32
      %eq3A_403 = arith.cmpi eq, %jit3A_401, %eq3A_402 : i32
      %jit3A_404 = arith.constant 1 : i32
      %select_n3A_405 = arith.select %eq3A_403, %jit3A_404, %jit3A_401 : i32
      %rem3A_406 = arith.remsi %add3A_376, %select_n3A_405 : i32
      %ne3A_407 = arith.constant 0 : i32
      %ne3A_408 = arith.cmpi ne, %rem3A_406, %ne3A_407 : i32
      %lt3A_409 = arith.constant 0 : i32
      %lt3A_410 = arith.cmpi slt, %rem3A_406, %lt3A_409 : i32
      %lt3A_411 = arith.constant 0 : i32
      %lt3A_412 = arith.cmpi slt, %select_n3A_405, %lt3A_411 : i32
      %ne3A_413 = arith.xori %lt3A_410, %lt3A_412 : i1
      %and3A_414 = arith.andi %ne3A_413, %ne3A_408 : i1
      %add3A_415 = arith.addi %rem3A_406, %select_n3A_405 : i32
      %select_n3A_416 = arith.select %and3A_414, %add3A_415, %rem3A_406 : i32
      %mul3A_417 = arith.constant 128 : i32
      %mul3A_418 = arith.muli %select_n3A_416, %mul3A_417 : i32
      %dma_start3A_419 = arith.constant 2 : i32
      %dma_start3A_420 = arith.constant 2 : i32
      %dma_start3A_421 = arith.constant 0 : i32
      %dma_start3A_422 = arith.constant 0 : i32
      %dma_start3A_423 = tpu.memref_slice %arg9[%dma_start3A_419, %dma_start3A_421, %dma_start3A_422] : memref<5x64x129xf32, #tpu.memory_space<vmem>> -> memref<1x64x128xf32, #tpu.memory_space<vmem>>
      %dma_start3A_424 = tpu.memref_squeeze %dma_start3A_423 : memref<1x64x128xf32, #tpu.memory_space<vmem>> -> memref<64x128xf32, #tpu.memory_space<vmem>>
      %dma_start3A_425 = arith.constant 0 : i32
      %dma_start3A_426 = tpu.memref_slice %arg5[%select_n3A_400, %dma_start3A_425, %mul3A_418] : memref<200x64x1024xf32, #tpu.memory_space<hbm>> -> memref<1x64x128xf32, #tpu.memory_space<hbm>>
      %dma_start3A_427 = tpu.memref_squeeze %dma_start3A_426 : memref<1x64x128xf32, #tpu.memory_space<hbm>> -> memref<64x128xf32, #tpu.memory_space<hbm>>
      %dma_start3A_428 = tpu.memref_slice %arg11[%dma_start3A_420] : memref<5x!tpu.dma_semaphore, #tpu.memory_space<semaphore_mem>> -> memref<1x!tpu.dma_semaphore, #tpu.memory_space<semaphore_mem>>
      %dma_start3A_429 = tpu.memref_squeeze %dma_start3A_428 : memref<1x!tpu.dma_semaphore, #tpu.memory_space<semaphore_mem>> -> memref<!tpu.dma_semaphore, #tpu.memory_space<semaphore_mem>>
      %dma_start3A_430 = arith.constant 0 : i32
      %dma_start3A_431 = tpu.memref_slice %arg5[%select_n3A_400, %dma_start3A_430, %mul3A_418] : memref<200x64x1024xf32, #tpu.memory_space<hbm>> -> memref<1x64x128xf32, #tpu.memory_space<hbm>>
      %dma_start3A_432 = tpu.memref_squeeze %dma_start3A_431 : memref<1x64x128xf32, #tpu.memory_space<hbm>> -> memref<64x128xf32, #tpu.memory_space<hbm>>
      %dma_start3A_433 = arith.constant 0 : i32
      %dma_start3A_434 = arith.constant 0 : i32
      %dma_start3A_435 = tpu.memref_slice %arg9[%dma_start3A_419, %dma_start3A_433, %dma_start3A_434] : memref<5x64x129xf32, #tpu.memory_space<vmem>> -> memref<1x64x128xf32, #tpu.memory_space<vmem>>
      %dma_start3A_436 = tpu.memref_squeeze %dma_start3A_435 : memref<1x64x128xf32, #tpu.memory_space<vmem>> -> memref<64x128xf32, #tpu.memory_space<vmem>>
      tpu.enqueue_dma source(%dma_start3A_436 : memref<64x128xf32, #tpu.memory_space<vmem>>) target(%dma_start3A_432 : memref<64x128xf32, #tpu.memory_space<hbm>>) target_semaphore(%dma_start3A_429 : memref<!tpu.dma_semaphore, #tpu.memory_space<semaphore_mem>>)
      %add3A_437 = arith.constant 3 : i32
      %add3A_438 = arith.addi %add3A_177, %add3A_437 : i32
      %add3A_439 = arith.constant 3 : i32
      %add3A_440 = arith.addi %add3A_438, %add3A_439 : i32
      %lt3A_441 = arith.constant 50 : i32
      %lt3A_442 = arith.cmpi slt, %add3A_440, %lt3A_441 : i32
      %convert_element_type3A_443 = arith.extui %lt3A_442 : i1 to i32
      %cond3A_444 = arith.constant 0 : i32
      %cond3A_445 = arith.cmpi ne, %convert_element_type3A_443, %cond3A_444 : i32
      scf.if %cond3A_445 {
        %mul3A_619 = arith.constant 128 : i32
        %mul3A_620 = arith.muli %add3A_440, %mul3A_619 : i32
        %dma_start3A_621 = arith.constant 1 : i32
        %dma_start3A_622 = arith.constant 1 : i32
        %dma_start3A_623 = arith.constant 0 : i32
        %dma_start3A_624 = arith.constant 0 : i32
        %dma_start3A_625 = tpu.memref_slice %arg8[%dma_start3A_621, %dma_start3A_623, %dma_start3A_624] : memref<5x128x64xf32, #tpu.memory_space<vmem>> -> memref<1x128x64xf32, #tpu.memory_space<vmem>>
        %dma_start3A_626 = tpu.memref_squeeze %dma_start3A_625 : memref<1x128x64xf32, #tpu.memory_space<vmem>> -> memref<128x64xf32, #tpu.memory_space<vmem>>
        %dma_start3A_627 = tpu.memref_slice %arg6[%mul3A_620] : memref<6400xi32, #tpu.memory_space<vmem>> -> memref<128xi32, #tpu.memory_space<vmem>>
        %dma_start3A_628 = arith.constant 0 : i32
        %dma_start3A_629 = arith.constant 0 : i32
        %dma_start3A_630 = tpu.memref_slice %arg4[%dma_start3A_628, %dma_start3A_629] : memref<1000000x64xf32, #tpu.memory_space<hbm>> -> memref<1000000x64xf32, #tpu.memory_space<hbm>>
        %dma_start3A_631 = tpu.memref_slice %arg10[%dma_start3A_622] : memref<5x!tpu.dma_semaphore, #tpu.memory_space<semaphore_mem>> -> memref<1x!tpu.dma_semaphore, #tpu.memory_space<semaphore_mem>>
        %dma_start3A_632 = tpu.memref_squeeze %dma_start3A_631 : memref<1x!tpu.dma_semaphore, #tpu.memory_space<semaphore_mem>> -> memref<!tpu.dma_semaphore, #tpu.memory_space<semaphore_mem>>
        tpu.enqueue_indirect_dma source(%dma_start3A_630 : memref<1000000x64xf32, #tpu.memory_space<hbm>>) target(%dma_start3A_626 : memref<128x64xf32, #tpu.memory_space<vmem>>) offsets(%dma_start3A_627 : memref<128xi32, #tpu.memory_space<vmem>>) semaphore(%dma_start3A_632 : memref<!tpu.dma_semaphore, #tpu.memory_space<semaphore_mem>>)
      } else {
      }
      %dma_wait3A_446 = arith.constant 3 : i32
      %dma_wait3A_447 = arith.constant 3 : i32
      %dma_wait3A_448 = arith.constant 0 : i32
      %dma_wait3A_449 = arith.constant 0 : i32
      %dma_wait3A_450 = tpu.memref_slice %arg8[%dma_wait3A_446, %dma_wait3A_448, %dma_wait3A_449] : memref<5x128x64xf32, #tpu.memory_space<vmem>> -> memref<1x128x64xf32, #tpu.memory_space<vmem>>
      %dma_wait3A_451 = tpu.memref_squeeze %dma_wait3A_450 : memref<1x128x64xf32, #tpu.memory_space<vmem>> -> memref<128x64xf32, #tpu.memory_space<vmem>>
      %dma_wait3A_452 = arith.constant 0 : i32
      %dma_wait3A_453 = tpu.memref_slice %arg6[%dma_wait3A_452] : memref<6400xi32, #tpu.memory_space<vmem>> -> memref<128xi32, #tpu.memory_space<vmem>>
      %dma_wait3A_454 = arith.constant 0 : i32
      %dma_wait3A_455 = arith.constant 0 : i32
      %dma_wait3A_456 = tpu.memref_slice %arg4[%dma_wait3A_454, %dma_wait3A_455] : memref<1000000x64xf32, #tpu.memory_space<hbm>> -> memref<1000000x64xf32, #tpu.memory_space<hbm>>
      %dma_wait3A_457 = tpu.memref_slice %arg10[%dma_wait3A_447] : memref<5x!tpu.dma_semaphore, #tpu.memory_space<semaphore_mem>> -> memref<1x!tpu.dma_semaphore, #tpu.memory_space<semaphore_mem>>
      %dma_wait3A_458 = tpu.memref_squeeze %dma_wait3A_457 : memref<1x!tpu.dma_semaphore, #tpu.memory_space<semaphore_mem>> -> memref<!tpu.dma_semaphore, #tpu.memory_space<semaphore_mem>>
      tpu.wait_indirect_dma semaphore(%dma_wait3A_458 : memref<!tpu.dma_semaphore, #tpu.memory_space<semaphore_mem>>) src(%dma_wait3A_456 : memref<1000000x64xf32, #tpu.memory_space<hbm>>) dst(%dma_wait3A_451 : memref<128x64xf32, #tpu.memory_space<vmem>>)
      %ge3A_459 = arith.constant 5 : i32
      %ge3A_460 = arith.cmpi sge, %add3A_438, %ge3A_459 : i32
      %convert_element_type3A_461 = arith.extui %ge3A_460 : i1 to i32
      %cond3A_462 = arith.constant 0 : i32
      %cond3A_463 = arith.cmpi ne, %convert_element_type3A_461, %cond3A_462 : i32
      scf.if %cond3A_463 {
        %dma_wait3A_619 = arith.constant 3 : i32
        %dma_wait3A_620 = arith.constant 0 : i32
        %dma_wait3A_621 = arith.constant 3 : i32
        %dma_wait3A_622 = arith.constant 0 : i32
        %dma_wait3A_623 = arith.constant 0 : i32
        %dma_wait3A_624 = tpu.memref_slice %arg9[%dma_wait3A_619, %dma_wait3A_622, %dma_wait3A_623] : memref<5x64x129xf32, #tpu.memory_space<vmem>> -> memref<1x64x128xf32, #tpu.memory_space<vmem>>
        %dma_wait3A_625 = tpu.memref_squeeze %dma_wait3A_624 : memref<1x64x128xf32, #tpu.memory_space<vmem>> -> memref<64x128xf32, #tpu.memory_space<vmem>>
        %dma_wait3A_626 = arith.constant 0 : i32
        %dma_wait3A_627 = arith.constant 0 : i32
        %dma_wait3A_628 = tpu.memref_slice %arg5[%dma_wait3A_620, %dma_wait3A_626, %dma_wait3A_627] : memref<200x64x1024xf32, #tpu.memory_space<hbm>> -> memref<1x64x128xf32, #tpu.memory_space<hbm>>
        %dma_wait3A_629 = tpu.memref_squeeze %dma_wait3A_628 : memref<1x64x128xf32, #tpu.memory_space<hbm>> -> memref<64x128xf32, #tpu.memory_space<hbm>>
        %dma_wait3A_630 = tpu.memref_slice %arg11[%dma_wait3A_621] : memref<5x!tpu.dma_semaphore, #tpu.memory_space<semaphore_mem>> -> memref<1x!tpu.dma_semaphore, #tpu.memory_space<semaphore_mem>>
        %dma_wait3A_631 = tpu.memref_squeeze %dma_wait3A_630 : memref<1x!tpu.dma_semaphore, #tpu.memory_space<semaphore_mem>> -> memref<!tpu.dma_semaphore, #tpu.memory_space<semaphore_mem>>
        %dma_wait3A_632 = arith.constant 0 : i32
        %dma_wait3A_633 = arith.constant 0 : i32
        %dma_wait3A_634 = tpu.memref_slice %arg5[%dma_wait3A_620, %dma_wait3A_632, %dma_wait3A_633] : memref<200x64x1024xf32, #tpu.memory_space<hbm>> -> memref<1x64x128xf32, #tpu.memory_space<hbm>>
        %dma_wait3A_635 = tpu.memref_squeeze %dma_wait3A_634 : memref<1x64x128xf32, #tpu.memory_space<hbm>> -> memref<64x128xf32, #tpu.memory_space<hbm>>
        %dma_wait3A_636 = arith.constant 0 : i32
        %dma_wait3A_637 = arith.constant 0 : i32
        %dma_wait3A_638 = tpu.memref_slice %arg9[%dma_wait3A_619, %dma_wait3A_636, %dma_wait3A_637] : memref<5x64x129xf32, #tpu.memory_space<vmem>> -> memref<1x64x128xf32, #tpu.memory_space<vmem>>
        %dma_wait3A_639 = tpu.memref_squeeze %dma_wait3A_638 : memref<1x64x128xf32, #tpu.memory_space<vmem>> -> memref<64x128xf32, #tpu.memory_space<vmem>>
        tpu.wait_dma2 semaphore(%dma_wait3A_631 : memref<!tpu.dma_semaphore, #tpu.memory_space<semaphore_mem>>) src(%dma_wait3A_639 : memref<64x128xf32, #tpu.memory_space<vmem>>) dst(%dma_wait3A_635 : memref<64x128xf32, #tpu.memory_space<hbm>>)
      } else {
      }
      %parallel_loop3A_464 = arith.constant 0 : i32
      %parallel_loop3A_465 = arith.constant 128 : i32
      %parallel_loop3A_466 = arith.constant 1 : i32
      scf.for %parallel_loop3A_619 = %parallel_loop3A_464 to %parallel_loop3A_465 step %parallel_loop3A_466  : i32 {
        %parallel_loop3A_620 = vector.broadcast %parallel_loop3A_619 : i32 to vector<16xi32>
        %parallel_loop3A_621 = arith.constant 3 : i32
        %parallel_loop3A_622 = arith.index_cast %parallel_loop3A_621 : i32 to index
        %parallel_loop3A_623 = arith.index_cast %parallel_loop3A_619 : i32 to index
        %parallel_loop3A_624 = arith.constant 0 : index
        %parallel_loop3A_625 = tpu.vector_load %arg8[%parallel_loop3A_622, %parallel_loop3A_623, %parallel_loop3A_624] {strides = array<i32>} : memref<5x128x64xf32, #tpu.memory_space<vmem>>, vector<16xf32>,
        %parallel_loop3A_626 = arith.addf %parallel_loop3A_625, %get3A_5 : vector<16xf32>
        %parallel_loop3A_627 = arith.constant 3 : i32
        %parallel_loop3A_628 = arith.constant 0 : i32
        %parallel_loop3A_629 = arith.constant 0 : i32
        %parallel_loop3A_630 = tpu.memref_slice %arg9[%parallel_loop3A_627, %parallel_loop3A_628, %parallel_loop3A_629] : memref<5x64x129xf32, #tpu.memory_space<vmem>> -> memref<1x64x129xf32, #tpu.memory_space<vmem>>
        %parallel_loop3A_631 = tpu.memref_squeeze %parallel_loop3A_630 : memref<1x64x129xf32, #tpu.memory_space<vmem>> -> memref<64x129xf32, #tpu.memory_space<vmem>>
        tpu.vector_store_idx %parallel_loop3A_631[%add3A_14, %parallel_loop3A_620], %parallel_loop3A_626 : memref<64x129xf32, #tpu.memory_space<vmem>>[vector<16xi32>, vector<16xi32>], vector<16xf32>,
        %parallel_loop3A_632 = arith.constant 3 : i32
        %parallel_loop3A_633 = arith.index_cast %parallel_loop3A_632 : i32 to index
        %parallel_loop3A_634 = arith.index_cast %parallel_loop3A_619 : i32 to index
        %parallel_loop3A_635 = arith.constant 16 : index
        %parallel_loop3A_636 = tpu.vector_load %arg8[%parallel_loop3A_633, %parallel_loop3A_634, %parallel_loop3A_635] {strides = array<i32>} : memref<5x128x64xf32, #tpu.memory_space<vmem>>, vector<16xf32>,
        %parallel_loop3A_637 = arith.addf %parallel_loop3A_636, %get3A_7 : vector<16xf32>
        %parallel_loop3A_638 = arith.constant 3 : i32
        %parallel_loop3A_639 = arith.constant 0 : i32
        %parallel_loop3A_640 = arith.constant 0 : i32
        %parallel_loop3A_641 = tpu.memref_slice %arg9[%parallel_loop3A_638, %parallel_loop3A_639, %parallel_loop3A_640] : memref<5x64x129xf32, #tpu.memory_space<vmem>> -> memref<1x64x129xf32, #tpu.memory_space<vmem>>
        %parallel_loop3A_642 = tpu.memref_squeeze %parallel_loop3A_641 : memref<1x64x129xf32, #tpu.memory_space<vmem>> -> memref<64x129xf32, #tpu.memory_space<vmem>>
        tpu.vector_store_idx %parallel_loop3A_642[%add3A_18, %parallel_loop3A_620], %parallel_loop3A_637 : memref<64x129xf32, #tpu.memory_space<vmem>>[vector<16xi32>, vector<16xi32>], vector<16xf32>,
        %parallel_loop3A_643 = arith.constant 3 : i32
        %parallel_loop3A_644 = arith.index_cast %parallel_loop3A_643 : i32 to index
        %parallel_loop3A_645 = arith.index_cast %parallel_loop3A_619 : i32 to index
        %parallel_loop3A_646 = arith.constant 32 : index
        %parallel_loop3A_647 = tpu.vector_load %arg8[%parallel_loop3A_644, %parallel_loop3A_645, %parallel_loop3A_646] {strides = array<i32>} : memref<5x128x64xf32, #tpu.memory_space<vmem>>, vector<16xf32>,
        %parallel_loop3A_648 = arith.addf %parallel_loop3A_647, %get3A_9 : vector<16xf32>
        %parallel_loop3A_649 = arith.constant 3 : i32
        %parallel_loop3A_650 = arith.constant 0 : i32
        %parallel_loop3A_651 = arith.constant 0 : i32
        %parallel_loop3A_652 = tpu.memref_slice %arg9[%parallel_loop3A_649, %parallel_loop3A_650, %parallel_loop3A_651] : memref<5x64x129xf32, #tpu.memory_space<vmem>> -> memref<1x64x129xf32, #tpu.memory_space<vmem>>
        %parallel_loop3A_653 = tpu.memref_squeeze %parallel_loop3A_652 : memref<1x64x129xf32, #tpu.memory_space<vmem>> -> memref<64x129xf32, #tpu.memory_space<vmem>>
        tpu.vector_store_idx %parallel_loop3A_653[%add3A_22, %parallel_loop3A_620], %parallel_loop3A_648 : memref<64x129xf32, #tpu.memory_space<vmem>>[vector<16xi32>, vector<16xi32>], vector<16xf32>,
        %parallel_loop3A_654 = arith.constant 3 : i32
        %parallel_loop3A_655 = arith.index_cast %parallel_loop3A_654 : i32 to index
        %parallel_loop3A_656 = arith.index_cast %parallel_loop3A_619 : i32 to index
        %parallel_loop3A_657 = arith.constant 48 : index
        %parallel_loop3A_658 = tpu.vector_load %arg8[%parallel_loop3A_655, %parallel_loop3A_656, %parallel_loop3A_657] {strides = array<i32>} : memref<5x128x64xf32, #tpu.memory_space<vmem>>, vector<16xf32>,
        %parallel_loop3A_659 = arith.addf %parallel_loop3A_658, %get3A_11 : vector<16xf32>
        %parallel_loop3A_660 = arith.constant 3 : i32
        %parallel_loop3A_661 = arith.constant 0 : i32
        %parallel_loop3A_662 = arith.constant 0 : i32
        %parallel_loop3A_663 = tpu.memref_slice %arg9[%parallel_loop3A_660, %parallel_loop3A_661, %parallel_loop3A_662] : memref<5x64x129xf32, #tpu.memory_space<vmem>> -> memref<1x64x129xf32, #tpu.memory_space<vmem>>
        %parallel_loop3A_664 = tpu.memref_squeeze %parallel_loop3A_663 : memref<1x64x129xf32, #tpu.memory_space<vmem>> -> memref<64x129xf32, #tpu.memory_space<vmem>>
        tpu.vector_store_idx %parallel_loop3A_664[%add3A_26, %parallel_loop3A_620], %parallel_loop3A_659 : memref<64x129xf32, #tpu.memory_space<vmem>>[vector<16xi32>, vector<16xi32>], vector<16xf32>,
      } {sc.loop_unroll_factor = 4 : i64, sc.parallel_access}
      %add3A_467 = arith.addi %mul3A_2, %add3A_438 : i32
      %jit3A_468 = arith.constant 8 : i32
      %div3A_469 = arith.divsi %add3A_467, %jit3A_468 : i32
      %sign3A_470 = arith.constant 0 : i32
      %sign3A_471 = arith.cmpi sgt, %add3A_467, %sign3A_470 : i32
      %sign3A_472 = arith.extui %sign3A_471 : i1 to i32
      %sign3A_473 = arith.constant 0 : i32
      %sign3A_474 = arith.cmpi slt, %add3A_467, %sign3A_473 : i32
      %sign3A_475 = arith.extui %sign3A_474 : i1 to i32
      %sign3A_476 = arith.subi %sign3A_472, %sign3A_475 : i32
      %sign3A_477 = arith.constant 0 : i32
      %sign3A_478 = arith.cmpi sgt, %jit3A_468, %sign3A_477 : i32
      %sign3A_479 = arith.extui %sign3A_478 : i1 to i32
      %sign3A_480 = arith.constant 0 : i32
      %sign3A_481 = arith.cmpi slt, %jit3A_468, %sign3A_480 : i32
      %sign3A_482 = arith.extui %sign3A_481 : i1 to i32
      %sign3A_483 = arith.subi %sign3A_479, %sign3A_482 : i32
      %ne3A_484 = arith.cmpi ne, %sign3A_476, %sign3A_483 : i32
      %rem3A_485 = arith.remsi %add3A_467, %jit3A_468 : i32
      %ne3A_486 = arith.constant 0 : i32
      %ne3A_487 = arith.cmpi ne, %rem3A_485, %ne3A_486 : i32
      %and3A_488 = arith.andi %ne3A_484, %ne3A_487 : i1
      %sub3A_489 = arith.constant 1 : i32
      %sub3A_490 = arith.subi %div3A_469, %sub3A_489 : i32
      %select_n3A_491 = arith.select %and3A_488, %sub3A_490, %div3A_469 : i32
      %jit3A_492 = arith.constant 8 : i32
      %eq3A_493 = arith.constant 0 : i32
      %eq3A_494 = arith.cmpi eq, %jit3A_492, %eq3A_493 : i32
      %jit3A_495 = arith.constant 1 : i32
      %select_n3A_496 = arith.select %eq3A_494, %jit3A_495, %jit3A_492 : i32
      %rem3A_497 = arith.remsi %add3A_467, %select_n3A_496 : i32
      %ne3A_498 = arith.constant 0 : i32
      %ne3A_499 = arith.cmpi ne, %rem3A_497, %ne3A_498 : i32
      %lt3A_500 = arith.constant 0 : i32
      %lt3A_501 = arith.cmpi slt, %rem3A_497, %lt3A_500 : i32
      %lt3A_502 = arith.constant 0 : i32
      %lt3A_503 = arith.cmpi slt, %select_n3A_496, %lt3A_502 : i32
      %ne3A_504 = arith.xori %lt3A_501, %lt3A_503 : i1
      %and3A_505 = arith.andi %ne3A_504, %ne3A_499 : i1
      %add3A_506 = arith.addi %rem3A_497, %select_n3A_496 : i32
      %select_n3A_507 = arith.select %and3A_505, %add3A_506, %rem3A_497 : i32
      %mul3A_508 = arith.constant 128 : i32
      %mul3A_509 = arith.muli %select_n3A_507, %mul3A_508 : i32
      %dma_start3A_510 = arith.constant 3 : i32
      %dma_start3A_511 = arith.constant 3 : i32
      %dma_start3A_512 = arith.constant 0 : i32
      %dma_start3A_513 = arith.constant 0 : i32
      %dma_start3A_514 = tpu.memref_slice %arg9[%dma_start3A_510, %dma_start3A_512, %dma_start3A_513] : memref<5x64x129xf32, #tpu.memory_space<vmem>> -> memref<1x64x128xf32, #tpu.memory_space<vmem>>
      %dma_start3A_515 = tpu.memref_squeeze %dma_start3A_514 : memref<1x64x128xf32, #tpu.memory_space<vmem>> -> memref<64x128xf32, #tpu.memory_space<vmem>>
      %dma_start3A_516 = arith.constant 0 : i32
      %dma_start3A_517 = tpu.memref_slice %arg5[%select_n3A_491, %dma_start3A_516, %mul3A_509] : memref<200x64x1024xf32, #tpu.memory_space<hbm>> -> memref<1x64x128xf32, #tpu.memory_space<hbm>>
      %dma_start3A_518 = tpu.memref_squeeze %dma_start3A_517 : memref<1x64x128xf32, #tpu.memory_space<hbm>> -> memref<64x128xf32, #tpu.memory_space<hbm>>
      %dma_start3A_519 = tpu.memref_slice %arg11[%dma_start3A_511] : memref<5x!tpu.dma_semaphore, #tpu.memory_space<semaphore_mem>> -> memref<1x!tpu.dma_semaphore, #tpu.memory_space<semaphore_mem>>
      %dma_start3A_520 = tpu.memref_squeeze %dma_start3A_519 : memref<1x!tpu.dma_semaphore, #tpu.memory_space<semaphore_mem>> -> memref<!tpu.dma_semaphore, #tpu.memory_space<semaphore_mem>>
      %dma_start3A_521 = arith.constant 0 : i32
      %dma_start3A_522 = tpu.memref_slice %arg5[%select_n3A_491, %dma_start3A_521, %mul3A_509] : memref<200x64x1024xf32, #tpu.memory_space<hbm>> -> memref<1x64x128xf32, #tpu.memory_space<hbm>>
      %dma_start3A_523 = tpu.memref_squeeze %dma_start3A_522 : memref<1x64x128xf32, #tpu.memory_space<hbm>> -> memref<64x128xf32, #tpu.memory_space<hbm>>
      %dma_start3A_524 = arith.constant 0 : i32
      %dma_start3A_525 = arith.constant 0 : i32
      %dma_start3A_526 = tpu.memref_slice %arg9[%dma_start3A_510, %dma_start3A_524, %dma_start3A_525] : memref<5x64x129xf32, #tpu.memory_space<vmem>> -> memref<1x64x128xf32, #tpu.memory_space<vmem>>
      %dma_start3A_527 = tpu.memref_squeeze %dma_start3A_526 : memref<1x64x128xf32, #tpu.memory_space<vmem>> -> memref<64x128xf32, #tpu.memory_space<vmem>>
      tpu.enqueue_dma source(%dma_start3A_527 : memref<64x128xf32, #tpu.memory_space<vmem>>) target(%dma_start3A_523 : memref<64x128xf32, #tpu.memory_space<hbm>>) target_semaphore(%dma_start3A_520 : memref<!tpu.dma_semaphore, #tpu.memory_space<semaphore_mem>>)
      %add3A_528 = arith.constant 4 : i32
      %add3A_529 = arith.addi %add3A_177, %add3A_528 : i32
      %add3A_530 = arith.constant 3 : i32
      %add3A_531 = arith.addi %add3A_529, %add3A_530 : i32
      %lt3A_532 = arith.constant 50 : i32
      %lt3A_533 = arith.cmpi slt, %add3A_531, %lt3A_532 : i32
      %convert_element_type3A_534 = arith.extui %lt3A_533 : i1 to i32
      %cond3A_535 = arith.constant 0 : i32
      %cond3A_536 = arith.cmpi ne, %convert_element_type3A_534, %cond3A_535 : i32
      scf.if %cond3A_536 {
        %mul3A_619 = arith.constant 128 : i32
        %mul3A_620 = arith.muli %add3A_531, %mul3A_619 : i32
        %dma_start3A_621 = arith.constant 2 : i32
        %dma_start3A_622 = arith.constant 2 : i32
        %dma_start3A_623 = arith.constant 0 : i32
        %dma_start3A_624 = arith.constant 0 : i32
        %dma_start3A_625 = tpu.memref_slice %arg8[%dma_start3A_621, %dma_start3A_623, %dma_start3A_624] : memref<5x128x64xf32, #tpu.memory_space<vmem>> -> memref<1x128x64xf32, #tpu.memory_space<vmem>>
        %dma_start3A_626 = tpu.memref_squeeze %dma_start3A_625 : memref<1x128x64xf32, #tpu.memory_space<vmem>> -> memref<128x64xf32, #tpu.memory_space<vmem>>
        %dma_start3A_627 = tpu.memref_slice %arg6[%mul3A_620] : memref<6400xi32, #tpu.memory_space<vmem>> -> memref<128xi32, #tpu.memory_space<vmem>>
        %dma_start3A_628 = arith.constant 0 : i32
        %dma_start3A_629 = arith.constant 0 : i32
        %dma_start3A_630 = tpu.memref_slice %arg4[%dma_start3A_628, %dma_start3A_629] : memref<1000000x64xf32, #tpu.memory_space<hbm>> -> memref<1000000x64xf32, #tpu.memory_space<hbm>>
        %dma_start3A_631 = tpu.memref_slice %arg10[%dma_start3A_622] : memref<5x!tpu.dma_semaphore, #tpu.memory_space<semaphore_mem>> -> memref<1x!tpu.dma_semaphore, #tpu.memory_space<semaphore_mem>>
        %dma_start3A_632 = tpu.memref_squeeze %dma_start3A_631 : memref<1x!tpu.dma_semaphore, #tpu.memory_space<semaphore_mem>> -> memref<!tpu.dma_semaphore, #tpu.memory_space<semaphore_mem>>
        tpu.enqueue_indirect_dma source(%dma_start3A_630 : memref<1000000x64xf32, #tpu.memory_space<hbm>>) target(%dma_start3A_626 : memref<128x64xf32, #tpu.memory_space<vmem>>) offsets(%dma_start3A_627 : memref<128xi32, #tpu.memory_space<vmem>>) semaphore(%dma_start3A_632 : memref<!tpu.dma_semaphore, #tpu.memory_space<semaphore_mem>>)
      } else {
      }
      %dma_wait3A_537 = arith.constant 4 : i32
      %dma_wait3A_538 = arith.constant 4 : i32
      %dma_wait3A_539 = arith.constant 0 : i32
      %dma_wait3A_540 = arith.constant 0 : i32
      %dma_wait3A_541 = tpu.memref_slice %arg8[%dma_wait3A_537, %dma_wait3A_539, %dma_wait3A_540] : memref<5x128x64xf32, #tpu.memory_space<vmem>> -> memref<1x128x64xf32, #tpu.memory_space<vmem>>
      %dma_wait3A_542 = tpu.memref_squeeze %dma_wait3A_541 : memref<1x128x64xf32, #tpu.memory_space<vmem>> -> memref<128x64xf32, #tpu.memory_space<vmem>>
      %dma_wait3A_543 = arith.constant 0 : i32
      %dma_wait3A_544 = tpu.memref_slice %arg6[%dma_wait3A_543] : memref<6400xi32, #tpu.memory_space<vmem>> -> memref<128xi32, #tpu.memory_space<vmem>>
      %dma_wait3A_545 = arith.constant 0 : i32
      %dma_wait3A_546 = arith.constant 0 : i32
      %dma_wait3A_547 = tpu.memref_slice %arg4[%dma_wait3A_545, %dma_wait3A_546] : memref<1000000x64xf32, #tpu.memory_space<hbm>> -> memref<1000000x64xf32, #tpu.memory_space<hbm>>
      %dma_wait3A_548 = tpu.memref_slice %arg10[%dma_wait3A_538] : memref<5x!tpu.dma_semaphore, #tpu.memory_space<semaphore_mem>> -> memref<1x!tpu.dma_semaphore, #tpu.memory_space<semaphore_mem>>
      %dma_wait3A_549 = tpu.memref_squeeze %dma_wait3A_548 : memref<1x!tpu.dma_semaphore, #tpu.memory_space<semaphore_mem>> -> memref<!tpu.dma_semaphore, #tpu.memory_space<semaphore_mem>>
      tpu.wait_indirect_dma semaphore(%dma_wait3A_549 : memref<!tpu.dma_semaphore, #tpu.memory_space<semaphore_mem>>) src(%dma_wait3A_547 : memref<1000000x64xf32, #tpu.memory_space<hbm>>) dst(%dma_wait3A_542 : memref<128x64xf32, #tpu.memory_space<vmem>>)
      %ge3A_550 = arith.constant 5 : i32
      %ge3A_551 = arith.cmpi sge, %add3A_529, %ge3A_550 : i32
      %convert_element_type3A_552 = arith.extui %ge3A_551 : i1 to i32
      %cond3A_553 = arith.constant 0 : i32
      %cond3A_554 = arith.cmpi ne, %convert_element_type3A_552, %cond3A_553 : i32
      scf.if %cond3A_554 {
        %dma_wait3A_619 = arith.constant 4 : i32
        %dma_wait3A_620 = arith.constant 0 : i32
        %dma_wait3A_621 = arith.constant 4 : i32
        %dma_wait3A_622 = arith.constant 0 : i32
        %dma_wait3A_623 = arith.constant 0 : i32
        %dma_wait3A_624 = tpu.memref_slice %arg9[%dma_wait3A_619, %dma_wait3A_622, %dma_wait3A_623] : memref<5x64x129xf32, #tpu.memory_space<vmem>> -> memref<1x64x128xf32, #tpu.memory_space<vmem>>
        %dma_wait3A_625 = tpu.memref_squeeze %dma_wait3A_624 : memref<1x64x128xf32, #tpu.memory_space<vmem>> -> memref<64x128xf32, #tpu.memory_space<vmem>>
        %dma_wait3A_626 = arith.constant 0 : i32
        %dma_wait3A_627 = arith.constant 0 : i32
        %dma_wait3A_628 = tpu.memref_slice %arg5[%dma_wait3A_620, %dma_wait3A_626, %dma_wait3A_627] : memref<200x64x1024xf32, #tpu.memory_space<hbm>> -> memref<1x64x128xf32, #tpu.memory_space<hbm>>
        %dma_wait3A_629 = tpu.memref_squeeze %dma_wait3A_628 : memref<1x64x128xf32, #tpu.memory_space<hbm>> -> memref<64x128xf32, #tpu.memory_space<hbm>>
        %dma_wait3A_630 = tpu.memref_slice %arg11[%dma_wait3A_621] : memref<5x!tpu.dma_semaphore, #tpu.memory_space<semaphore_mem>> -> memref<1x!tpu.dma_semaphore, #tpu.memory_space<semaphore_mem>>
        %dma_wait3A_631 = tpu.memref_squeeze %dma_wait3A_630 : memref<1x!tpu.dma_semaphore, #tpu.memory_space<semaphore_mem>> -> memref<!tpu.dma_semaphore, #tpu.memory_space<semaphore_mem>>
        %dma_wait3A_632 = arith.constant 0 : i32
        %dma_wait3A_633 = arith.constant 0 : i32
        %dma_wait3A_634 = tpu.memref_slice %arg5[%dma_wait3A_620, %dma_wait3A_632, %dma_wait3A_633] : memref<200x64x1024xf32, #tpu.memory_space<hbm>> -> memref<1x64x128xf32, #tpu.memory_space<hbm>>
        %dma_wait3A_635 = tpu.memref_squeeze %dma_wait3A_634 : memref<1x64x128xf32, #tpu.memory_space<hbm>> -> memref<64x128xf32, #tpu.memory_space<hbm>>
        %dma_wait3A_636 = arith.constant 0 : i32
        %dma_wait3A_637 = arith.constant 0 : i32
        %dma_wait3A_638 = tpu.memref_slice %arg9[%dma_wait3A_619, %dma_wait3A_636, %dma_wait3A_637] : memref<5x64x129xf32, #tpu.memory_space<vmem>> -> memref<1x64x128xf32, #tpu.memory_space<vmem>>
        %dma_wait3A_639 = tpu.memref_squeeze %dma_wait3A_638 : memref<1x64x128xf32, #tpu.memory_space<vmem>> -> memref<64x128xf32, #tpu.memory_space<vmem>>
        tpu.wait_dma2 semaphore(%dma_wait3A_631 : memref<!tpu.dma_semaphore, #tpu.memory_space<semaphore_mem>>) src(%dma_wait3A_639 : memref<64x128xf32, #tpu.memory_space<vmem>>) dst(%dma_wait3A_635 : memref<64x128xf32, #tpu.memory_space<hbm>>)
      } else {
      }
      %parallel_loop3A_555 = arith.constant 0 : i32
      %parallel_loop3A_556 = arith.constant 128 : i32
      %parallel_loop3A_557 = arith.constant 1 : i32
      scf.for %parallel_loop3A_619 = %parallel_loop3A_555 to %parallel_loop3A_556 step %parallel_loop3A_557  : i32 {
        %parallel_loop3A_620 = vector.broadcast %parallel_loop3A_619 : i32 to vector<16xi32>
        %parallel_loop3A_621 = arith.constant 4 : i32
        %parallel_loop3A_622 = arith.index_cast %parallel_loop3A_621 : i32 to index
        %parallel_loop3A_623 = arith.index_cast %parallel_loop3A_619 : i32 to index
        %parallel_loop3A_624 = arith.constant 0 : index
        %parallel_loop3A_625 = tpu.vector_load %arg8[%parallel_loop3A_622, %parallel_loop3A_623, %parallel_loop3A_624] {strides = array<i32>} : memref<5x128x64xf32, #tpu.memory_space<vmem>>, vector<16xf32>,
        %parallel_loop3A_626 = arith.addf %parallel_loop3A_625, %get3A_5 : vector<16xf32>
        %parallel_loop3A_627 = arith.constant 4 : i32
        %parallel_loop3A_628 = arith.constant 0 : i32
        %parallel_loop3A_629 = arith.constant 0 : i32
        %parallel_loop3A_630 = tpu.memref_slice %arg9[%parallel_loop3A_627, %parallel_loop3A_628, %parallel_loop3A_629] : memref<5x64x129xf32, #tpu.memory_space<vmem>> -> memref<1x64x129xf32, #tpu.memory_space<vmem>>
        %parallel_loop3A_631 = tpu.memref_squeeze %parallel_loop3A_630 : memref<1x64x129xf32, #tpu.memory_space<vmem>> -> memref<64x129xf32, #tpu.memory_space<vmem>>
        tpu.vector_store_idx %parallel_loop3A_631[%add3A_14, %parallel_loop3A_620], %parallel_loop3A_626 : memref<64x129xf32, #tpu.memory_space<vmem>>[vector<16xi32>, vector<16xi32>], vector<16xf32>,
        %parallel_loop3A_632 = arith.constant 4 : i32
        %parallel_loop3A_633 = arith.index_cast %parallel_loop3A_632 : i32 to index
        %parallel_loop3A_634 = arith.index_cast %parallel_loop3A_619 : i32 to index
        %parallel_loop3A_635 = arith.constant 16 : index
        %parallel_loop3A_636 = tpu.vector_load %arg8[%parallel_loop3A_633, %parallel_loop3A_634, %parallel_loop3A_635] {strides = array<i32>} : memref<5x128x64xf32, #tpu.memory_space<vmem>>, vector<16xf32>,
        %parallel_loop3A_637 = arith.addf %parallel_loop3A_636, %get3A_7 : vector<16xf32>
        %parallel_loop3A_638 = arith.constant 4 : i32
        %parallel_loop3A_639 = arith.constant 0 : i32
        %parallel_loop3A_640 = arith.constant 0 : i32
        %parallel_loop3A_641 = tpu.memref_slice %arg9[%parallel_loop3A_638, %parallel_loop3A_639, %parallel_loop3A_640] : memref<5x64x129xf32, #tpu.memory_space<vmem>> -> memref<1x64x129xf32, #tpu.memory_space<vmem>>
        %parallel_loop3A_642 = tpu.memref_squeeze %parallel_loop3A_641 : memref<1x64x129xf32, #tpu.memory_space<vmem>> -> memref<64x129xf32, #tpu.memory_space<vmem>>
        tpu.vector_store_idx %parallel_loop3A_642[%add3A_18, %parallel_loop3A_620], %parallel_loop3A_637 : memref<64x129xf32, #tpu.memory_space<vmem>>[vector<16xi32>, vector<16xi32>], vector<16xf32>,
        %parallel_loop3A_643 = arith.constant 4 : i32
        %parallel_loop3A_644 = arith.index_cast %parallel_loop3A_643 : i32 to index
        %parallel_loop3A_645 = arith.index_cast %parallel_loop3A_619 : i32 to index
        %parallel_loop3A_646 = arith.constant 32 : index
        %parallel_loop3A_647 = tpu.vector_load %arg8[%parallel_loop3A_644, %parallel_loop3A_645, %parallel_loop3A_646] {strides = array<i32>} : memref<5x128x64xf32, #tpu.memory_space<vmem>>, vector<16xf32>,
        %parallel_loop3A_648 = arith.addf %parallel_loop3A_647, %get3A_9 : vector<16xf32>
        %parallel_loop3A_649 = arith.constant 4 : i32
        %parallel_loop3A_650 = arith.constant 0 : i32
        %parallel_loop3A_651 = arith.constant 0 : i32
        %parallel_loop3A_652 = tpu.memref_slice %arg9[%parallel_loop3A_649, %parallel_loop3A_650, %parallel_loop3A_651] : memref<5x64x129xf32, #tpu.memory_space<vmem>> -> memref<1x64x129xf32, #tpu.memory_space<vmem>>
        %parallel_loop3A_653 = tpu.memref_squeeze %parallel_loop3A_652 : memref<1x64x129xf32, #tpu.memory_space<vmem>> -> memref<64x129xf32, #tpu.memory_space<vmem>>
        tpu.vector_store_idx %parallel_loop3A_653[%add3A_22, %parallel_loop3A_620], %parallel_loop3A_648 : memref<64x129xf32, #tpu.memory_space<vmem>>[vector<16xi32>, vector<16xi32>], vector<16xf32>,
        %parallel_loop3A_654 = arith.constant 4 : i32
        %parallel_loop3A_655 = arith.index_cast %parallel_loop3A_654 : i32 to index
        %parallel_loop3A_656 = arith.index_cast %parallel_loop3A_619 : i32 to index
        %parallel_loop3A_657 = arith.constant 48 : index
        %parallel_loop3A_658 = tpu.vector_load %arg8[%parallel_loop3A_655, %parallel_loop3A_656, %parallel_loop3A_657] {strides = array<i32>} : memref<5x128x64xf32, #tpu.memory_space<vmem>>, vector<16xf32>,
        %parallel_loop3A_659 = arith.addf %parallel_loop3A_658, %get3A_11 : vector<16xf32>
        %parallel_loop3A_660 = arith.constant 4 : i32
        %parallel_loop3A_661 = arith.constant 0 : i32
        %parallel_loop3A_662 = arith.constant 0 : i32
        %parallel_loop3A_663 = tpu.memref_slice %arg9[%parallel_loop3A_660, %parallel_loop3A_661, %parallel_loop3A_662] : memref<5x64x129xf32, #tpu.memory_space<vmem>> -> memref<1x64x129xf32, #tpu.memory_space<vmem>>
        %parallel_loop3A_664 = tpu.memref_squeeze %parallel_loop3A_663 : memref<1x64x129xf32, #tpu.memory_space<vmem>> -> memref<64x129xf32, #tpu.memory_space<vmem>>
        tpu.vector_store_idx %parallel_loop3A_664[%add3A_26, %parallel_loop3A_620], %parallel_loop3A_659 : memref<64x129xf32, #tpu.memory_space<vmem>>[vector<16xi32>, vector<16xi32>], vector<16xf32>,
      } {sc.loop_unroll_factor = 4 : i64, sc.parallel_access}
      %add3A_558 = arith.addi %mul3A_2, %add3A_529 : i32
      %jit3A_559 = arith.constant 8 : i32
      %div3A_560 = arith.divsi %add3A_558, %jit3A_559 : i32
      %sign3A_561 = arith.constant 0 : i32
      %sign3A_562 = arith.cmpi sgt, %add3A_558, %sign3A_561 : i32
      %sign3A_563 = arith.extui %sign3A_562 : i1 to i32
      %sign3A_564 = arith.constant 0 : i32
      %sign3A_565 = arith.cmpi slt, %add3A_558, %sign3A_564 : i32
      %sign3A_566 = arith.extui %sign3A_565 : i1 to i32
      %sign3A_567 = arith.subi %sign3A_563, %sign3A_566 : i32
      %sign3A_568 = arith.constant 0 : i32
      %sign3A_569 = arith.cmpi sgt, %jit3A_559, %sign3A_568 : i32
      %sign3A_570 = arith.extui %sign3A_569 : i1 to i32
      %sign3A_571 = arith.constant 0 : i32
      %sign3A_572 = arith.cmpi slt, %jit3A_559, %sign3A_571 : i32
      %sign3A_573 = arith.extui %sign3A_572 : i1 to i32
      %sign3A_574 = arith.subi %sign3A_570, %sign3A_573 : i32
      %ne3A_575 = arith.cmpi ne, %sign3A_567, %sign3A_574 : i32
      %rem3A_576 = arith.remsi %add3A_558, %jit3A_559 : i32
      %ne3A_577 = arith.constant 0 : i32
      %ne3A_578 = arith.cmpi ne, %rem3A_576, %ne3A_577 : i32
      %and3A_579 = arith.andi %ne3A_575, %ne3A_578 : i1
      %sub3A_580 = arith.constant 1 : i32
      %sub3A_581 = arith.subi %div3A_560, %sub3A_580 : i32
      %select_n3A_582 = arith.select %and3A_579, %sub3A_581, %div3A_560 : i32
      %jit3A_583 = arith.constant 8 : i32
      %eq3A_584 = arith.constant 0 : i32
      %eq3A_585 = arith.cmpi eq, %jit3A_583, %eq3A_584 : i32
      %jit3A_586 = arith.constant 1 : i32
      %select_n3A_587 = arith.select %eq3A_585, %jit3A_586, %jit3A_583 : i32
      %rem3A_588 = arith.remsi %add3A_558, %select_n3A_587 : i32
      %ne3A_589 = arith.constant 0 : i32
      %ne3A_590 = arith.cmpi ne, %rem3A_588, %ne3A_589 : i32
      %lt3A_591 = arith.constant 0 : i32
      %lt3A_592 = arith.cmpi slt, %rem3A_588, %lt3A_591 : i32
      %lt3A_593 = arith.constant 0 : i32
      %lt3A_594 = arith.cmpi slt, %select_n3A_587, %lt3A_593 : i32
      %ne3A_595 = arith.xori %lt3A_592, %lt3A_594 : i1
      %and3A_596 = arith.andi %ne3A_595, %ne3A_590 : i1
      %add3A_597 = arith.addi %rem3A_588, %select_n3A_587 : i32
      %select_n3A_598 = arith.select %and3A_596, %add3A_597, %rem3A_588 : i32
      %mul3A_599 = arith.constant 128 : i32
      %mul3A_600 = arith.muli %select_n3A_598, %mul3A_599 : i32
      %dma_start3A_601 = arith.constant 4 : i32
      %dma_start3A_602 = arith.constant 4 : i32
      %dma_start3A_603 = arith.constant 0 : i32
      %dma_start3A_604 = arith.constant 0 : i32
      %dma_start3A_605 = tpu.memref_slice %arg9[%dma_start3A_601, %dma_start3A_603, %dma_start3A_604] : memref<5x64x129xf32, #tpu.memory_space<vmem>> -> memref<1x64x128xf32, #tpu.memory_space<vmem>>
      %dma_start3A_606 = tpu.memref_squeeze %dma_start3A_605 : memref<1x64x128xf32, #tpu.memory_space<vmem>> -> memref<64x128xf32, #tpu.memory_space<vmem>>
      %dma_start3A_607 = arith.constant 0 : i32
      %dma_start3A_608 = tpu.memref_slice %arg5[%select_n3A_582, %dma_start3A_607, %mul3A_600] : memref<200x64x1024xf32, #tpu.memory_space<hbm>> -> memref<1x64x128xf32, #tpu.memory_space<hbm>>
      %dma_start3A_609 = tpu.memref_squeeze %dma_start3A_608 : memref<1x64x128xf32, #tpu.memory_space<hbm>> -> memref<64x128xf32, #tpu.memory_space<hbm>>
      %dma_start3A_610 = tpu.memref_slice %arg11[%dma_start3A_602] : memref<5x!tpu.dma_semaphore, #tpu.memory_space<semaphore_mem>> -> memref<1x!tpu.dma_semaphore, #tpu.memory_space<semaphore_mem>>
      %dma_start3A_611 = tpu.memref_squeeze %dma_start3A_610 : memref<1x!tpu.dma_semaphore, #tpu.memory_space<semaphore_mem>> -> memref<!tpu.dma_semaphore, #tpu.memory_space<semaphore_mem>>
      %dma_start3A_612 = arith.constant 0 : i32
      %dma_start3A_613 = tpu.memref_slice %arg5[%select_n3A_582, %dma_start3A_612, %mul3A_600] : memref<200x64x1024xf32, #tpu.memory_space<hbm>> -> memref<1x64x128xf32, #tpu.memory_space<hbm>>
      %dma_start3A_614 = tpu.memref_squeeze %dma_start3A_613 : memref<1x64x128xf32, #tpu.memory_space<hbm>> -> memref<64x128xf32, #tpu.memory_space<hbm>>
      %dma_start3A_615 = arith.constant 0 : i32
      %dma_start3A_616 = arith.constant 0 : i32
      %dma_start3A_617 = tpu.memref_slice %arg9[%dma_start3A_601, %dma_start3A_615, %dma_start3A_616] : memref<5x64x129xf32, #tpu.memory_space<vmem>> -> memref<1x64x128xf32, #tpu.memory_space<vmem>>
      %dma_start3A_618 = tpu.memref_squeeze %dma_start3A_617 : memref<1x64x128xf32, #tpu.memory_space<vmem>> -> memref<64x128xf32, #tpu.memory_space<vmem>>
      tpu.enqueue_dma source(%dma_start3A_618 : memref<64x128xf32, #tpu.memory_space<vmem>>) target(%dma_start3A_614 : memref<64x128xf32, #tpu.memory_space<hbm>>) target_semaphore(%dma_start3A_611 : memref<!tpu.dma_semaphore, #tpu.memory_space<semaphore_mem>>)
    }
    %scan3A_68 = arith.constant 10 : i32
    %dma_wait3A = arith.constant 0 : i32
    %dma_wait3A_69 = arith.constant 0 : i32
    %dma_wait3A_70 = arith.constant 0 : i32
    %dma_wait3A_71 = arith.constant 0 : i32
    %dma_wait3A_72 = arith.constant 0 : i32
    %dma_wait3A_73 = tpu.memref_slice %arg9[%dma_wait3A, %dma_wait3A_71, %dma_wait3A_72] : memref<5x64x129xf32, #tpu.memory_space<vmem>> -> memref<1x64x128xf32, #tpu.memory_space<vmem>>
    %dma_wait3A_74 = tpu.memref_squeeze %dma_wait3A_73 : memref<1x64x128xf32, #tpu.memory_space<vmem>> -> memref<64x128xf32, #tpu.memory_space<vmem>>
    %dma_wait3A_75 = arith.constant 0 : i32
    %dma_wait3A_76 = arith.constant 0 : i32
    %dma_wait3A_77 = tpu.memref_slice %arg5[%dma_wait3A_69, %dma_wait3A_75, %dma_wait3A_76] : memref<200x64x1024xf32, #tpu.memory_space<hbm>> -> memref<1x64x128xf32, #tpu.memory_space<hbm>>
    %dma_wait3A_78 = tpu.memref_squeeze %dma_wait3A_77 : memref<1x64x128xf32, #tpu.memory_space<hbm>> -> memref<64x128xf32, #tpu.memory_space<hbm>>
    %dma_wait3A_79 = tpu.memref_slice %arg11[%dma_wait3A_70] : memref<5x!tpu.dma_semaphore, #tpu.memory_space<semaphore_mem>> -> memref<1x!tpu.dma_semaphore, #tpu.memory_space<semaphore_mem>>
    %dma_wait3A_80 = tpu.memref_squeeze %dma_wait3A_79 : memref<1x!tpu.dma_semaphore, #tpu.memory_space<semaphore_mem>> -> memref<!tpu.dma_semaphore, #tpu.memory_space<semaphore_mem>>
    %dma_wait3A_81 = arith.constant 0 : i32
    %dma_wait3A_82 = arith.constant 0 : i32
    %dma_wait3A_83 = tpu.memref_slice %arg5[%dma_wait3A_69, %dma_wait3A_81, %dma_wait3A_82] : memref<200x64x1024xf32, #tpu.memory_space<hbm>> -> memref<1x64x128xf32, #tpu.memory_space<hbm>>
    %dma_wait3A_84 = tpu.memref_squeeze %dma_wait3A_83 : memref<1x64x128xf32, #tpu.memory_space<hbm>> -> memref<64x128xf32, #tpu.memory_space<hbm>>
    %dma_wait3A_85 = arith.constant 0 : i32
    %dma_wait3A_86 = arith.constant 0 : i32
    %dma_wait3A_87 = tpu.memref_slice %arg9[%dma_wait3A, %dma_wait3A_85, %dma_wait3A_86] : memref<5x64x129xf32, #tpu.memory_space<vmem>> -> memref<1x64x128xf32, #tpu.memory_space<vmem>>
    %dma_wait3A_88 = tpu.memref_squeeze %dma_wait3A_87 : memref<1x64x128xf32, #tpu.memory_space<vmem>> -> memref<64x128xf32, #tpu.memory_space<vmem>>
    tpu.wait_dma2 semaphore(%dma_wait3A_80 : memref<!tpu.dma_semaphore, #tpu.memory_space<semaphore_mem>>) src(%dma_wait3A_88 : memref<64x128xf32, #tpu.memory_space<vmem>>) dst(%dma_wait3A_84 : memref<64x128xf32, #tpu.memory_space<hbm>>)
    %dma_wait3A_89 = arith.constant 1 : i32
    %dma_wait3A_90 = arith.constant 0 : i32
    %dma_wait3A_91 = arith.constant 1 : i32
    %dma_wait3A_92 = arith.constant 0 : i32
    %dma_wait3A_93 = arith.constant 0 : i32
    %dma_wait3A_94 = tpu.memref_slice %arg9[%dma_wait3A_89, %dma_wait3A_92, %dma_wait3A_93] : memref<5x64x129xf32, #tpu.memory_space<vmem>> -> memref<1x64x128xf32, #tpu.memory_space<vmem>>
    %dma_wait3A_95 = tpu.memref_squeeze %dma_wait3A_94 : memref<1x64x128xf32, #tpu.memory_space<vmem>> -> memref<64x128xf32, #tpu.memory_space<vmem>>
    %dma_wait3A_96 = arith.constant 0 : i32
    %dma_wait3A_97 = arith.constant 0 : i32
    %dma_wait3A_98 = tpu.memref_slice %arg5[%dma_wait3A_90, %dma_wait3A_96, %dma_wait3A_97] : memref<200x64x1024xf32, #tpu.memory_space<hbm>> -> memref<1x64x128xf32, #tpu.memory_space<hbm>>
    %dma_wait3A_99 = tpu.memref_squeeze %dma_wait3A_98 : memref<1x64x128xf32, #tpu.memory_space<hbm>> -> memref<64x128xf32, #tpu.memory_space<hbm>>
    %dma_wait3A_100 = tpu.memref_slice %arg11[%dma_wait3A_91] : memref<5x!tpu.dma_semaphore, #tpu.memory_space<semaphore_mem>> -> memref<1x!tpu.dma_semaphore, #tpu.memory_space<semaphore_mem>>
    %dma_wait3A_101 = tpu.memref_squeeze %dma_wait3A_100 : memref<1x!tpu.dma_semaphore, #tpu.memory_space<semaphore_mem>> -> memref<!tpu.dma_semaphore, #tpu.memory_space<semaphore_mem>>
    %dma_wait3A_102 = arith.constant 0 : i32
    %dma_wait3A_103 = arith.constant 0 : i32
    %dma_wait3A_104 = tpu.memref_slice %arg5[%dma_wait3A_90, %dma_wait3A_102, %dma_wait3A_103] : memref<200x64x1024xf32, #tpu.memory_space<hbm>> -> memref<1x64x128xf32, #tpu.memory_space<hbm>>
    %dma_wait3A_105 = tpu.memref_squeeze %dma_wait3A_104 : memref<1x64x128xf32, #tpu.memory_space<hbm>> -> memref<64x128xf32, #tpu.memory_space<hbm>>
    %dma_wait3A_106 = arith.constant 0 : i32
    %dma_wait3A_107 = arith.constant 0 : i32
    %dma_wait3A_108 = tpu.memref_slice %arg9[%dma_wait3A_89, %dma_wait3A_106, %dma_wait3A_107] : memref<5x64x129xf32, #tpu.memory_space<vmem>> -> memref<1x64x128xf32, #tpu.memory_space<vmem>>
    %dma_wait3A_109 = tpu.memref_squeeze %dma_wait3A_108 : memref<1x64x128xf32, #tpu.memory_space<vmem>> -> memref<64x128xf32, #tpu.memory_space<vmem>>
    tpu.wait_dma2 semaphore(%dma_wait3A_101 : memref<!tpu.dma_semaphore, #tpu.memory_space<semaphore_mem>>) src(%dma_wait3A_109 : memref<64x128xf32, #tpu.memory_space<vmem>>) dst(%dma_wait3A_105 : memref<64x128xf32, #tpu.memory_space<hbm>>)
    %dma_wait3A_110 = arith.constant 2 : i32
    %dma_wait3A_111 = arith.constant 0 : i32
    %dma_wait3A_112 = arith.constant 2 : i32
    %dma_wait3A_113 = arith.constant 0 : i32
    %dma_wait3A_114 = arith.constant 0 : i32
    %dma_wait3A_115 = tpu.memref_slice %arg9[%dma_wait3A_110, %dma_wait3A_113, %dma_wait3A_114] : memref<5x64x129xf32, #tpu.memory_space<vmem>> -> memref<1x64x128xf32, #tpu.memory_space<vmem>>
    %dma_wait3A_116 = tpu.memref_squeeze %dma_wait3A_115 : memref<1x64x128xf32, #tpu.memory_space<vmem>> -> memref<64x128xf32, #tpu.memory_space<vmem>>
    %dma_wait3A_117 = arith.constant 0 : i32
    %dma_wait3A_118 = arith.constant 0 : i32
    %dma_wait3A_119 = tpu.memref_slice %arg5[%dma_wait3A_111, %dma_wait3A_117, %dma_wait3A_118] : memref<200x64x1024xf32, #tpu.memory_space<hbm>> -> memref<1x64x128xf32, #tpu.memory_space<hbm>>
    %dma_wait3A_120 = tpu.memref_squeeze %dma_wait3A_119 : memref<1x64x128xf32, #tpu.memory_space<hbm>> -> memref<64x128xf32, #tpu.memory_space<hbm>>
    %dma_wait3A_121 = tpu.memref_slice %arg11[%dma_wait3A_112] : memref<5x!tpu.dma_semaphore, #tpu.memory_space<semaphore_mem>> -> memref<1x!tpu.dma_semaphore, #tpu.memory_space<semaphore_mem>>
    %dma_wait3A_122 = tpu.memref_squeeze %dma_wait3A_121 : memref<1x!tpu.dma_semaphore, #tpu.memory_space<semaphore_mem>> -> memref<!tpu.dma_semaphore, #tpu.memory_space<semaphore_mem>>
    %dma_wait3A_123 = arith.constant 0 : i32
    %dma_wait3A_124 = arith.constant 0 : i32
    %dma_wait3A_125 = tpu.memref_slice %arg5[%dma_wait3A_111, %dma_wait3A_123, %dma_wait3A_124] : memref<200x64x1024xf32, #tpu.memory_space<hbm>> -> memref<1x64x128xf32, #tpu.memory_space<hbm>>
    %dma_wait3A_126 = tpu.memref_squeeze %dma_wait3A_125 : memref<1x64x128xf32, #tpu.memory_space<hbm>> -> memref<64x128xf32, #tpu.memory_space<hbm>>
    %dma_wait3A_127 = arith.constant 0 : i32
    %dma_wait3A_128 = arith.constant 0 : i32
    %dma_wait3A_129 = tpu.memref_slice %arg9[%dma_wait3A_110, %dma_wait3A_127, %dma_wait3A_128] : memref<5x64x129xf32, #tpu.memory_space<vmem>> -> memref<1x64x128xf32, #tpu.memory_space<vmem>>
    %dma_wait3A_130 = tpu.memref_squeeze %dma_wait3A_129 : memref<1x64x128xf32, #tpu.memory_space<vmem>> -> memref<64x128xf32, #tpu.memory_space<vmem>>
    tpu.wait_dma2 semaphore(%dma_wait3A_122 : memref<!tpu.dma_semaphore, #tpu.memory_space<semaphore_mem>>) src(%dma_wait3A_130 : memref<64x128xf32, #tpu.memory_space<vmem>>) dst(%dma_wait3A_126 : memref<64x128xf32, #tpu.memory_space<hbm>>)
    %dma_wait3A_131 = arith.constant 3 : i32
    %dma_wait3A_132 = arith.constant 0 : i32
    %dma_wait3A_133 = arith.constant 3 : i32
    %dma_wait3A_134 = arith.constant 0 : i32
    %dma_wait3A_135 = arith.constant 0 : i32
    %dma_wait3A_136 = tpu.memref_slice %arg9[%dma_wait3A_131, %dma_wait3A_134, %dma_wait3A_135] : memref<5x64x129xf32, #tpu.memory_space<vmem>> -> memref<1x64x128xf32, #tpu.memory_space<vmem>>
    %dma_wait3A_137 = tpu.memref_squeeze %dma_wait3A_136 : memref<1x64x128xf32, #tpu.memory_space<vmem>> -> memref<64x128xf32, #tpu.memory_space<vmem>>
    %dma_wait3A_138 = arith.constant 0 : i32
    %dma_wait3A_139 = arith.constant 0 : i32
    %dma_wait3A_140 = tpu.memref_slice %arg5[%dma_wait3A_132, %dma_wait3A_138, %dma_wait3A_139] : memref<200x64x1024xf32, #tpu.memory_space<hbm>> -> memref<1x64x128xf32, #tpu.memory_space<hbm>>
    %dma_wait3A_141 = tpu.memref_squeeze %dma_wait3A_140 : memref<1x64x128xf32, #tpu.memory_space<hbm>> -> memref<64x128xf32, #tpu.memory_space<hbm>>
    %dma_wait3A_142 = tpu.memref_slice %arg11[%dma_wait3A_133] : memref<5x!tpu.dma_semaphore, #tpu.memory_space<semaphore_mem>> -> memref<1x!tpu.dma_semaphore, #tpu.memory_space<semaphore_mem>>
    %dma_wait3A_143 = tpu.memref_squeeze %dma_wait3A_142 : memref<1x!tpu.dma_semaphore, #tpu.memory_space<semaphore_mem>> -> memref<!tpu.dma_semaphore, #tpu.memory_space<semaphore_mem>>
    %dma_wait3A_144 = arith.constant 0 : i32
    %dma_wait3A_145 = arith.constant 0 : i32
    %dma_wait3A_146 = tpu.memref_slice %arg5[%dma_wait3A_132, %dma_wait3A_144, %dma_wait3A_145] : memref<200x64x1024xf32, #tpu.memory_space<hbm>> -> memref<1x64x128xf32, #tpu.memory_space<hbm>>
    %dma_wait3A_147 = tpu.memref_squeeze %dma_wait3A_146 : memref<1x64x128xf32, #tpu.memory_space<hbm>> -> memref<64x128xf32, #tpu.memory_space<hbm>>
    %dma_wait3A_148 = arith.constant 0 : i32
    %dma_wait3A_149 = arith.constant 0 : i32
    %dma_wait3A_150 = tpu.memref_slice %arg9[%dma_wait3A_131, %dma_wait3A_148, %dma_wait3A_149] : memref<5x64x129xf32, #tpu.memory_space<vmem>> -> memref<1x64x128xf32, #tpu.memory_space<vmem>>
    %dma_wait3A_151 = tpu.memref_squeeze %dma_wait3A_150 : memref<1x64x128xf32, #tpu.memory_space<vmem>> -> memref<64x128xf32, #tpu.memory_space<vmem>>
    tpu.wait_dma2 semaphore(%dma_wait3A_143 : memref<!tpu.dma_semaphore, #tpu.memory_space<semaphore_mem>>) src(%dma_wait3A_151 : memref<64x128xf32, #tpu.memory_space<vmem>>) dst(%dma_wait3A_147 : memref<64x128xf32, #tpu.memory_space<hbm>>)
    %dma_wait3A_152 = arith.constant 4 : i32
    %dma_wait3A_153 = arith.constant 0 : i32
    %dma_wait3A_154 = arith.constant 4 : i32
    %dma_wait3A_155 = arith.constant 0 : i32
    %dma_wait3A_156 = arith.constant 0 : i32
    %dma_wait3A_157 = tpu.memref_slice %arg9[%dma_wait3A_152, %dma_wait3A_155, %dma_wait3A_156] : memref<5x64x129xf32, #tpu.memory_space<vmem>> -> memref<1x64x128xf32, #tpu.memory_space<vmem>>
    %dma_wait3A_158 = tpu.memref_squeeze %dma_wait3A_157 : memref<1x64x128xf32, #tpu.memory_space<vmem>> -> memref<64x128xf32, #tpu.memory_space<vmem>>
    %dma_wait3A_159 = arith.constant 0 : i32
    %dma_wait3A_160 = arith.constant 0 : i32
    %dma_wait3A_161 = tpu.memref_slice %arg5[%dma_wait3A_153, %dma_wait3A_159, %dma_wait3A_160] : memref<200x64x1024xf32, #tpu.memory_space<hbm>> -> memref<1x64x128xf32, #tpu.memory_space<hbm>>
    %dma_wait3A_162 = tpu.memref_squeeze %dma_wait3A_161 : memref<1x64x128xf32, #tpu.memory_space<hbm>> -> memref<64x128xf32, #tpu.memory_space<hbm>>
    %dma_wait3A_163 = tpu.memref_slice %arg11[%dma_wait3A_154] : memref<5x!tpu.dma_semaphore, #tpu.memory_space<semaphore_mem>> -> memref<1x!tpu.dma_semaphore, #tpu.memory_space<semaphore_mem>>
    %dma_wait3A_164 = tpu.memref_squeeze %dma_wait3A_163 : memref<1x!tpu.dma_semaphore, #tpu.memory_space<semaphore_mem>> -> memref<!tpu.dma_semaphore, #tpu.memory_space<semaphore_mem>>
    %dma_wait3A_165 = arith.constant 0 : i32
    %dma_wait3A_166 = arith.constant 0 : i32
    %dma_wait3A_167 = tpu.memref_slice %arg5[%dma_wait3A_153, %dma_wait3A_165, %dma_wait3A_166] : memref<200x64x1024xf32, #tpu.memory_space<hbm>> -> memref<1x64x128xf32, #tpu.memory_space<hbm>>
    %dma_wait3A_168 = tpu.memref_squeeze %dma_wait3A_167 : memref<1x64x128xf32, #tpu.memory_space<hbm>> -> memref<64x128xf32, #tpu.memory_space<hbm>>
    %dma_wait3A_169 = arith.constant 0 : i32
    %dma_wait3A_170 = arith.constant 0 : i32
    %dma_wait3A_171 = tpu.memref_slice %arg9[%dma_wait3A_152, %dma_wait3A_169, %dma_wait3A_170] : memref<5x64x129xf32, #tpu.memory_space<vmem>> -> memref<1x64x128xf32, #tpu.memory_space<vmem>>
    %dma_wait3A_172 = tpu.memref_squeeze %dma_wait3A_171 : memref<1x64x128xf32, #tpu.memory_space<vmem>> -> memref<64x128xf32, #tpu.memory_space<vmem>>
    tpu.wait_dma2 semaphore(%dma_wait3A_164 : memref<!tpu.dma_semaphore, #tpu.memory_space<semaphore_mem>>) src(%dma_wait3A_172 : memref<64x128xf32, #tpu.memory_space<vmem>>) dst(%dma_wait3A_168 : memref<64x128xf32, #tpu.memory_space<hbm>>)
    return
  }
}

</mosaic_0001>

<sc_bundles>
// kernel: kernel.3.cloned.1.call-start
scs
__scs_entry_jumppad:
0x0: {  	(pc) =	sbr.rel $0x88, $3  }
0x1: {  	(tag) =	ssettag $0x0;
	lr =	simm.s32 $0x1  }
0x2: {  	[smem:$0x3F9F] =	sst lr;
	_ =	strace $0xD0000000  }
0x3: {  	_ = 	snop  }
0x4: {  	_ = 	snop  }
0x5: {  	_ = 	snop  }
0x6: {  	_ = 	snop  }
0x7: {  	_ = 	snop  }
__scs_overlays_trampoline_lowered:
0x8: {  	[smem:$0x3FAE] =	sst s0  }
0x9: {  	[smem:$0x3FAF] =	sst s1  }
0xa: {  	[smem:$0x3FB0] =	sst s2  }
0xb: {  	[smem:$0x3FB1] =	sst s3  }
0xc: {  	[smem:$0x3FB2] =	sst s4  }
0xd: {  	[smem:$0x3FB3] =	sst s5  }
0xe: {  	[smem:$0x3FB4] =	sst s6  }
0xf: {  	[smem:$0x3FB5] =	sst s7  }
0x10: {  	[smem:$0x3FB6] =	sst s8  }
0x11: {  	[smem:$0x3FB7] =	sst s9;
	s0 =	simm.s32 @!p0 $0x0  }
0x12: {  	s1 =	sld [smem:$0x3F9D];
	s0 =	simm.s32 @p0 $0x1  }
0x13: {  	[smem:$0x3FB8] =	sst s0;
	s0 =	simm.s32 @!p1 $0x0  }
0x14: {  	s2 =	sld [smem:$0x3F9C];
	s0 =	simm.s32 @p1 $0x1  }
0x15: {  	[smem:$0x3FB9] =	sst s0;
	s0 =	simm.s32 @!p2 $0x0  }
0x16: {  	s3 =	sld [smem:$0x3FDB];
	s0 =	simm.s32 @p2 $0x1  }
0x17: {  	s4 =	simm.s32 $0x1BF5;
	[smem:$0x3FBB] =	sst s0  }
0x18: {  	s0 =	sld [smem:$0x3F9E];
	_ =	swait.ge [sflag:s4], $0x0  }
0x19: {  	s7 =	sld [smem:$0x3F9F]  }
0x1a: {  	s8 =	sadd.s32 $0xFFFFE003, lr  }
0x1b: {  	s9 =	sadd.s32 $0xFFFFFEF7, lr;
	s5 =	simm.s32 $0xFFFFFFFF;
	p2 =	slt.u32 s8, $0xFFFFF086  }
0x1c: {  	p1 =	slt.u32 s9, $0xF7A;
	s5 =	simm.s32 @!p2 $0x0  }
0x1d: {  	s5 =	simm.s32 @p1 $0x1;
	p0 =	seq.s32 s7, s2  }
0x1e: {  	s7 =	smul.u32 @!p0 $0xF7A, s2;
	p2 =	seq.s32 @!p0 s5, $0x0  }
0x1f: {  	s9 =	smul.u32 $0xF7A, s1;
	s8 =	simm.s32 @!p0 $0x1BF5;
	p2 =	por !p2, p0  }
0x20: {  	[sflag:s8] =	ssyncset.s32 @!p0 $0xFFFFF086;
	s6 =	sadd.s32 @!p0 s3, s7;
	s7 =	simm.s32 @!p0 $0x108  }
0x21: {  	s3 =	sadd.s32 s3, s9;
	s6 =	sadd.s32 @!p0 $0x88, s6;
	s7 =	simm.s32 @p2 $0x1082  }
0x22: {  	[simem:s7], [sflag:s8] =	dma.local @!p0 [hbm:s6], $0xF7A  }
0x23: {  	s9 =	sor.u32 $0xD0000000, s2;
	s6 =	simm.s32 $0x108;
	_ =	swait.ge @!p0 [sflag:s8], $0x0  }
0x24: {  	s3 =	sadd.s32 $0x88, s3;
	s6 =	simm.s32 @!p1 $0x1082;
	[sflag:s4] =	ssyncset.s32 $0xFFFFF086  }
0x25: {  	[simem:s6], [sflag:s4] =	dma.local [hbm:s3], $0xF7A  }
0x26: {  	[smem:$0x3F9F] =	sst s1;
	(tag) =	ssettag s2;
	_ =	strace s9  }
0x27: {  	s1 =	sld [smem:$0x3FAF]  }
0x28: {  	s2 =	sld [smem:$0x3FB0]  }
0x29: {  	s4 =	sld [smem:$0x3FB2]  }
0x2a: {  	p0 =	seq.s32 s5, $0x0;
	s5 =	sld [smem:$0x3FB3]  }
0x2b: {  	s6 =	sld [smem:$0x3FB4]  }
0x2c: {  	s7 =	sld [smem:$0x3FB5]  }
0x2d: {  	s3 =	simm.s32 $0x108;
	s8 =	sld [smem:$0x3FB6]  }
0x2e: {  	s3 =	simm.s32 @!p0 $0x1082;
	s9 =	sld [smem:$0x3FB7]  }
0x2f: {  	lr =	sadd.s32 s0, s3;
	s0 =	sld [smem:$0x3FAE]  }
0x30: {  	s3 =	sld [smem:$0x3FB1]  }
0x31: {  	[smem:$0x3FBA] =	sst s10  }
0x32: {  	s10 =	sld [smem:$0x3FB8];
	_ =	sdelay $0x3  }
0x33: {  	p0 =	seq.s32 s10, $0x1;
	s10 =	sld [smem:$0x3FBA];
	_ =	sdelay $0x3  }
0x34: {  	[smem:$0x3FBA] =	sst s10  }
0x35: {  	s10 =	sld [smem:$0x3FB9];
	_ =	sdelay $0x3  }
0x36: {  	p1 =	seq.s32 s10, $0x1;
	s10 =	sld [smem:$0x3FBA];
	_ =	sdelay $0x3  }
0x37: {  	[smem:$0x3FBA] =	sst s10  }
0x38: {  	s10 =	sld [smem:$0x3FBB]  }
0x39: {  	_ = 	snop;
	(pc) =	sbr.ind lr, $3  }
0x3a: {  	_ = 	snop  }
0x3b: {  	_ = 	snop  }
0x3c: {  	p2 =	seq.s32 s10, $0x1;
	s10 =	sld [smem:$0x3FBA]  }
0x3d: {  	_ =	shalt  }
0x3e: {  	_ =	shalt  }
0x3f: {  	_ =	shalt  }
0x40: {  	_ =	shalt  }
0x41: {  	_ =	shalt  }
0x42: {  	_ =	shalt  }
0x43: {  	_ =	shalt  }
0x44: {  	_ =	shalt  }
0x45: {  	_ =	shalt  }
0x46: {  	_ =	shalt  }
0x47: {  	_ =	shalt  }
0x48: {  	_ =	shalt  }
0x49: {  	_ =	shalt  }
0x4a: {  	_ =	shalt  }
0x4b: {  	_ =	shalt  }
0x4c: {  	_ =	shalt  }
0x4d: {  	_ =	shalt  }
0x4e: {  	_ =	shalt  }
0x4f: {  	_ =	shalt  }
0x50: {  	_ =	shalt  }
0x51: {  	_ =	shalt  }
0x52: {  	_ =	shalt  }
0x53: {  	_ =	shalt  }
0x54: {  	_ =	shalt  }
0x55: {  	_ =	shalt  }
0x56: {  	_ =	shalt  }
0x57: {  	_ =	shalt  }
0x58: {  	_ =	shalt  }
0x59: {  	_ =	shalt  }
0x5a: {  	_ =	shalt  }
0x5b: {  	_ =	shalt  }
0x5c: {  	_ =	shalt  }
0x5d: {  	_ =	shalt  }
0x5e: {  	_ =	shalt  }
0x5f: {  	_ =	shalt  }
0x60: {  	_ =	shalt  }
0x61: {  	_ =	shalt  }
0x62: {  	_ =	shalt  }
0x63: {  	_ =	shalt  }
0x64: {  	_ =	shalt  }
0x65: {  	_ =	shalt  }
0x66: {  	_ =	shalt  }
0x67: {  	_ =	shalt  }
0x68: {  	_ =	shalt  }
0x69: {  	_ =	shalt  }
0x6a: {  	_ =	shalt  }
0x6b: {  	_ =	shalt  }
0x6c: {  	_ =	shalt  }
0x6d: {  	_ =	shalt  }
0x6e: {  	_ =	shalt  }
0x6f: {  	_ =	shalt  }
0x70: {  	_ =	shalt  }
0x71: {  	_ =	shalt  }
0x72: {  	_ =	shalt  }
0x73: {  	_ =	shalt  }
0x74: {  	_ =	shalt  }
0x75: {  	_ =	shalt  }
0x76: {  	_ =	shalt  }
0x77: {  	_ =	shalt  }
0x78: {  	_ =	shalt  }
0x79: {  	_ =	shalt  }
0x7a: {  	_ =	shalt  }
0x7b: {  	_ =	shalt  }
0x7c: {  	_ =	shalt  }
0x7d: {  	_ =	shalt  }
0x7e: {  	_ =	shalt  }
0x7f: {  	_ =	shalt  }
0x80: {  	_ =	shalt  }
0x81: {  	_ =	shalt  }
0x82: {  	_ =	shalt  }
0x83: {  	_ =	shalt  }
0x84: {  	_ =	shalt  }
0x85: {  	_ =	shalt  }
0x86: {  	_ =	shalt  }
0x87: {  	_ =	shalt  }
.Lfunc_end0:
.L_simem_size_0:
called_computation_lowered:
.L_overlay_start_0:
0x88: {  	s2 =	sld [smem:$0x3FD9]  }
0x89: {  	s3 =	sld [smem:$0x3FFE];
	_ =	sdelay $0x1  }
0x8a: {  	s1 =	srdreg.scid  }
0x8b: {  	s0 =	sand.u32 $0x1, s1  }
0x8c: {  	s17 =	sshll.u32 s0, $0xA;
	s2 =	sadd.s32 s3, s2  }
0x8d: {  	s2 =	sadd.s32 s2, s17  }
0x8e: {  	[smem:$0x3FC6] =	sst s2  }
0x8f: {  	_ = 	snop  }
0x90: {  	s2 =	sld [smem:$0x3FD0];
	(tm) =	ssettm $0x1  }
0x91: {  	s18 =	sld [smem:$0x3FFB];
	_ =	sdelay $0x3  }
0x92: {  	_ =	strace s18  }
0x93: {  	s3 =	sld [smem:$0x3FFC];
	_ =	sdelay $0x3  }
0x94: {  	_ =	strace s3  }
0x95: {  	s3 =	sld [smem:$0x3FFD];
	_ =	sdelay $0x3  }
0x96: {  	_ =	strace s3  }
0x97: {  	_ =	strace $0x8FFFFFFF  }
0x98: {  	s19 =	sld [smem:$0x3FDB];
	_ =	sdelay $0x1  }
0x99: {  	s4 =	simm.s32 $_scs_section_size  }
0x9a: {  	s5 =	simm.s32 $_size__tile_overlayer_lowered;
	s6 =	simm.s32 $_tile_overlayer_lowered  }
0x9b: {  	s22 =	simm.s32 $0x1BFF;
	s21 =	sshll.u32 s6, $0x1;
	s3 =	sadd.s32 s4, s19  }
0x9c: {  	s7 =	simm.s32 $0x0;
	s20 =	sshll.u32 s5, $0x1;
	s5 =	sadd.s32 s21, s3  }
0x9d: {  	[timem:s7], [sflag:s22] =	dma.local [hbm:s5], s20  }
0x9e: {  	_ =	swait.ge [sflag:s22], s20  }
0x9f: {  	s4 =	ssub.s32 $0x0, s20;
	[sflag:s22] =	ssyncset.done $0x0  }
0xa0: {  	[sflag:s22] =	ssyncadd.s32 s4;
	_ =	sdelay $0x1  }
0xa1: {  	s23 =	simm.s32 $0x1B8B  }
0xa2: {  	_ =	swait.ge [sflag:s23], $0x1  }
0xa3: {  	[sflag:s23] =	ssyncset.done $0x0  }
0xa4: {  	s25 =	simm.s32 $0x1B8E;
	s24 =	sld [smem:$0x3FFE];
	[sflag:s23] =	ssyncadd.s32 $0xFFFFFFFF  }
0xa5: {  	s26 =	simm.s32 $execute0_lowered;
	[smem:$0x3FD2] =	sst s25  }
0xa6: {  	s5 =	sshll.u32 s26, $0x1;
	_ =	strace $0x80000046;
	[dreg:$0x1] =	wrdreg $0xFFFFFFFF  }
0xa7: {  	s28 =	simm.s32 $_size_execute0_lowered;
	s3 =	sadd.s32 s3, s5;
	[dreg:$0x0] =	wrdreg $0x0  }
0xa8: {  	s5 =	sshll.u32 s28, $0x1;
	[dreg:$0x2] =	wrdreg s3  }
0xa9: {  	[dreg:$0x3] =	wrdreg s5  }
0xaa: {  	[dreg:$0x4] =	wrdreg $0xC0  }
0xab: {  	_ =	task [dreg:s7], $0x5FFFF  }
0xac: {  	[dreg:$0x1] =	wrdreg $0xFFFFFFFF  }
0xad: {  	[dreg:$0x0] =	wrdreg $0x60  }
0xae: {  	[dreg:$0x2] =	wrdreg s2  }
0xaf: {  	[dreg:$0x3] =	wrdreg s24  }
0xb0: {  	[dreg:$0x4] =	wrdreg $0x9  }
0xb1: {  	_ =	task.clear_ibuf [dreg:s7], $0x5FFFF;
	_ =	strace $0x90000046  }
0xb2: {  	s29 =	simm.s32 $0x9;
	_ =	strace $0x80000048  }
0xb3: {  	_ =	swait.ge [sflag:s29], $0x1  }
0xb4: {  	[sflag:s29] =	ssyncadd.s32 $0xFFFFFFFF  }
0xb5: {  	_ =	strace $0x90000048  }
0xb6: {  	_ =	sfence  }
0xb7: {  	s30 =	sld [smem:$0x0];
	_ =	sdelay $0x2  }
0xb8: {  	s31 =	sshll.u32 s1, $0xD;
	s1 =	sshrl.u32 s1, $0x2  }
0xb9: {  	s3 =	sand.u32 $0x4000, s31;
	s1 =	sadd.s32 s1, s30  }
0xba: {  	s0 =	sor.u32 s3, s0;
	s1 =	sshll.u32 s1, $0x11  }
0xbb: {  	s0 =	sor.u32 s1, s0  }
0xbc: {  	s0 =	sadd.s32 $0x8F2B, s0  }
0xbd: {  	[sflag:s0] =	ssyncadd.remote.s32 $0x1  }
0xbe: {  	_ =	sfence.sel $0xFFFF  }
0xbf: {  	[dreg:$0x0] =	wrdreg $0xFFFFFFFF;
	(pc) =	sbr.abs _section_cstart, $3  }
0xc0: {  	[dreg:$0x1] =	wrdreg $0xFFFFFFFF  }
0xc1: {  	_ =	task.clear_ibuf [dreg:s7], $0x2FFFF;
	_ =	strace $0x9FFFFFFF  }
0xc2: {  	(tm) =	ssettm $0x7FFFFFFF  }
0xc3: {  	_ =	shalt  }
tec
execute0_lowered:
.L_overlay_start_1:
0x0: {  	(tag) =	ssettag $0x1  }
0x1: {  	s0 =	rddreg [dreg:$0x0]  }
0x2: {  	s1 =	rddreg [dreg:$0x1];
	s3 =	srdreg.scid  }
0x3: {  	s5 =	stileid.u32;
	s2 =	simm.s32 $0x0;
	s13 =	simm.s32 $0x80  }
0x4: {  	s18 =	simm.s32 $0x7940;
	s19 =	simm.s32 $0x1;
	s20 =	simm.s32 $0xB940  }
0x5: {  	s21 =	simm.s32 $0x9940;
	s22 =	simm.s32 $0x2;
	s23 =	simm.s32 $0xDB40  }
0x6: {  	s28 =	simm.s32 $0x4;
	s29 =	simm.s32 $0x9;
	s30 =	simm.s32 $0x11F40  }
0x7: {  	s31 =	simm.s32 $0x5;
	s4 =	sand.u32 $0x1, s3;
	s24 =	sshll.u32 s5, $0x1  }
0x8: {  	[smem:$0x7FF] =	sst s2;
	s6 =	sadd.s32 $0x800, s1;
	s5 =	sor.u32 s4, s24  }
0x9: {  	_ =	strace $0x80000047;
	[dreg:$0x3] =	wrdreg s6;
	s4 =	ssub.s32 $0x2, s4  }
0xa: {  	s6 =	sadd.s32 $0xA00, s1;
	s24 =	simm.s32 $0x3;
	s7 =	smul.u32 $0x320, s5  }
0xb: {  	s3 =	smul.u32 $0x32, s5;
	s5 =	sadd.s32 $0xF42E00, s1;
	s25 =	sshrl.u32 s4, $0x1  }
0xc: {  	v0 =	vlaneseq.u32;
	s1 =	ssub.s32 s4, s25;
	s25 =	simm.s32 $0x8;
	s0 =	sadd.s32 s0, s7  }
0xd: {  	v0 =	vmul.u32 $0x88, v0;
	s8 =	sor.u32 $0x1, s3;
	s9 =	sadd.s32 $0x2, s3;
	s26 =	smax.u32 s1, $0x1  }
0xe: {  	s1 =	simm.s32 $0x14140;
	s7 =	simm.s32 $0x0;
	[dreg:$0x4] =	wrdreg s0  }
0xf: {  	v1 =	vadd.s32 $0x880, v0;
	v2 =	vadd.s32 $0x1100, v0;
	v3 =	vadd.s32 $0x1980, v0;
	[dreg:$0x5] =	wrdreg s26;
	s26 =	simm.s32 $0xFD40;
	s0 =	simm.s32 $0xA  }
.LBB2_1:
0x10: {  	[dreg:$0x6] =	wrdreg s7  }
0x11: {  	s4 =	rddreg [dreg:$0x4];
	s11 =	simm.s32 $0xB  }
0x12: {  	[tilespmem:s2], [sflag:$0xB] =	stream.linear.gather [hbm4b:s4+s2], $0x1900, $0x38;
	[tilespmem:$0x16340] =	vst v63  }
0x13: {  	_ =	swait.ge [sflag:s11], $0x1900  }
0x14: {  	[sflag:s11] =	ssyncset.done $0x0  }
0x15: {  	s10 =	simm.s32 $0x1900;
	s12 =	rddreg [dreg:$0x3];
	[sflag:s11] =	ssyncadd.s32 $0xFFFFE700  }
0x16: {  	[tilespmem:s10], [sflag:$0xB] =	stream.linear.gather [hbm4b:s12+s2], $0x40, $0x38;
	[tilespmem:$0x16340] =	vst v63  }
0x17: {  	_ =	swait.ge [sflag:s11], $0x40  }
0x18: {  	[sflag:s11] =	ssyncset.done $0x0  }
0x19: {  	[sflag:s11] =	ssyncadd.s32 $0xFFFFFFC0  }
0x1a: {  	v4 =	vld [tilespmem:$0x1900]  }
0x1b: {  	v5 =	vld [tilespmem:$0x1910]  }
0x1c: {  	s14 =	simm.s32 $0x1940;
	v6 =	vld [tilespmem:$0x1920]  }
0x1d: {  	v7 =	vld [tilespmem:$0x1930];
	[tilespmem:s14], [sflag:$0x1] =	stream.indirect.gather [hbm4b:s5+s13], $0x40, s2, s13, $0xb8  }
0x1e: {  	s15 =	simm.s32 $0x3940  }
0x1f: {  	[tilespmem:s15], [sflag:$0x2] =	stream.indirect.gather [hbm4b:s5+s13], $0x40, s13, s13, $0xb8;
	[tilespmem:$0x16340] =	vst v63  }
0x20: {  	s16 =	simm.s32 $0x100;
	s17 =	simm.s32 $0x5940;
	s7 =	simm.s32 $0x0  }
0x21: {  	[tilespmem:s17], [sflag:$0x3] =	stream.indirect.gather [hbm4b:s5+s13], $0x40, s16, s13, $0xb8;
	[tilespmem:$0x16340] =	vst v63  }
.LBB2_2:
0x22: {  	s16 =	smul.u32 $0x5, s7;
	_ =	sdelay $0x1  }
0x23: {  	s12 =	sadd.s32 $0x3, s16  }
0x24: {  	s4 =	sshll.u32 s12, $0x7  }
0x25: {  	s4 =	sand.u32 $0x3FFFFF80, s4  }
0x26: {  	[tilespmem:s18], [sflag:$0x4] =	stream.indirect.gather [hbm4b:s5+s13], $0x40, s4, s13, $0xb8;
	[tilespmem:$0x16340] =	vst v63  }
0x27: {  	_ =	swait.ge [sflag:s19], $0x2000  }
0x28: {  	p0 =	seq.s32 s7, $0x0;
	[sflag:s19] =	ssyncset.done $0x0  }
0x29: {  	s4 =	simm.s32 @!p0 $0x6;
	[sflag:s19] =	ssyncadd.s32 $0xFFFFE000  }
0x2a: {  	_ =	swait.ge @!p0 [sflag:s4], $0x2000  }
0x2b: {  	[sflag:s4] =	ssyncset.done @!p0 $0x0  }
0x2c: {  	s14 =	simm.s32 $0x19C0;
	s10 =	simm.s32 $0x3;
	[sflag:s4] =	ssyncadd.s32 @!p0 $0xFFFFE000  }
0x2d: {  	v8 =	vmov s10;
	v9 =	vld [tilespmem:s14+$0x40]  }
0x2e: {  	v13 =	vand.u32 $0x7F, v8  }
0x2f: {  	s11 =	simm.s32 $0x0;
	v8 =	vadd.s32 v0, v13  }
0x30: {  	s15 =	simm.s32 $0x1;
	v10 =	vmov s11;
	s10 =	simm.s32 $0x2;
	v11 =	vld [tilespmem:s14+$0xFFFFFF80]  }
0x31: {  	v12 =	vand.u32 $0x7C, v10;
	v10 =	vmov s15;
	v15 =	vmov s10;
	v14 =	vld [tilespmem:s14+$0xFFFFFFC0]  }
0x32: {  	v16 =	vadd.s32 v0, v12;
	v19 =	vand.u32 $0x7D, v10;
	v10 =	vld [tilespmem:s14+$0x0];
	v9 =	vadd.f32 v9, v4  }
0x33: {  	v20 =	vand.u32 $0x7E, v15;
	v17 =	vadd.s32 v0, v19  }
0x34: {  	v15 =	vadd.s32 v0, v20;
	[tilespmem:v8+s20+$0x0] =	vst.idx.msk $0xffff, v9  }
0x35: {  	v8 =	vadd.f32 v11, v4;
	v9 =	vld [tilespmem:s14+$0x50]  }
0x36: {  	v11 =	vadd.f32 v14, v4  }
0x37: {  	[tilespmem:v16+s20+$0x0] =	vst.idx.msk $0xffff, v8;
	v8 =	vadd.f32 v10, v4;
	v10 =	vadd.s32 v1, v13  }
0x38: {  	[tilespmem:v17+s20+$0x0] =	vst.idx.msk $0xffff, v11;
	v14 =	vld [tilespmem:s14+$0xFFFFFF90]  }
0x39: {  	v11 =	vld [tilespmem:s14+$0xFFFFFFD0];
	[tilespmem:v15+s20+$0x0] =	vst.idx.msk $0xffff, v8  }
0x3a: {  	v15 =	vld [tilespmem:s14+$0x10];
	v8 =	vadd.f32 v9, v5  }
0x3b: {  	s11 =	simm.s32 $0x7;
	s10 =	simm.s32 $0x1AC0;
	v16 =	vadd.s32 v1, v19  }
0x3c: {  	s17 =	simm.s32 $0x4;
	v21 =	vadd.s32 v1, v12;
	v18 =	vld [tilespmem:s10+$0x40];
	v17 =	vadd.s32 v1, v20;
	[tilespmem:v10+s20+$0x0] =	vst.idx.msk $0xffff, v8;
	v8 =	vmov s11  }
0x3d: {  	v26 =	vadd.s32 v2, v13;
	v9 =	vmov s17;
	v8 =	vand.u32 $0x7F, v8;
	v22 =	vld [tilespmem:s14+$0x60]  }
0x3e: {  	s15 =	simm.s32 $0x5;
	v23 =	vld [tilespmem:s10+$0xFFFFFF80];
	v9 =	vand.u32 $0x7C, v9;
	v10 =	vadd.f32 v11, v5;
	v24 =	vadd.s32 v0, v8  }
0x3f: {  	v25 =	vld [tilespmem:s10+$0xFFFFFFC0];
	s17 =	simm.s32 $0x6;
	v14 =	vadd.f32 v14, v5;
	v11 =	vadd.f32 v15, v5;
	v15 =	vmov s15  }
0x40: {  	v27 =	vadd.s32 v0, v9;
	[tilespmem:v16+s20+$0x0] =	vst.idx.msk $0xffff, v10;
	v16 =	vmov s17;
	v10 =	vand.u32 $0x7D, v15;
	v15 =	vld [tilespmem:s10+$0x0]  }
0x41: {  	[tilespmem:v17+s20+$0x0] =	vst.idx.msk $0xffff, v11;
	v17 =	vadd.s32 v0, v10;
	v11 =	vand.u32 $0x7E, v16;
	v16 =	vadd.f32 v18, v4;
	v18 =	vld [tilespmem:s14+$0xFFFFFFE0]  }
0x42: {  	[tilespmem:v21+s20+$0x0] =	vst.idx.msk $0xffff, v14;
	v14 =	vadd.s32 v0, v11;
	v21 =	vld [tilespmem:s14+$0x20];
	v22 =	vadd.f32 v22, v6  }
0x43: {  	v23 =	vadd.f32 v23, v4;
	[tilespmem:v24+s20+$0x0] =	vst.idx.msk $0xffff, v16;
	v16 =	vld [tilespmem:s14+$0xFFFFFFA0];
	v24 =	vadd.s32 v2, v19  }
0x44: {  	v29 =	vadd.s32 v2, v20;
	v25 =	vadd.f32 v25, v4;
	v28 =	vld [tilespmem:s10+$0x50];
	[tilespmem:v26+s20+$0x0] =	vst.idx.msk $0xffff, v22  }
0x45: {  	[tilespmem:v27+s20+$0x0] =	vst.idx.msk $0xffff, v23;
	v23 =	vadd.s32 v2, v12;
	v15 =	vadd.f32 v15, v4;
	v26 =	vld [tilespmem:s14+$0x70]  }
0x46: {  	v27 =	vld [tilespmem:s10+$0xFFFFFF90];
	[tilespmem:v17+s20+$0x0] =	vst.idx.msk $0xffff, v25;
	v25 =	vadd.s32 v1, v8;
	v18 =	vadd.f32 v18, v6  }
0x47: {  	v31 =	vadd.s32 v3, v13;
	v30 =	vld [tilespmem:s10+$0xFFFFFFD0];
	[tilespmem:v14+s20+$0x0] =	vst.idx.msk $0xffff, v15;
	v14 =	vadd.f32 v21, v6  }
0x48: {  	v22 =	vadd.s32 v1, v9;
	v17 =	vld [tilespmem:s10+$0x10];
	v13 =	vadd.f32 v16, v6;
	[tilespmem:v24+s20+$0x0] =	vst.idx.msk $0xffff, v18  }
0x49: {  	s4 =	simm.s32 $0x8;
	v21 =	vadd.s32 v1, v10;
	[tilespmem:v29+s20+$0x0] =	vst.idx.msk $0xffff, v14;
	v18 =	vadd.f32 v28, v5;
	v16 =	vld [tilespmem:s14+$0xFFFFFFF0]  }
0x4a: {  	v24 =	vmov s4;
	v14 =	vadd.s32 v1, v11;
	v15 =	vld [tilespmem:s14+$0x30];
	[tilespmem:v23+s20+$0x0] =	vst.idx.msk $0xffff, v13;
	v63 =	vadd.f32 v26, v7  }
0x4b: {  	s11 =	simm.s32 $0x1BC0;
	s15 =	simm.s32 $0xB;
	v19 =	vadd.s32 v3, v19;
	v13 =	vand.u32 $0x7C, v24;
	v24 =	vadd.f32 v27, v5;
	[tilespmem:v25+s20+$0x0] =	vst.idx.msk $0xffff, v18;
	v18 =	vld [tilespmem:s14+$0xFFFFFFB0]  }
0x4c: {  	v20 =	vadd.s32 v3, v20;
	v26 =	vmov s15;
	v23 =	vld [tilespmem:s11+$0x40];
	s14 =	simm.s32 $0xC;
	v25 =	vadd.f32 v30, v5;
	[tilespmem:v31+s20+$0x0] =	vst.idx.msk $0xffff, v63  }
.LBB2_3:
0x4d: {  	p1 =	slt.u32 s14, $0x7C;
	s15 =	sadd.s32 $0x1, s4;
	v26 =	vand.u32 $0x7F, v26;
	[tilespmem:v22+s20+$0x0] =	vst.idx.msk $0xffff, v24;
	v17 =	vadd.f32 v17, v5;
	v22 =	vld [tilespmem:s10+$0x60];
	v24 =	vadd.s32 v3, v12  }
0x4e: {  	v30 =	vmovc v11;
	v27 =	vld [tilespmem:s11+$0xFFFFFF80];
	v28 =	vmov s15;
	s15 =	sadd.s32 $0x2, s4;
	v29 =	vadd.s32 v0, v26;
	[tilespmem:v21+s20+$0x0] =	vst.idx.msk $0xffff, v25;
	v16 =	vadd.f32 v16, v7;
	s4 =	smov.u32 s14  }
0x4f: {  	v12 =	vmovc v9;
	v21 =	vld [tilespmem:s11+$0xFFFFFFC0];
	v11 =	vmov s15;
	[tilespmem:v14+s20+$0x0] =	vst.idx.msk $0xffff, v17;
	v14 =	vadd.s32 v2, v8;
	v15 =	vadd.f32 v15, v7  }
0x50: {  	v17 =	vadd.s32 v0, v13;
	v28 =	vand.u32 $0x7D, v28;
	v25 =	vld [tilespmem:s11+$0x0];
	v31 =	vadd.f32 v18, v7;
	[tilespmem:v19+s20+$0x0] =	vst.idx.msk $0xffff, v16  }
0x51: {  	v16 =	vadd.s32 v0, v28;
	v11 =	vand.u32 $0x7E, v11;
	v18 =	vadd.f32 v23, v4;
	v19 =	vld [tilespmem:s10+$0xFFFFFFE0];
	[tilespmem:v20+s20+$0x0] =	vst.idx.msk $0xffff, v15  }
0x52: {  	v9 =	vmov v13;
	v15 =	vadd.s32 v0, v11;
	v20 =	vld [tilespmem:s10+$0x20];
	v22 =	vadd.f32 v22, v6;
	[tilespmem:v24+s20+$0x0] =	vst.idx.msk $0xffff, v31  }
0x53: {  	v23 =	vadd.s32 v2, v10;
	v13 =	vadd.f32 v27, v4;
	[tilespmem:v29+s20+$0x0] =	vst.idx.msk $0xffff, v18;
	v18 =	vld [tilespmem:s10+$0xFFFFFFA0]  }
0x54: {  	v27 =	vadd.s32 v2, v30;
	v21 =	vadd.f32 v21, v4;
	v24 =	vld [tilespmem:s11+$0x50];
	[tilespmem:v14+s20+$0x0] =	vst.idx.msk $0xffff, v22  }
0x55: {  	[tilespmem:v17+s20+$0x0] =	vst.idx.msk $0xffff, v13;
	v13 =	vadd.f32 v25, v4;
	v25 =	vadd.s32 v2, v12;
	v29 =	vld [tilespmem:s10+$0x70]  }
0x56: {  	v32 =	vadd.s32 v1, v26;
	v31 =	vld [tilespmem:s11+$0xFFFFFF90];
	[tilespmem:v16+s20+$0x0] =	vst.idx.msk $0xffff, v21;
	v14 =	vadd.f32 v19, v6  }
0x57: {  	v34 =	vadd.s32 v3, v8;
	v8 =	vmov v26;
	v33 =	vld [tilespmem:s11+$0xFFFFFFD0];
	[tilespmem:v15+s20+$0x0] =	vst.idx.msk $0xffff, v13;
	v13 =	vadd.f32 v20, v6  }
.Ltmp0:
0x58: {  	v22 =	vadd.s32 v1, v9;
	v17 =	vld [tilespmem:s11+$0x10];
	v15 =	vadd.f32 v18, v6;
	[tilespmem:v23+s20+$0x0] =	vst.idx.msk $0xffff, v14;
	(pc) =	sbr.rel @p1 .LBB2_3-.Ltmp0, $4  }
0x59: {  	v21 =	vadd.s32 v1, v28;
	v18 =	vadd.f32 v24, v5;
	v16 =	vld [tilespmem:s10+$0xFFFFFFF0];
	[tilespmem:v27+s20+$0x0] =	vst.idx.msk $0xffff, v13  }
0x5a: {  	v14 =	vadd.s32 v1, v11;
	v13 =	vmov s14;
	[tilespmem:v25+s20+$0x0] =	vst.idx.msk $0xffff, v15;
	v15 =	vld [tilespmem:s10+$0x30];
	v27 =	vadd.f32 v29, v7  }
0x5b: {  	s15 =	sadd.s32 $0x3, s14;
	v19 =	vadd.s32 v3, v10;
	v13 =	vand.u32 $0x7C, v13;
	v24 =	vadd.f32 v31, v5;
	[tilespmem:v32+s20+$0x0] =	vst.idx.msk $0xffff, v18;
	v18 =	vld [tilespmem:s10+$0xFFFFFFB0];
	s10 =	smov.u32 s11;
	s11 =	sadd.s32 $0x100, s11  }
0x5c: {  	v26 =	vmov s15;
	v10 =	vmovc v28;
	v20 =	vadd.s32 v3, v30;
	s14 =	sadd.s32 $0x4, s14;
	v23 =	vld [tilespmem:s11+$0x40];
	v25 =	vadd.f32 v33, v5;
	[tilespmem:v34+s20+$0x0] =	vst.idx.msk $0xffff, v27  }
0x5d: {  	s14 =	sadd.s32 $0x1, s4;
	v26 =	vand.u32 $0x7F, v26;
	v32 =	vld [tilespmem:s11+$0xFFFFFF80]  }
0x5e: {  	v28 =	vld [tilespmem:s11+$0xFFFFFFC0];
	v27 =	vmov s14;
	s14 =	sadd.s32 $0x2, s4;
	v29 =	vadd.s32 v0, v26  }
0x5f: {  	v31 =	vld [tilespmem:s11+$0x0];
	v46 =	vadd.s32 v0, v13;
	v30 =	vmov s14;
	v27 =	vand.u32 $0x7D, v27  }
0x60: {  	v33 =	vadd.s32 v0, v27;
	v30 =	vand.u32 $0x7E, v30  }
0x61: {  	[tilespmem:v22+s20+$0x0] =	vst.idx.msk $0xffff, v24;
	v34 =	vadd.s32 v0, v30;
	v23 =	vadd.f32 v23, v4  }
0x62: {  	[tilespmem:v21+s20+$0x0] =	vst.idx.msk $0xffff, v25;
	v49 =	vadd.f32 v32, v4  }
0x63: {  	v47 =	vadd.f32 v28, v4;
	[tilespmem:v29+s20+$0x0] =	vst.idx.msk $0xffff, v23  }
0x64: {  	v48 =	vadd.f32 v31, v4;
	v50 =	vld [tilespmem:s11+$0x50];
	[tilespmem:v46+s20+$0x0] =	vst.idx.msk $0xffff, v49  }
0x65: {  	v17 =	vadd.f32 v17, v5;
	v12 =	vadd.s32 v3, v12;
	[tilespmem:v33+s20+$0x0] =	vst.idx.msk $0xffff, v47;
	v54 =	vld [tilespmem:s11+$0xFFFFFF90]  }
0x66: {  	v16 =	vadd.f32 v16, v7;
	v52 =	vadd.s32 v1, v26;
	v51 =	vld [tilespmem:s11+$0xFFFFFFD0];
	[tilespmem:v34+s20+$0x0] =	vst.idx.msk $0xffff, v48  }
0x67: {  	v59 =	vadd.s32 v1, v13;
	[tilespmem:v14+s20+$0x0] =	vst.idx.msk $0xffff, v17;
	v53 =	vadd.f32 v15, v7;
	v23 =	vld [tilespmem:s11+$0x10]  }
0x68: {  	v56 =	vld [tilespmem:s10+$0x60];
	v55 =	vadd.s32 v1, v27;
	v18 =	vadd.f32 v18, v7;
	[tilespmem:v19+s20+$0x0] =	vst.idx.msk $0xffff, v16  }
0x69: {  	v58 =	vld [tilespmem:s10+$0xFFFFFFE0];
	v57 =	vadd.s32 v1, v30;
	[tilespmem:v20+s20+$0x0] =	vst.idx.msk $0xffff, v53;
	v60 =	vadd.f32 v50, v5  }
0x6a: {  	v61 =	vadd.s32 v2, v8;
	v62 =	vld [tilespmem:s10+$0x20];
	[tilespmem:v12+s20+$0x0] =	vst.idx.msk $0xffff, v18;
	v15 =	vadd.f32 v54, v5  }
0x6b: {  	v31 =	vadd.s32 v2, v10;
	v29 =	vld [tilespmem:s10+$0xFFFFFFA0];
	v63 =	vadd.f32 v51, v5;
	[tilespmem:v52+s20+$0x0] =	vst.idx.msk $0xffff, v60  }
0x6c: {  	v33 =	vadd.s32 v2, v11;
	v32 =	vadd.f32 v23, v5;
	v34 =	vld [tilespmem:s11+$0x60];
	[tilespmem:v59+s20+$0x0] =	vst.idx.msk $0xffff, v15  }
0x6d: {  	v36 =	vadd.s32 v2, v9;
	v35 =	vadd.f32 v56, v6;
	[tilespmem:v55+s20+$0x0] =	vst.idx.msk $0xffff, v63;
	v41 =	vld [tilespmem:s11+$0xFFFFFFA0]  }
0x6e: {  	v38 =	vadd.s32 v2, v26;
	v19 =	vadd.f32 v58, v6;
	[tilespmem:v57+s20+$0x0] =	vst.idx.msk $0xffff, v32;
	v37 =	vld [tilespmem:s11+$0xFFFFFFE0]  }
0x6f: {  	[tilespmem:v61+s20+$0x0] =	vst.idx.msk $0xffff, v35;
	v46 =	vadd.s32 v2, v13;
	v40 =	vadd.f32 v62, v6;
	v39 =	vld [tilespmem:s11+$0x20]  }
0x70: {  	v42 =	vadd.s32 v2, v27;
	v43 =	vld [tilespmem:s10+$0x70];
	[tilespmem:v31+s20+$0x0] =	vst.idx.msk $0xffff, v19;
	v18 =	vadd.f32 v29, v6  }
0x71: {  	v44 =	vadd.s32 v2, v30;
	v25 =	vld [tilespmem:s10+$0xFFFFFFF0];
	[tilespmem:v33+s20+$0x0] =	vst.idx.msk $0xffff, v40;
	v45 =	vadd.f32 v34, v6  }
0x72: {  	v8 =	vadd.s32 v3, v8;
	[tilespmem:v36+s20+$0x0] =	vst.idx.msk $0xffff, v18;
	v47 =	vld [tilespmem:s10+$0x30];
	v51 =	vadd.f32 v41, v6  }
0x73: {  	v48 =	vadd.s32 v3, v10;
	v18 =	vld [tilespmem:s10+$0xFFFFFFB0];
	v16 =	vadd.f32 v37, v6;
	[tilespmem:v38+s20+$0x0] =	vst.idx.msk $0xffff, v45  }
0x74: {  	v50 =	vadd.s32 v3, v11;
	v49 =	vadd.f32 v39, v6;
	v14 =	vld [tilespmem:s11+$0x70];
	[tilespmem:v46+s20+$0x0] =	vst.idx.msk $0xffff, v51  }
0x75: {  	v53 =	vadd.s32 v3, v9;
	v52 =	vadd.f32 v43, v7;
	[tilespmem:v42+s20+$0x0] =	vst.idx.msk $0xffff, v16;
	v58 =	vld [tilespmem:s11+$0xFFFFFFB0]  }
0x76: {  	v56 =	vadd.s32 v3, v26;
	v55 =	vadd.f32 v25, v7;
	v54 =	vld [tilespmem:s11+$0xFFFFFFF0];
	[tilespmem:v44+s20+$0x0] =	vst.idx.msk $0xffff, v49  }
0x77: {  	v61 =	vadd.s32 v3, v13;
	[tilespmem:v8+s20+$0x0] =	vst.idx.msk $0xffff, v52;
	v8 =	vadd.f32 v47, v7;
	v57 =	vld [tilespmem:s11+$0x30]  }
0x78: {  	v59 =	vadd.s32 v3, v27;
	[tilespmem:v48+s20+$0x0] =	vst.idx.msk $0xffff, v55;
	v18 =	vadd.f32 v18, v7  }
0x79: {  	s15 =	sadd.s32 s3, s16;
	v60 =	vadd.s32 v3, v30;
	[tilespmem:v50+s20+$0x0] =	vst.idx.msk $0xffff, v8;
	v8 =	vadd.f32 v14, v7  }
0x7a: {  	s17 =	sshll.u32 s15, $0x4;
	[tilespmem:v53+s20+$0x0] =	vst.idx.msk $0xffff, v18;
	v63 =	vadd.f32 v58, v7  }
0x7b: {  	s4 =	sshll.u32 s15, $0xA;
	s10 =	sand.u32 $0x70, s17;
	v62 =	vadd.f32 v54, v7;
	[tilespmem:v56+s20+$0x0] =	vst.idx.msk $0xffff, v8  }
0x7c: {  	s4 =	sand.u32 $0xFFFE000, s4;
	s10 =	sadd.s32 s6, s10;
	v8 =	vadd.f32 v57, v7;
	[tilespmem:v61+s20+$0x0] =	vst.idx.msk $0xffff, v63  }
0x7d: {  	s14 =	simm.s32 $0xB9C8;
	s4 =	sadd.s32 s4, s10;
	[tilespmem:v59+s20+$0x0] =	vst.idx.msk $0xffff, v62  }
0x7e: {  	s10 =	simm.s32 $0xB940;
	s15 =	sadd.s32 $0x0, s4;
	s11 =	simm.s32 $0x80;
	[tilespmem:v60+s20+$0x0] =	vst.idx.msk $0xffff, v8  }
.LBB2_5:
0x7f: {  	[hbm4b:s15+s2] =	stream.linear.scatter [tilespmem:s10], [sflag:$0x6], $0x80, $0x38;
	[tilespmem:$0x16340] =	vst v63  }
0x80: {  	s15 =	smov.u32 s11;
	s10 =	smov.u32 s14;
	p1 =	sne.s32 s11, $0x1F80  }
.Ltmp1:
0x81: {  	s11 =	sadd.s32 $0x80, s11;
	(pc) =	sbr.rel @p1 .LBB2_5-.Ltmp1, $2  }
0x82: {  	_ =	sdelay $0x2  }
0x83: {  	s14 =	sadd.s32 $0x88, s14;
	s15 =	sadd.s32 s15, s4  }
0x84: {  	[hbm4b:s15+s2] =	stream.linear.scatter [tilespmem:s10], [sflag:$0x6], $0x80, $0x38;
	[tilespmem:$0x16340] =	vst v63  }
0x85: {  	s10 =	sadd.s32 $0x4, s16  }
0x86: {  	s4 =	sshll.u32 s10, $0x7  }
0x87: {  	s4 =	sand.u32 $0x3FFFFF80, s4  }
0x88: {  	[tilespmem:s21], [sflag:$0x5] =	stream.indirect.gather [hbm4b:s5+s13], $0x40, s4, s13, $0xb8;
	[tilespmem:$0x16340] =	vst v63  }
0x89: {  	_ =	swait.ge [sflag:s22], $0x2000  }
0x8a: {  	[sflag:s22] =	ssyncset.done $0x0  }
0x8b: {  	s4 =	simm.s32 @!p0 $0x7;
	[sflag:s22] =	ssyncadd.s32 $0xFFFFE000  }
0x8c: {  	_ =	swait.ge @!p0 [sflag:s4], $0x2000  }
0x8d: {  	[sflag:s4] =	ssyncset.done @!p0 $0x0  }
0x8e: {  	s15 =	simm.s32 $0x3A30;
	s17 =	simm.s32 $0x3;
	[sflag:s4] =	ssyncadd.s32 @!p0 $0xFFFFE000  }
0x8f: {  	v8 =	vmov s17;
	v9 =	vld [tilespmem:s15+$0xFFFFFFD0]  }
0x90: {  	v13 =	vand.u32 $0x7F, v8  }
0x91: {  	s11 =	simm.s32 $0x0;
	v8 =	vadd.s32 v0, v13  }
0x92: {  	s14 =	simm.s32 $0x1;
	v10 =	vmov s11;
	s11 =	simm.s32 $0x2;
	v11 =	vld [tilespmem:s15+$0xFFFFFF10]  }
0x93: {  	v12 =	vand.u32 $0x7C, v10;
	v10 =	vmov s14;
	v15 =	vmov s11;
	v14 =	vld [tilespmem:s15+$0xFFFFFF50]  }
0x94: {  	v16 =	vadd.s32 v0, v12;
	v19 =	vand.u32 $0x7D, v10;
	v10 =	vld [tilespmem:s15+$0xFFFFFF90];
	v9 =	vadd.f32 v9, v4  }
0x95: {  	v20 =	vand.u32 $0x7E, v15;
	v17 =	vadd.s32 v0, v19  }
0x96: {  	v15 =	vadd.s32 v0, v20;
	[tilespmem:v8+s23+$0x0] =	vst.idx.msk $0xffff, v9  }
0x97: {  	v8 =	vadd.f32 v11, v4;
	v9 =	vld [tilespmem:s15+$0xFFFFFFE0]  }
0x98: {  	v11 =	vadd.f32 v14, v4  }
0x99: {  	[tilespmem:v16+s23+$0x0] =	vst.idx.msk $0xffff, v8;
	v8 =	vadd.f32 v10, v4;
	v10 =	vadd.s32 v1, v13  }
0x9a: {  	[tilespmem:v17+s23+$0x0] =	vst.idx.msk $0xffff, v11;
	v14 =	vld [tilespmem:s15+$0xFFFFFF20]  }
0x9b: {  	v11 =	vld [tilespmem:s15+$0xFFFFFF60];
	[tilespmem:v15+s23+$0x0] =	vst.idx.msk $0xffff, v8  }
0x9c: {  	v15 =	vld [tilespmem:s15+$0xFFFFFFA0];
	v8 =	vadd.f32 v9, v5  }
0x9d: {  	s14 =	simm.s32 $0x7;
	s11 =	simm.s32 $0x3B30;
	v16 =	vadd.s32 v1, v19  }
0x9e: {  	s17 =	simm.s32 $0x4;
	v21 =	vadd.s32 v1, v12;
	v18 =	vld [tilespmem:s11+$0xFFFFFFD0];
	v17 =	vadd.s32 v1, v20;
	[tilespmem:v10+s23+$0x0] =	vst.idx.msk $0xffff, v8;
	v8 =	vmov s14  }
0x9f: {  	v26 =	vadd.s32 v2, v13;
	v9 =	vmov s17;
	v8 =	vand.u32 $0x7F, v8;
	v22 =	vld [tilespmem:s15+$0xFFFFFFF0]  }
0xa0: {  	v23 =	vld [tilespmem:s11+$0xFFFFFF10];
	v9 =	vand.u32 $0x7C, v9;
	v10 =	vadd.f32 v11, v5;
	s14 =	simm.s32 $0x5;
	v24 =	vadd.s32 v0, v8  }
0xa1: {  	v25 =	vld [tilespmem:s11+$0xFFFFFF50];
	s17 =	simm.s32 $0x6;
	v14 =	vadd.f32 v14, v5;
	v11 =	vadd.f32 v15, v5;
	v15 =	vmov s14  }
0xa2: {  	v27 =	vadd.s32 v0, v9;
	[tilespmem:v16+s23+$0x0] =	vst.idx.msk $0xffff, v10;
	v16 =	vmov s17;
	v10 =	vand.u32 $0x7D, v15;
	v15 =	vld [tilespmem:s11+$0xFFFFFF90]  }
0xa3: {  	[tilespmem:v17+s23+$0x0] =	vst.idx.msk $0xffff, v11;
	v17 =	vadd.s32 v0, v10;
	v11 =	vand.u32 $0x7E, v16;
	v16 =	vadd.f32 v18, v4;
	v18 =	vld [tilespmem:s15+$0xFFFFFF70]  }
0xa4: {  	[tilespmem:v21+s23+$0x0] =	vst.idx.msk $0xffff, v14;
	v14 =	vadd.s32 v0, v11;
	v21 =	vld [tilespmem:s15+$0xFFFFFFB0];
	v22 =	vadd.f32 v22, v6  }
0xa5: {  	v23 =	vadd.f32 v23, v4;
	[tilespmem:v24+s23+$0x0] =	vst.idx.msk $0xffff, v16;
	v16 =	vld [tilespmem:s15+$0xFFFFFF30];
	v24 =	vadd.s32 v2, v19  }
0xa6: {  	v29 =	vadd.s32 v2, v20;
	v25 =	vadd.f32 v25, v4;
	v28 =	vld [tilespmem:s11+$0xFFFFFFE0];
	[tilespmem:v26+s23+$0x0] =	vst.idx.msk $0xffff, v22  }
0xa7: {  	[tilespmem:v27+s23+$0x0] =	vst.idx.msk $0xffff, v23;
	v23 =	vadd.s32 v2, v12;
	v15 =	vadd.f32 v15, v4;
	v26 =	vld [tilespmem:s15+$0x0]  }
0xa8: {  	v27 =	vld [tilespmem:s11+$0xFFFFFF20];
	[tilespmem:v17+s23+$0x0] =	vst.idx.msk $0xffff, v25;
	v25 =	vadd.s32 v1, v8;
	v18 =	vadd.f32 v18, v6  }
0xa9: {  	v31 =	vadd.s32 v3, v13;
	v30 =	vld [tilespmem:s11+$0xFFFFFF60];
	[tilespmem:v14+s23+$0x0] =	vst.idx.msk $0xffff, v15;
	v14 =	vadd.f32 v21, v6  }
0xaa: {  	v22 =	vadd.s32 v1, v9;
	v17 =	vld [tilespmem:s11+$0xFFFFFFA0];
	v13 =	vadd.f32 v16, v6;
	[tilespmem:v24+s23+$0x0] =	vst.idx.msk $0xffff, v18  }
0xab: {  	s14 =	simm.s32 $0x8;
	v21 =	vadd.s32 v1, v10;
	[tilespmem:v29+s23+$0x0] =	vst.idx.msk $0xffff, v14;
	v18 =	vadd.f32 v28, v5;
	v16 =	vld [tilespmem:s15+$0xFFFFFF80]  }
0xac: {  	v24 =	vmov s14;
	v14 =	vadd.s32 v1, v11;
	v15 =	vld [tilespmem:s15+$0xFFFFFFC0];
	[tilespmem:v23+s23+$0x0] =	vst.idx.msk $0xffff, v13;
	v63 =	vadd.f32 v26, v7  }
0xad: {  	s4 =	simm.s32 $0x3C30;
	s17 =	simm.s32 $0xB;
	v19 =	vadd.s32 v3, v19;
	v13 =	vand.u32 $0x7C, v24;
	v24 =	vadd.f32 v27, v5;
	[tilespmem:v25+s23+$0x0] =	vst.idx.msk $0xffff, v18;
	v18 =	vld [tilespmem:s15+$0xFFFFFF40]  }
0xae: {  	v20 =	vadd.s32 v3, v20;
	v26 =	vmov s17;
	v23 =	vld [tilespmem:s4+$0xFFFFFFD0];
	s15 =	simm.s32 $0xC;
	v25 =	vadd.f32 v30, v5;
	[tilespmem:v31+s23+$0x0] =	vst.idx.msk $0xffff, v63  }
.LBB2_7:
0xaf: {  	p1 =	slt.u32 s15, $0x7C;
	s17 =	sadd.s32 $0x1, s14;
	v26 =	vand.u32 $0x7F, v26;
	[tilespmem:v22+s23+$0x0] =	vst.idx.msk $0xffff, v24;
	v17 =	vadd.f32 v17, v5;
	v22 =	vld [tilespmem:s11+$0xFFFFFFF0];
	v24 =	vadd.s32 v3, v12  }
0xb0: {  	v30 =	vmovc v11;
	v27 =	vld [tilespmem:s4+$0xFFFFFF10];
	v28 =	vmov s17;
	s17 =	sadd.s32 $0x2, s14;
	v29 =	vadd.s32 v0, v26;
	[tilespmem:v21+s23+$0x0] =	vst.idx.msk $0xffff, v25;
	v16 =	vadd.f32 v16, v7;
	s14 =	smov.u32 s15  }
0xb1: {  	v12 =	vmovc v9;
	v21 =	vld [tilespmem:s4+$0xFFFFFF50];
	v11 =	vmov s17;
	[tilespmem:v14+s23+$0x0] =	vst.idx.msk $0xffff, v17;
	v14 =	vadd.s32 v2, v8;
	v15 =	vadd.f32 v15, v7  }
0xb2: {  	v17 =	vadd.s32 v0, v13;
	v28 =	vand.u32 $0x7D, v28;
	v25 =	vld [tilespmem:s4+$0xFFFFFF90];
	v31 =	vadd.f32 v18, v7;
	[tilespmem:v19+s23+$0x0] =	vst.idx.msk $0xffff, v16  }
0xb3: {  	v16 =	vadd.s32 v0, v28;
	v11 =	vand.u32 $0x7E, v11;
	v18 =	vadd.f32 v23, v4;
	v19 =	vld [tilespmem:s11+$0xFFFFFF70];
	[tilespmem:v20+s23+$0x0] =	vst.idx.msk $0xffff, v15  }
0xb4: {  	v9 =	vmov v13;
	v15 =	vadd.s32 v0, v11;
	v20 =	vld [tilespmem:s11+$0xFFFFFFB0];
	v22 =	vadd.f32 v22, v6;
	[tilespmem:v24+s23+$0x0] =	vst.idx.msk $0xffff, v31  }
0xb5: {  	v23 =	vadd.s32 v2, v10;
	v13 =	vadd.f32 v27, v4;
	[tilespmem:v29+s23+$0x0] =	vst.idx.msk $0xffff, v18;
	v18 =	vld [tilespmem:s11+$0xFFFFFF30]  }
0xb6: {  	v27 =	vadd.s32 v2, v30;
	v21 =	vadd.f32 v21, v4;
	v24 =	vld [tilespmem:s4+$0xFFFFFFE0];
	[tilespmem:v14+s23+$0x0] =	vst.idx.msk $0xffff, v22  }
0xb7: {  	[tilespmem:v17+s23+$0x0] =	vst.idx.msk $0xffff, v13;
	v13 =	vadd.f32 v25, v4;
	v25 =	vadd.s32 v2, v12;
	v29 =	vld [tilespmem:s11+$0x0]  }
0xb8: {  	v32 =	vadd.s32 v1, v26;
	v31 =	vld [tilespmem:s4+$0xFFFFFF20];
	[tilespmem:v16+s23+$0x0] =	vst.idx.msk $0xffff, v21;
	v14 =	vadd.f32 v19, v6  }
0xb9: {  	v34 =	vadd.s32 v3, v8;
	v8 =	vmov v26;
	v33 =	vld [tilespmem:s4+$0xFFFFFF60];
	[tilespmem:v15+s23+$0x0] =	vst.idx.msk $0xffff, v13;
	v13 =	vadd.f32 v20, v6  }
.Ltmp2:
0xba: {  	v22 =	vadd.s32 v1, v9;
	v17 =	vld [tilespmem:s4+$0xFFFFFFA0];
	v15 =	vadd.f32 v18, v6;
	[tilespmem:v23+s23+$0x0] =	vst.idx.msk $0xffff, v14;
	(pc) =	sbr.rel @p1 .LBB2_7-.Ltmp2, $4  }
0xbb: {  	v21 =	vadd.s32 v1, v28;
	v18 =	vadd.f32 v24, v5;
	v16 =	vld [tilespmem:s11+$0xFFFFFF80];
	[tilespmem:v27+s23+$0x0] =	vst.idx.msk $0xffff, v13  }
0xbc: {  	v14 =	vadd.s32 v1, v11;
	v13 =	vmov s15;
	[tilespmem:v25+s23+$0x0] =	vst.idx.msk $0xffff, v15;
	v15 =	vld [tilespmem:s11+$0xFFFFFFC0];
	v27 =	vadd.f32 v29, v7  }
0xbd: {  	s17 =	sadd.s32 $0x3, s15;
	v19 =	vadd.s32 v3, v10;
	v13 =	vand.u32 $0x7C, v13;
	v24 =	vadd.f32 v31, v5;
	[tilespmem:v32+s23+$0x0] =	vst.idx.msk $0xffff, v18;
	v18 =	vld [tilespmem:s11+$0xFFFFFF40];
	s11 =	smov.u32 s4;
	s4 =	sadd.s32 $0x100, s4  }
0xbe: {  	v26 =	vmov s17;
	v10 =	vmovc v28;
	v20 =	vadd.s32 v3, v30;
	s15 =	sadd.s32 $0x4, s15;
	v23 =	vld [tilespmem:s4+$0xFFFFFFD0];
	v25 =	vadd.f32 v33, v5;
	[tilespmem:v34+s23+$0x0] =	vst.idx.msk $0xffff, v27  }
0xbf: {  	s15 =	sadd.s32 $0x1, s14;
	v26 =	vand.u32 $0x7F, v26;
	v32 =	vld [tilespmem:s4+$0xFFFFFF10]  }
0xc0: {  	s17 =	sadd.s32 $0x2, s14;
	v28 =	vld [tilespmem:s4+$0xFFFFFF50];
	v27 =	vmov s15;
	v29 =	vadd.s32 v0, v26  }
0xc1: {  	v31 =	vld [tilespmem:s4+$0xFFFFFF90];
	v46 =	vadd.s32 v0, v13;
	v30 =	vmov s17;
	v27 =	vand.u32 $0x7D, v27  }
0xc2: {  	v30 =	vand.u32 $0x7E, v30;
	v33 =	vadd.s32 v0, v27  }
0xc3: {  	[tilespmem:v22+s23+$0x0] =	vst.idx.msk $0xffff, v24;
	v34 =	vadd.s32 v0, v30;
	v23 =	vadd.f32 v23, v4  }
0xc4: {  	[tilespmem:v21+s23+$0x0] =	vst.idx.msk $0xffff, v25;
	v49 =	vadd.f32 v32, v4  }
0xc5: {  	v47 =	vadd.f32 v28, v4;
	[tilespmem:v29+s23+$0x0] =	vst.idx.msk $0xffff, v23  }
0xc6: {  	v48 =	vadd.f32 v31, v4;
	v50 =	vld [tilespmem:s4+$0xFFFFFFE0];
	[tilespmem:v46+s23+$0x0] =	vst.idx.msk $0xffff, v49  }
0xc7: {  	v17 =	vadd.f32 v17, v5;
	v12 =	vadd.s32 v3, v12;
	[tilespmem:v33+s23+$0x0] =	vst.idx.msk $0xffff, v47;
	v54 =	vld [tilespmem:s4+$0xFFFFFF20]  }
0xc8: {  	v16 =	vadd.f32 v16, v7;
	v52 =	vadd.s32 v1, v26;
	[tilespmem:v34+s23+$0x0] =	vst.idx.msk $0xffff, v48;
	v51 =	vld [tilespmem:s4+$0xFFFFFF60]  }
0xc9: {  	v59 =	vadd.s32 v1, v13;
	[tilespmem:v14+s23+$0x0] =	vst.idx.msk $0xffff, v17;
	v53 =	vadd.f32 v15, v7;
	v23 =	vld [tilespmem:s4+$0xFFFFFFA0]  }
0xca: {  	v56 =	vld [tilespmem:s11+$0xFFFFFFF0];
	v55 =	vadd.s32 v1, v27;
	v18 =	vadd.f32 v18, v7;
	[tilespmem:v19+s23+$0x0] =	vst.idx.msk $0xffff, v16  }
0xcb: {  	v58 =	vld [tilespmem:s11+$0xFFFFFF70];
	v57 =	vadd.s32 v1, v30;
	[tilespmem:v20+s23+$0x0] =	vst.idx.msk $0xffff, v53;
	v60 =	vadd.f32 v50, v5  }
0xcc: {  	v61 =	vadd.s32 v2, v8;
	v62 =	vld [tilespmem:s11+$0xFFFFFFB0];
	[tilespmem:v12+s23+$0x0] =	vst.idx.msk $0xffff, v18;
	v15 =	vadd.f32 v54, v5  }
0xcd: {  	v31 =	vadd.s32 v2, v10;
	v29 =	vld [tilespmem:s11+$0xFFFFFF30];
	v63 =	vadd.f32 v51, v5;
	[tilespmem:v52+s23+$0x0] =	vst.idx.msk $0xffff, v60  }
0xce: {  	v33 =	vadd.s32 v2, v11;
	v32 =	vadd.f32 v23, v5;
	v34 =	vld [tilespmem:s4+$0xFFFFFFF0];
	[tilespmem:v59+s23+$0x0] =	vst.idx.msk $0xffff, v15  }
0xcf: {  	v36 =	vadd.s32 v2, v9;
	v35 =	vadd.f32 v56, v6;
	[tilespmem:v55+s23+$0x0] =	vst.idx.msk $0xffff, v63;
	v41 =	vld [tilespmem:s4+$0xFFFFFF30]  }
0xd0: {  	v38 =	vadd.s32 v2, v26;
	v19 =	vadd.f32 v58, v6;
	[tilespmem:v57+s23+$0x0] =	vst.idx.msk $0xffff, v32;
	v37 =	vld [tilespmem:s4+$0xFFFFFF70]  }
0xd1: {  	[tilespmem:v61+s23+$0x0] =	vst.idx.msk $0xffff, v35;
	v46 =	vadd.s32 v2, v13;
	v40 =	vadd.f32 v62, v6;
	v39 =	vld [tilespmem:s4+$0xFFFFFFB0]  }
0xd2: {  	v42 =	vadd.s32 v2, v27;
	v43 =	vld [tilespmem:s11+$0x0];
	[tilespmem:v31+s23+$0x0] =	vst.idx.msk $0xffff, v19;
	v18 =	vadd.f32 v29, v6  }
0xd3: {  	v44 =	vadd.s32 v2, v30;
	v25 =	vld [tilespmem:s11+$0xFFFFFF80];
	[tilespmem:v33+s23+$0x0] =	vst.idx.msk $0xffff, v40;
	v45 =	vadd.f32 v34, v6  }
0xd4: {  	v8 =	vadd.s32 v3, v8;
	[tilespmem:v36+s23+$0x0] =	vst.idx.msk $0xffff, v18;
	v47 =	vld [tilespmem:s11+$0xFFFFFFC0];
	v51 =	vadd.f32 v41, v6  }
0xd5: {  	v48 =	vadd.s32 v3, v10;
	v18 =	vld [tilespmem:s11+$0xFFFFFF40];
	v16 =	vadd.f32 v37, v6;
	[tilespmem:v38+s23+$0x0] =	vst.idx.msk $0xffff, v45  }
0xd6: {  	v50 =	vadd.s32 v3, v11;
	v49 =	vadd.f32 v39, v6;
	v14 =	vld [tilespmem:s4+$0x0];
	[tilespmem:v46+s23+$0x0] =	vst.idx.msk $0xffff, v51  }
0xd7: {  	v53 =	vadd.s32 v3, v9;
	v52 =	vadd.f32 v43, v7;
	[tilespmem:v42+s23+$0x0] =	vst.idx.msk $0xffff, v16;
	v58 =	vld [tilespmem:s4+$0xFFFFFF40]  }
0xd8: {  	v56 =	vadd.s32 v3, v26;
	v55 =	vadd.f32 v25, v7;
	[tilespmem:v44+s23+$0x0] =	vst.idx.msk $0xffff, v49;
	v54 =	vld [tilespmem:s4+$0xFFFFFF80]  }
0xd9: {  	v61 =	vadd.s32 v3, v13;
	[tilespmem:v8+s23+$0x0] =	vst.idx.msk $0xffff, v52;
	v8 =	vadd.f32 v47, v7;
	v57 =	vld [tilespmem:s4+$0xFFFFFFC0]  }
0xda: {  	v59 =	vadd.s32 v3, v27;
	[tilespmem:v48+s23+$0x0] =	vst.idx.msk $0xffff, v55;
	v18 =	vadd.f32 v18, v7  }
0xdb: {  	s15 =	sadd.s32 s16, s8;
	v60 =	vadd.s32 v3, v30;
	[tilespmem:v50+s23+$0x0] =	vst.idx.msk $0xffff, v8;
	v8 =	vadd.f32 v14, v7  }
0xdc: {  	s17 =	sshll.u32 s15, $0x4;
	[tilespmem:v53+s23+$0x0] =	vst.idx.msk $0xffff, v18;
	v63 =	vadd.f32 v58, v7  }
0xdd: {  	s11 =	sand.u32 $0x70, s17;
	s4 =	sshll.u32 s15, $0xA;
	v62 =	vadd.f32 v54, v7;
	[tilespmem:v56+s23+$0x0] =	vst.idx.msk $0xffff, v8  }
0xde: {  	s11 =	sadd.s32 s6, s11;
	s4 =	sand.u32 $0xFFFE000, s4;
	v8 =	vadd.f32 v57, v7;
	[tilespmem:v61+s23+$0x0] =	vst.idx.msk $0xffff, v63  }
0xdf: {  	s14 =	simm.s32 $0x80;
	s4 =	sadd.s32 s4, s11;
	[tilespmem:v59+s23+$0x0] =	vst.idx.msk $0xffff, v62  }
0xe0: {  	s15 =	simm.s32 $0xDBC8;
	s11 =	simm.s32 $0xDB40;
	s17 =	sadd.s32 $0x0, s4;
	[tilespmem:v60+s23+$0x0] =	vst.idx.msk $0xffff, v8  }
.LBB2_9:
0xe1: {  	[hbm4b:s17+s2] =	stream.linear.scatter [tilespmem:s11], [sflag:$0x7], $0x80, $0x38;
	[tilespmem:$0x16340] =	vst v63  }
0xe2: {  	s17 =	smov.u32 s14;
	s11 =	smov.u32 s15;
	p1 =	sne.s32 s14, $0x1F80  }
.Ltmp3:
0xe3: {  	s14 =	sadd.s32 $0x80, s14;
	(pc) =	sbr.rel @p1 .LBB2_9-.Ltmp3, $2  }
0xe4: {  	_ =	sdelay $0x2  }
0xe5: {  	s15 =	sadd.s32 $0x88, s15;
	s17 =	sadd.s32 s17, s4  }
0xe6: {  	p1 =	sne.s32 s7, $0x9  }
.Ltmp4:
0xe7: {  	_ = 	snop;
	(pc) =	sbr.rel @p1 .LBB2_12-.Ltmp4, $2  }
0xe8: {  	_ =	sdelay $0x2  }
0xe9: {  	[hbm4b:s17+s2] =	stream.linear.scatter [tilespmem:s11], [sflag:$0x7], $0x80, $0x38;
	[tilespmem:$0x16340] =	vst v63  }
.Ltmp5:
0xea: {  	(pc) =	sbr.rel .LBB2_13-.Ltmp5, $4  }
0xeb: {  	_ = 	snop  }
0xec: {  	_ =	swait.ge [sflag:s24], $0x2000  }
0xed: {  	[sflag:s24] =	ssyncset.done $0x0  }
0xee: {  	[sflag:s24] =	ssyncadd.s32 $0xFFFFE000  }
.LBB2_12:
0xef: {  	s4 =	smul.u32 $0xA00, s7;
	_ =	sdelay $0x1  }
0xf0: {  	s4 =	sshra.s32 s4, $0x2  }
.Ltmp6:
0xf1: {  	s11 =	simm.s32 $0x1940;
	s4 =	sadd.s32 $0x280, s4;
	(pc) =	sbr.rel @p0 .LBB2_14-.Ltmp6, $4  }
0xf2: {  	[tilespmem:s11], [sflag:$0x1] =	stream.indirect.gather [hbm4b:s5+s13], $0x40, s4, s13, $0xb8;
	[tilespmem:$0x16340] =	vst v63  }
0xf3: {  	_ =	swait.ge [sflag:s24], $0x2000  }
0xf4: {  	[sflag:s24] =	ssyncset.done $0x0  }
0xf5: {  	[sflag:s24] =	ssyncadd.s32 $0xFFFFE000  }
.LBB2_13:
0xf6: {  	_ =	swait.ge [sflag:s25], $0x2000  }
0xf7: {  	[sflag:s25] =	ssyncset.done $0x0  }
0xf8: {  	[sflag:s25] =	ssyncadd.s32 $0xFFFFE000  }
.LBB2_14:
0xf9: {  	s15 =	simm.s32 $0x5A30;
	s4 =	simm.s32 $0x3  }
0xfa: {  	v8 =	vmov s4;
	v9 =	vld [tilespmem:s15+$0xFFFFFFD0]  }
0xfb: {  	v13 =	vand.u32 $0x7F, v8  }
0xfc: {  	s11 =	simm.s32 $0x0;
	v8 =	vadd.s32 v0, v13  }
0xfd: {  	s14 =	simm.s32 $0x1;
	v10 =	vmov s11;
	v11 =	vld [tilespmem:s15+$0xFFFFFF10];
	s11 =	simm.s32 $0x2  }
0xfe: {  	v14 =	vld [tilespmem:s15+$0xFFFFFF50];
	v12 =	vand.u32 $0x7C, v10;
	v10 =	vmov s14;
	v15 =	vmov s11  }
0xff: {  	v16 =	vadd.s32 v0, v12;
	v19 =	vand.u32 $0x7D, v10;
	v10 =	vld [tilespmem:s15+$0xFFFFFF90];
	v9 =	vadd.f32 v9, v4  }
0x100: {  	v20 =	vand.u32 $0x7E, v15;
	v17 =	vadd.s32 v0, v19  }
0x101: {  	v15 =	vadd.s32 v0, v20;
	[tilespmem:v8+s26+$0x0] =	vst.idx.msk $0xffff, v9  }
0x102: {  	v8 =	vadd.f32 v11, v4;
	v9 =	vld [tilespmem:s15+$0xFFFFFFE0]  }
0x103: {  	v11 =	vadd.f32 v14, v4  }
0x104: {  	[tilespmem:v16+s26+$0x0] =	vst.idx.msk $0xffff, v8;
	v8 =	vadd.f32 v10, v4;
	v10 =	vadd.s32 v1, v13  }
0x105: {  	[tilespmem:v17+s26+$0x0] =	vst.idx.msk $0xffff, v11;
	v14 =	vld [tilespmem:s15+$0xFFFFFF20]  }
0x106: {  	v11 =	vld [tilespmem:s15+$0xFFFFFF60];
	[tilespmem:v15+s26+$0x0] =	vst.idx.msk $0xffff, v8  }
0x107: {  	v15 =	vld [tilespmem:s15+$0xFFFFFFA0];
	v8 =	vadd.f32 v9, v5  }
0x108: {  	s14 =	simm.s32 $0x7;
	s11 =	simm.s32 $0x5B30;
	v16 =	vadd.s32 v1, v19  }
0x109: {  	s17 =	simm.s32 $0x4;
	v18 =	vld [tilespmem:s11+$0xFFFFFFD0];
	v21 =	vadd.s32 v1, v12;
	v17 =	vadd.s32 v1, v20;
	[tilespmem:v10+s26+$0x0] =	vst.idx.msk $0xffff, v8;
	v8 =	vmov s14  }
0x10a: {  	v26 =	vadd.s32 v2, v13;
	v9 =	vmov s17;
	v8 =	vand.u32 $0x7F, v8;
	v22 =	vld [tilespmem:s15+$0xFFFFFFF0]  }
0x10b: {  	v23 =	vld [tilespmem:s11+$0xFFFFFF10];
	v9 =	vand.u32 $0x7C, v9;
	v10 =	vadd.f32 v11, v5;
	s14 =	simm.s32 $0x5;
	v24 =	vadd.s32 v0, v8  }
0x10c: {  	v25 =	vld [tilespmem:s11+$0xFFFFFF50];
	s17 =	simm.s32 $0x6;
	v14 =	vadd.f32 v14, v5;
	v11 =	vadd.f32 v15, v5;
	v15 =	vmov s14  }
0x10d: {  	v27 =	vadd.s32 v0, v9;
	[tilespmem:v16+s26+$0x0] =	vst.idx.msk $0xffff, v10;
	v16 =	vmov s17;
	v10 =	vand.u32 $0x7D, v15;
	v15 =	vld [tilespmem:s11+$0xFFFFFF90]  }
0x10e: {  	[tilespmem:v17+s26+$0x0] =	vst.idx.msk $0xffff, v11;
	v17 =	vadd.s32 v0, v10;
	v11 =	vand.u32 $0x7E, v16;
	v16 =	vadd.f32 v18, v4;
	v18 =	vld [tilespmem:s15+$0xFFFFFF70]  }
0x10f: {  	[tilespmem:v21+s26+$0x0] =	vst.idx.msk $0xffff, v14;
	v14 =	vadd.s32 v0, v11;
	v21 =	vld [tilespmem:s15+$0xFFFFFFB0];
	v22 =	vadd.f32 v22, v6  }
0x110: {  	v23 =	vadd.f32 v23, v4;
	[tilespmem:v24+s26+$0x0] =	vst.idx.msk $0xffff, v16;
	v16 =	vld [tilespmem:s15+$0xFFFFFF30];
	v24 =	vadd.s32 v2, v19  }
0x111: {  	v29 =	vadd.s32 v2, v20;
	v25 =	vadd.f32 v25, v4;
	v28 =	vld [tilespmem:s11+$0xFFFFFFE0];
	[tilespmem:v26+s26+$0x0] =	vst.idx.msk $0xffff, v22  }
0x112: {  	[tilespmem:v27+s26+$0x0] =	vst.idx.msk $0xffff, v23;
	v23 =	vadd.s32 v2, v12;
	v15 =	vadd.f32 v15, v4;
	v26 =	vld [tilespmem:s15+$0x0]  }
0x113: {  	v27 =	vld [tilespmem:s11+$0xFFFFFF20];
	[tilespmem:v17+s26+$0x0] =	vst.idx.msk $0xffff, v25;
	v25 =	vadd.s32 v1, v8;
	v18 =	vadd.f32 v18, v6  }
0x114: {  	v31 =	vadd.s32 v3, v13;
	v30 =	vld [tilespmem:s11+$0xFFFFFF60];
	[tilespmem:v14+s26+$0x0] =	vst.idx.msk $0xffff, v15;
	v14 =	vadd.f32 v21, v6  }
0x115: {  	v22 =	vadd.s32 v1, v9;
	v17 =	vld [tilespmem:s11+$0xFFFFFFA0];
	v13 =	vadd.f32 v16, v6;
	[tilespmem:v24+s26+$0x0] =	vst.idx.msk $0xffff, v18  }
0x116: {  	s14 =	simm.s32 $0x8;
	v21 =	vadd.s32 v1, v10;
	[tilespmem:v29+s26+$0x0] =	vst.idx.msk $0xffff, v14;
	v18 =	vadd.f32 v28, v5;
	v16 =	vld [tilespmem:s15+$0xFFFFFF80]  }
0x117: {  	v24 =	vmov s14;
	v14 =	vadd.s32 v1, v11;
	v15 =	vld [tilespmem:s15+$0xFFFFFFC0];
	[tilespmem:v23+s26+$0x0] =	vst.idx.msk $0xffff, v13;
	v63 =	vadd.f32 v26, v7  }
0x118: {  	s4 =	simm.s32 $0x5C30;
	s17 =	simm.s32 $0xB;
	v19 =	vadd.s32 v3, v19;
	v13 =	vand.u32 $0x7C, v24;
	v24 =	vadd.f32 v27, v5;
	[tilespmem:v25+s26+$0x0] =	vst.idx.msk $0xffff, v18;
	v18 =	vld [tilespmem:s15+$0xFFFFFF40]  }
0x119: {  	v20 =	vadd.s32 v3, v20;
	v26 =	vmov s17;
	v23 =	vld [tilespmem:s4+$0xFFFFFFD0];
	s15 =	simm.s32 $0xC;
	v25 =	vadd.f32 v30, v5;
	[tilespmem:v31+s26+$0x0] =	vst.idx.msk $0xffff, v63  }
.LBB2_15:
0x11a: {  	p2 =	slt.u32 s15, $0x7C;
	s17 =	sadd.s32 $0x1, s14;
	v26 =	vand.u32 $0x7F, v26;
	[tilespmem:v22+s26+$0x0] =	vst.idx.msk $0xffff, v24;
	v17 =	vadd.f32 v17, v5;
	v22 =	vld [tilespmem:s11+$0xFFFFFFF0];
	v24 =	vadd.s32 v3, v12  }
0x11b: {  	v30 =	vmovc v11;
	v27 =	vld [tilespmem:s4+$0xFFFFFF10];
	v28 =	vmov s17;
	s17 =	sadd.s32 $0x2, s14;
	v29 =	vadd.s32 v0, v26;
	[tilespmem:v21+s26+$0x0] =	vst.idx.msk $0xffff, v25;
	v16 =	vadd.f32 v16, v7;
	s14 =	smov.u32 s15  }
0x11c: {  	v12 =	vmovc v9;
	v21 =	vld [tilespmem:s4+$0xFFFFFF50];
	v11 =	vmov s17;
	[tilespmem:v14+s26+$0x0] =	vst.idx.msk $0xffff, v17;
	v14 =	vadd.s32 v2, v8;
	v15 =	vadd.f32 v15, v7  }
0x11d: {  	v17 =	vadd.s32 v0, v13;
	v28 =	vand.u32 $0x7D, v28;
	v25 =	vld [tilespmem:s4+$0xFFFFFF90];
	v31 =	vadd.f32 v18, v7;
	[tilespmem:v19+s26+$0x0] =	vst.idx.msk $0xffff, v16  }
0x11e: {  	v16 =	vadd.s32 v0, v28;
	v11 =	vand.u32 $0x7E, v11;
	v18 =	vadd.f32 v23, v4;
	v19 =	vld [tilespmem:s11+$0xFFFFFF70];
	[tilespmem:v20+s26+$0x0] =	vst.idx.msk $0xffff, v15  }
0x11f: {  	v9 =	vmov v13;
	v15 =	vadd.s32 v0, v11;
	v20 =	vld [tilespmem:s11+$0xFFFFFFB0];
	v22 =	vadd.f32 v22, v6;
	[tilespmem:v24+s26+$0x0] =	vst.idx.msk $0xffff, v31  }
0x120: {  	v23 =	vadd.s32 v2, v10;
	v13 =	vadd.f32 v27, v4;
	[tilespmem:v29+s26+$0x0] =	vst.idx.msk $0xffff, v18;
	v18 =	vld [tilespmem:s11+$0xFFFFFF30]  }
0x121: {  	v27 =	vadd.s32 v2, v30;
	v21 =	vadd.f32 v21, v4;
	v24 =	vld [tilespmem:s4+$0xFFFFFFE0];
	[tilespmem:v14+s26+$0x0] =	vst.idx.msk $0xffff, v22  }
0x122: {  	[tilespmem:v17+s26+$0x0] =	vst.idx.msk $0xffff, v13;
	v13 =	vadd.f32 v25, v4;
	v25 =	vadd.s32 v2, v12;
	v29 =	vld [tilespmem:s11+$0x0]  }
0x123: {  	v32 =	vadd.s32 v1, v26;
	v31 =	vld [tilespmem:s4+$0xFFFFFF20];
	[tilespmem:v16+s26+$0x0] =	vst.idx.msk $0xffff, v21;
	v14 =	vadd.f32 v19, v6  }
0x124: {  	v34 =	vadd.s32 v3, v8;
	v8 =	vmov v26;
	v33 =	vld [tilespmem:s4+$0xFFFFFF60];
	[tilespmem:v15+s26+$0x0] =	vst.idx.msk $0xffff, v13;
	v13 =	vadd.f32 v20, v6  }
.Ltmp7:
0x125: {  	v22 =	vadd.s32 v1, v9;
	v17 =	vld [tilespmem:s4+$0xFFFFFFA0];
	v15 =	vadd.f32 v18, v6;
	[tilespmem:v23+s26+$0x0] =	vst.idx.msk $0xffff, v14;
	(pc) =	sbr.rel @p2 .LBB2_15-.Ltmp7, $4  }
0x126: {  	v21 =	vadd.s32 v1, v28;
	v18 =	vadd.f32 v24, v5;
	v16 =	vld [tilespmem:s11+$0xFFFFFF80];
	[tilespmem:v27+s26+$0x0] =	vst.idx.msk $0xffff, v13  }
0x127: {  	v14 =	vadd.s32 v1, v11;
	v13 =	vmov s15;
	[tilespmem:v25+s26+$0x0] =	vst.idx.msk $0xffff, v15;
	v15 =	vld [tilespmem:s11+$0xFFFFFFC0];
	v27 =	vadd.f32 v29, v7  }
0x128: {  	s17 =	sadd.s32 $0x3, s15;
	v19 =	vadd.s32 v3, v10;
	v13 =	vand.u32 $0x7C, v13;
	v24 =	vadd.f32 v31, v5;
	[tilespmem:v32+s26+$0x0] =	vst.idx.msk $0xffff, v18;
	v18 =	vld [tilespmem:s11+$0xFFFFFF40];
	s11 =	smov.u32 s4;
	s4 =	sadd.s32 $0x100, s4  }
0x129: {  	v26 =	vmov s17;
	v10 =	vmovc v28;
	v20 =	vadd.s32 v3, v30;
	s15 =	sadd.s32 $0x4, s15;
	v23 =	vld [tilespmem:s4+$0xFFFFFFD0];
	v25 =	vadd.f32 v33, v5;
	[tilespmem:v34+s26+$0x0] =	vst.idx.msk $0xffff, v27  }
0x12a: {  	s15 =	sadd.s32 $0x1, s14;
	v26 =	vand.u32 $0x7F, v26;
	v32 =	vld [tilespmem:s4+$0xFFFFFF10]  }
0x12b: {  	v28 =	vld [tilespmem:s4+$0xFFFFFF50];
	v27 =	vmov s15;
	s15 =	sadd.s32 $0x2, s14;
	v29 =	vadd.s32 v0, v26  }
0x12c: {  	v31 =	vld [tilespmem:s4+$0xFFFFFF90];
	v46 =	vadd.s32 v0, v13;
	v30 =	vmov s15;
	v27 =	vand.u32 $0x7D, v27  }
0x12d: {  	v33 =	vadd.s32 v0, v27;
	v30 =	vand.u32 $0x7E, v30  }
0x12e: {  	[tilespmem:v22+s26+$0x0] =	vst.idx.msk $0xffff, v24;
	v34 =	vadd.s32 v0, v30;
	v23 =	vadd.f32 v23, v4  }
0x12f: {  	[tilespmem:v21+s26+$0x0] =	vst.idx.msk $0xffff, v25;
	v49 =	vadd.f32 v32, v4  }
0x130: {  	v47 =	vadd.f32 v28, v4;
	[tilespmem:v29+s26+$0x0] =	vst.idx.msk $0xffff, v23  }
0x131: {  	v48 =	vadd.f32 v31, v4;
	v50 =	vld [tilespmem:s4+$0xFFFFFFE0];
	[tilespmem:v46+s26+$0x0] =	vst.idx.msk $0xffff, v49  }
0x132: {  	v17 =	vadd.f32 v17, v5;
	v12 =	vadd.s32 v3, v12;
	[tilespmem:v33+s26+$0x0] =	vst.idx.msk $0xffff, v47;
	v54 =	vld [tilespmem:s4+$0xFFFFFF20]  }
0x133: {  	v16 =	vadd.f32 v16, v7;
	v52 =	vadd.s32 v1, v26;
	v51 =	vld [tilespmem:s4+$0xFFFFFF60];
	[tilespmem:v34+s26+$0x0] =	vst.idx.msk $0xffff, v48  }
0x134: {  	v59 =	vadd.s32 v1, v13;
	[tilespmem:v14+s26+$0x0] =	vst.idx.msk $0xffff, v17;
	v53 =	vadd.f32 v15, v7;
	v23 =	vld [tilespmem:s4+$0xFFFFFFA0]  }
0x135: {  	v56 =	vld [tilespmem:s11+$0xFFFFFFF0];
	v55 =	vadd.s32 v1, v27;
	v18 =	vadd.f32 v18, v7;
	[tilespmem:v19+s26+$0x0] =	vst.idx.msk $0xffff, v16  }
0x136: {  	v58 =	vld [tilespmem:s11+$0xFFFFFF70];
	v57 =	vadd.s32 v1, v30;
	[tilespmem:v20+s26+$0x0] =	vst.idx.msk $0xffff, v53;
	v60 =	vadd.f32 v50, v5  }
0x137: {  	v61 =	vadd.s32 v2, v8;
	v62 =	vld [tilespmem:s11+$0xFFFFFFB0];
	[tilespmem:v12+s26+$0x0] =	vst.idx.msk $0xffff, v18;
	v15 =	vadd.f32 v54, v5  }
0x138: {  	v31 =	vadd.s32 v2, v10;
	v29 =	vld [tilespmem:s11+$0xFFFFFF30];
	v63 =	vadd.f32 v51, v5;
	[tilespmem:v52+s26+$0x0] =	vst.idx.msk $0xffff, v60  }
0x139: {  	v33 =	vadd.s32 v2, v11;
	v32 =	vadd.f32 v23, v5;
	v34 =	vld [tilespmem:s4+$0xFFFFFFF0];
	[tilespmem:v59+s26+$0x0] =	vst.idx.msk $0xffff, v15  }
0x13a: {  	v36 =	vadd.s32 v2, v9;
	v35 =	vadd.f32 v56, v6;
	[tilespmem:v55+s26+$0x0] =	vst.idx.msk $0xffff, v63;
	v41 =	vld [tilespmem:s4+$0xFFFFFF30]  }
0x13b: {  	v38 =	vadd.s32 v2, v26;
	v19 =	vadd.f32 v58, v6;
	[tilespmem:v57+s26+$0x0] =	vst.idx.msk $0xffff, v32;
	v37 =	vld [tilespmem:s4+$0xFFFFFF70]  }
0x13c: {  	[tilespmem:v61+s26+$0x0] =	vst.idx.msk $0xffff, v35;
	v46 =	vadd.s32 v2, v13;
	v40 =	vadd.f32 v62, v6;
	v39 =	vld [tilespmem:s4+$0xFFFFFFB0]  }
0x13d: {  	v42 =	vadd.s32 v2, v27;
	v43 =	vld [tilespmem:s11+$0x0];
	[tilespmem:v31+s26+$0x0] =	vst.idx.msk $0xffff, v19;
	v18 =	vadd.f32 v29, v6  }
0x13e: {  	v44 =	vadd.s32 v2, v30;
	v25 =	vld [tilespmem:s11+$0xFFFFFF80];
	[tilespmem:v33+s26+$0x0] =	vst.idx.msk $0xffff, v40;
	v45 =	vadd.f32 v34, v6  }
0x13f: {  	v8 =	vadd.s32 v3, v8;
	[tilespmem:v36+s26+$0x0] =	vst.idx.msk $0xffff, v18;
	v47 =	vld [tilespmem:s11+$0xFFFFFFC0];
	v51 =	vadd.f32 v41, v6  }
0x140: {  	v48 =	vadd.s32 v3, v10;
	v18 =	vld [tilespmem:s11+$0xFFFFFF40];
	v16 =	vadd.f32 v37, v6;
	[tilespmem:v38+s26+$0x0] =	vst.idx.msk $0xffff, v45  }
0x141: {  	v50 =	vadd.s32 v3, v11;
	v49 =	vadd.f32 v39, v6;
	v14 =	vld [tilespmem:s4+$0x0];
	[tilespmem:v46+s26+$0x0] =	vst.idx.msk $0xffff, v51  }
0x142: {  	v53 =	vadd.s32 v3, v9;
	v52 =	vadd.f32 v43, v7;
	[tilespmem:v42+s26+$0x0] =	vst.idx.msk $0xffff, v16;
	v58 =	vld [tilespmem:s4+$0xFFFFFF40]  }
0x143: {  	v56 =	vadd.s32 v3, v26;
	v55 =	vadd.f32 v25, v7;
	v54 =	vld [tilespmem:s4+$0xFFFFFF80];
	[tilespmem:v44+s26+$0x0] =	vst.idx.msk $0xffff, v49  }
0x144: {  	v61 =	vadd.s32 v3, v13;
	[tilespmem:v8+s26+$0x0] =	vst.idx.msk $0xffff, v52;
	v8 =	vadd.f32 v47, v7;
	v57 =	vld [tilespmem:s4+$0xFFFFFFC0]  }
0x145: {  	v59 =	vadd.s32 v3, v27;
	[tilespmem:v48+s26+$0x0] =	vst.idx.msk $0xffff, v55;
	v18 =	vadd.f32 v18, v7  }
0x146: {  	s16 =	sadd.s32 s16, s9;
	v60 =	vadd.s32 v3, v30;
	[tilespmem:v50+s26+$0x0] =	vst.idx.msk $0xffff, v8;
	v8 =	vadd.f32 v14, v7  }
0x147: {  	s17 =	sshll.u32 s16, $0x4;
	[tilespmem:v53+s26+$0x0] =	vst.idx.msk $0xffff, v18;
	v63 =	vadd.f32 v58, v7  }
0x148: {  	s11 =	sand.u32 $0x70, s17;
	s4 =	sshll.u32 s16, $0xA;
	v62 =	vadd.f32 v54, v7;
	[tilespmem:v56+s26+$0x0] =	vst.idx.msk $0xffff, v8  }
0x149: {  	s11 =	sadd.s32 s6, s11;
	s4 =	sand.u32 $0xFFFE000, s4;
	v8 =	vadd.f32 v57, v7;
	[tilespmem:v61+s26+$0x0] =	vst.idx.msk $0xffff, v63  }
0x14a: {  	s14 =	simm.s32 $0x80;
	s4 =	sadd.s32 s4, s11;
	[tilespmem:v59+s26+$0x0] =	vst.idx.msk $0xffff, v62  }
0x14b: {  	s15 =	simm.s32 $0xFDC8;
	s11 =	simm.s32 $0xFD40;
	s16 =	sadd.s32 $0x0, s4;
	[tilespmem:v60+s26+$0x0] =	vst.idx.msk $0xffff, v8  }
.LBB2_17:
0x14c: {  	[hbm4b:s16+s2] =	stream.linear.scatter [tilespmem:s11], [sflag:$0x8], $0x80, $0x38;
	[tilespmem:$0x16340] =	vst v63  }
0x14d: {  	s16 =	smov.u32 s14;
	s11 =	smov.u32 s15;
	p2 =	sne.s32 s14, $0x1F80  }
.Ltmp8:
0x14e: {  	s14 =	sadd.s32 $0x80, s14;
	(pc) =	sbr.rel @p2 .LBB2_17-.Ltmp8, $2  }
0x14f: {  	_ =	sdelay $0x2  }
0x150: {  	s15 =	sadd.s32 $0x88, s15;
	s16 =	sadd.s32 s16, s4  }
.Ltmp9:
0x151: {  	(pc) =	sbr.rel @p1 .LBB2_20-.Ltmp9, $2  }
0x152: {  	_ =	sdelay $0x2  }
0x153: {  	[hbm4b:s16+s2] =	stream.linear.scatter [tilespmem:s11], [sflag:$0x8], $0x80, $0x38;
	[tilespmem:$0x16340] =	vst v63  }
.Ltmp10:
0x154: {  	(pc) =	sbr.rel .LBB2_21-.Ltmp10, $4  }
0x155: {  	_ = 	snop  }
0x156: {  	_ =	swait.ge [sflag:s28], $0x2000  }
0x157: {  	[sflag:s28] =	ssyncset.done $0x0  }
0x158: {  	[sflag:s28] =	ssyncadd.s32 $0xFFFFE000  }
.LBB2_20:
0x159: {  	s4 =	smul.u32 $0xA00, s7;
	_ =	sdelay $0x1  }
0x15a: {  	s4 =	sshra.s32 s4, $0x2  }
.Ltmp11:
0x15b: {  	s11 =	simm.s32 $0x3940;
	s4 =	sadd.s32 $0x300, s4;
	(pc) =	sbr.rel @p0 .LBB2_22-.Ltmp11, $4  }
0x15c: {  	[tilespmem:s11], [sflag:$0x2] =	stream.indirect.gather [hbm4b:s5+s13], $0x40, s4, s13, $0xb8;
	[tilespmem:$0x16340] =	vst v63  }
0x15d: {  	_ =	swait.ge [sflag:s28], $0x2000  }
0x15e: {  	[sflag:s28] =	ssyncset.done $0x0  }
0x15f: {  	[sflag:s28] =	ssyncadd.s32 $0xFFFFE000  }
.LBB2_21:
0x160: {  	_ =	swait.ge [sflag:s29], $0x2000  }
0x161: {  	[sflag:s29] =	ssyncset.done $0x0  }
0x162: {  	[sflag:s29] =	ssyncadd.s32 $0xFFFFE000  }
.LBB2_22:
0x163: {  	s15 =	simm.s32 $0x7A30;
	s4 =	simm.s32 $0x3  }
0x164: {  	v8 =	vmov s4;
	v9 =	vld [tilespmem:s15+$0xFFFFFFD0]  }
0x165: {  	v13 =	vand.u32 $0x7F, v8  }
0x166: {  	s14 =	simm.s32 $0x0;
	v8 =	vadd.s32 v0, v13  }
0x167: {  	s16 =	simm.s32 $0x1;
	s11 =	simm.s32 $0x2;
	v10 =	vmov s14;
	v11 =	vld [tilespmem:s15+$0xFFFFFF10]  }
0x168: {  	v14 =	vld [tilespmem:s15+$0xFFFFFF50];
	v15 =	vmov s11;
	v12 =	vand.u32 $0x7C, v10;
	v10 =	vmov s16  }
0x169: {  	v16 =	vadd.s32 v0, v12;
	v19 =	vand.u32 $0x7D, v10;
	v10 =	vld [tilespmem:s15+$0xFFFFFF90];
	v9 =	vadd.f32 v9, v4  }
0x16a: {  	v20 =	vand.u32 $0x7E, v15;
	v17 =	vadd.s32 v0, v19  }
0x16b: {  	v15 =	vadd.s32 v0, v20;
	[tilespmem:v8+s30+$0x0] =	vst.idx.msk $0xffff, v9  }
0x16c: {  	v8 =	vadd.f32 v11, v4;
	v9 =	vld [tilespmem:s15+$0xFFFFFFE0]  }
0x16d: {  	v11 =	vadd.f32 v14, v4  }
0x16e: {  	[tilespmem:v16+s30+$0x0] =	vst.idx.msk $0xffff, v8;
	v8 =	vadd.f32 v10, v4;
	v10 =	vadd.s32 v1, v13  }
0x16f: {  	[tilespmem:v17+s30+$0x0] =	vst.idx.msk $0xffff, v11;
	v14 =	vld [tilespmem:s15+$0xFFFFFF20]  }
0x170: {  	v11 =	vld [tilespmem:s15+$0xFFFFFF60];
	[tilespmem:v15+s30+$0x0] =	vst.idx.msk $0xffff, v8  }
0x171: {  	v15 =	vld [tilespmem:s15+$0xFFFFFFA0];
	v8 =	vadd.f32 v9, v5  }
0x172: {  	s14 =	simm.s32 $0x7;
	s11 =	simm.s32 $0x7B30;
	v16 =	vadd.s32 v1, v19  }
0x173: {  	s17 =	simm.s32 $0x4;
	v18 =	vld [tilespmem:s11+$0xFFFFFFD0];
	v21 =	vadd.s32 v1, v12;
	v17 =	vadd.s32 v1, v20;
	[tilespmem:v10+s30+$0x0] =	vst.idx.msk $0xffff, v8;
	v8 =	vmov s14  }
0x174: {  	v26 =	vadd.s32 v2, v13;
	v9 =	vmov s17;
	v8 =	vand.u32 $0x7F, v8;
	v22 =	vld [tilespmem:s15+$0xFFFFFFF0]  }
0x175: {  	s16 =	simm.s32 $0x5;
	v23 =	vld [tilespmem:s11+$0xFFFFFF10];
	v9 =	vand.u32 $0x7C, v9;
	v10 =	vadd.f32 v11, v5;
	v24 =	vadd.s32 v0, v8  }
0x176: {  	v25 =	vld [tilespmem:s11+$0xFFFFFF50];
	s17 =	simm.s32 $0x6;
	v14 =	vadd.f32 v14, v5;
	v11 =	vadd.f32 v15, v5;
	v15 =	vmov s16  }
0x177: {  	v27 =	vadd.s32 v0, v9;
	[tilespmem:v16+s30+$0x0] =	vst.idx.msk $0xffff, v10;
	v16 =	vmov s17;
	v10 =	vand.u32 $0x7D, v15;
	v15 =	vld [tilespmem:s11+$0xFFFFFF90]  }
0x178: {  	[tilespmem:v17+s30+$0x0] =	vst.idx.msk $0xffff, v11;
	v17 =	vadd.s32 v0, v10;
	v11 =	vand.u32 $0x7E, v16;
	v16 =	vadd.f32 v18, v4;
	v18 =	vld [tilespmem:s15+$0xFFFFFF70]  }
0x179: {  	[tilespmem:v21+s30+$0x0] =	vst.idx.msk $0xffff, v14;
	v14 =	vadd.s32 v0, v11;
	v21 =	vld [tilespmem:s15+$0xFFFFFFB0];
	v22 =	vadd.f32 v22, v6  }
0x17a: {  	v23 =	vadd.f32 v23, v4;
	[tilespmem:v24+s30+$0x0] =	vst.idx.msk $0xffff, v16;
	v16 =	vld [tilespmem:s15+$0xFFFFFF30];
	v24 =	vadd.s32 v2, v19  }
0x17b: {  	v29 =	vadd.s32 v2, v20;
	v25 =	vadd.f32 v25, v4;
	v28 =	vld [tilespmem:s11+$0xFFFFFFE0];
	[tilespmem:v26+s30+$0x0] =	vst.idx.msk $0xffff, v22  }
0x17c: {  	[tilespmem:v27+s30+$0x0] =	vst.idx.msk $0xffff, v23;
	v23 =	vadd.s32 v2, v12;
	v15 =	vadd.f32 v15, v4;
	v26 =	vld [tilespmem:s15+$0x0]  }
0x17d: {  	v27 =	vld [tilespmem:s11+$0xFFFFFF20];
	[tilespmem:v17+s30+$0x0] =	vst.idx.msk $0xffff, v25;
	v25 =	vadd.s32 v1, v8;
	v18 =	vadd.f32 v18, v6  }
0x17e: {  	v31 =	vadd.s32 v3, v13;
	v30 =	vld [tilespmem:s11+$0xFFFFFF60];
	[tilespmem:v14+s30+$0x0] =	vst.idx.msk $0xffff, v15;
	v14 =	vadd.f32 v21, v6  }
0x17f: {  	v22 =	vadd.s32 v1, v9;
	v17 =	vld [tilespmem:s11+$0xFFFFFFA0];
	v13 =	vadd.f32 v16, v6;
	[tilespmem:v24+s30+$0x0] =	vst.idx.msk $0xffff, v18  }
0x180: {  	s14 =	simm.s32 $0x8;
	v21 =	vadd.s32 v1, v10;
	[tilespmem:v29+s30+$0x0] =	vst.idx.msk $0xffff, v14;
	v18 =	vadd.f32 v28, v5;
	v16 =	vld [tilespmem:s15+$0xFFFFFF80]  }
0x181: {  	v24 =	vmov s14;
	v14 =	vadd.s32 v1, v11;
	v15 =	vld [tilespmem:s15+$0xFFFFFFC0];
	[tilespmem:v23+s30+$0x0] =	vst.idx.msk $0xffff, v13;
	v63 =	vadd.f32 v26, v7  }
0x182: {  	s4 =	simm.s32 $0x7C30;
	s16 =	simm.s32 $0xB;
	v19 =	vadd.s32 v3, v19;
	v13 =	vand.u32 $0x7C, v24;
	v24 =	vadd.f32 v27, v5;
	[tilespmem:v25+s30+$0x0] =	vst.idx.msk $0xffff, v18;
	v18 =	vld [tilespmem:s15+$0xFFFFFF40]  }
0x183: {  	v20 =	vadd.s32 v3, v20;
	v26 =	vmov s16;
	v23 =	vld [tilespmem:s4+$0xFFFFFFD0];
	s15 =	simm.s32 $0xC;
	v25 =	vadd.f32 v30, v5;
	[tilespmem:v31+s30+$0x0] =	vst.idx.msk $0xffff, v63  }
.LBB2_23:
0x184: {  	p2 =	slt.u32 s15, $0x7C;
	s16 =	sadd.s32 $0x1, s14;
	v26 =	vand.u32 $0x7F, v26;
	[tilespmem:v22+s30+$0x0] =	vst.idx.msk $0xffff, v24;
	v17 =	vadd.f32 v17, v5;
	v22 =	vld [tilespmem:s11+$0xFFFFFFF0];
	v24 =	vadd.s32 v3, v12  }
0x185: {  	v30 =	vmovc v11;
	v27 =	vld [tilespmem:s4+$0xFFFFFF10];
	v28 =	vmov s16;
	s16 =	sadd.s32 $0x2, s14;
	v29 =	vadd.s32 v0, v26;
	[tilespmem:v21+s30+$0x0] =	vst.idx.msk $0xffff, v25;
	v16 =	vadd.f32 v16, v7;
	s14 =	smov.u32 s15  }
0x186: {  	v12 =	vmovc v9;
	v21 =	vld [tilespmem:s4+$0xFFFFFF50];
	v11 =	vmov s16;
	[tilespmem:v14+s30+$0x0] =	vst.idx.msk $0xffff, v17;
	v14 =	vadd.s32 v2, v8;
	v15 =	vadd.f32 v15, v7  }
0x187: {  	v17 =	vadd.s32 v0, v13;
	v28 =	vand.u32 $0x7D, v28;
	v25 =	vld [tilespmem:s4+$0xFFFFFF90];
	v31 =	vadd.f32 v18, v7;
	[tilespmem:v19+s30+$0x0] =	vst.idx.msk $0xffff, v16  }
0x188: {  	v16 =	vadd.s32 v0, v28;
	v11 =	vand.u32 $0x7E, v11;
	v18 =	vadd.f32 v23, v4;
	v19 =	vld [tilespmem:s11+$0xFFFFFF70];
	[tilespmem:v20+s30+$0x0] =	vst.idx.msk $0xffff, v15  }
0x189: {  	v9 =	vmov v13;
	v15 =	vadd.s32 v0, v11;
	v20 =	vld [tilespmem:s11+$0xFFFFFFB0];
	v22 =	vadd.f32 v22, v6;
	[tilespmem:v24+s30+$0x0] =	vst.idx.msk $0xffff, v31  }
0x18a: {  	v23 =	vadd.s32 v2, v10;
	v13 =	vadd.f32 v27, v4;
	[tilespmem:v29+s30+$0x0] =	vst.idx.msk $0xffff, v18;
	v18 =	vld [tilespmem:s11+$0xFFFFFF30]  }
0x18b: {  	v27 =	vadd.s32 v2, v30;
	v21 =	vadd.f32 v21, v4;
	v24 =	vld [tilespmem:s4+$0xFFFFFFE0];
	[tilespmem:v14+s30+$0x0] =	vst.idx.msk $0xffff, v22  }
0x18c: {  	[tilespmem:v17+s30+$0x0] =	vst.idx.msk $0xffff, v13;
	v13 =	vadd.f32 v25, v4;
	v25 =	vadd.s32 v2, v12;
	v29 =	vld [tilespmem:s11+$0x0]  }
0x18d: {  	v32 =	vadd.s32 v1, v26;
	v31 =	vld [tilespmem:s4+$0xFFFFFF20];
	[tilespmem:v16+s30+$0x0] =	vst.idx.msk $0xffff, v21;
	v14 =	vadd.f32 v19, v6  }
0x18e: {  	v34 =	vadd.s32 v3, v8;
	v8 =	vmov v26;
	v33 =	vld [tilespmem:s4+$0xFFFFFF60];
	[tilespmem:v15+s30+$0x0] =	vst.idx.msk $0xffff, v13;
	v13 =	vadd.f32 v20, v6  }
.Ltmp12:
0x18f: {  	v22 =	vadd.s32 v1, v9;
	v17 =	vld [tilespmem:s4+$0xFFFFFFA0];
	v15 =	vadd.f32 v18, v6;
	[tilespmem:v23+s30+$0x0] =	vst.idx.msk $0xffff, v14;
	(pc) =	sbr.rel @p2 .LBB2_23-.Ltmp12, $4  }
0x190: {  	v21 =	vadd.s32 v1, v28;
	v18 =	vadd.f32 v24, v5;
	v16 =	vld [tilespmem:s11+$0xFFFFFF80];
	[tilespmem:v27+s30+$0x0] =	vst.idx.msk $0xffff, v13  }
0x191: {  	v14 =	vadd.s32 v1, v11;
	v13 =	vmov s15;
	[tilespmem:v25+s30+$0x0] =	vst.idx.msk $0xffff, v15;
	v15 =	vld [tilespmem:s11+$0xFFFFFFC0];
	v27 =	vadd.f32 v29, v7  }
0x192: {  	s16 =	sadd.s32 $0x3, s15;
	v19 =	vadd.s32 v3, v10;
	v13 =	vand.u32 $0x7C, v13;
	v24 =	vadd.f32 v31, v5;
	[tilespmem:v32+s30+$0x0] =	vst.idx.msk $0xffff, v18;
	v18 =	vld [tilespmem:s11+$0xFFFFFF40];
	s11 =	smov.u32 s4;
	s4 =	sadd.s32 $0x100, s4  }
0x193: {  	v26 =	vmov s16;
	v10 =	vmovc v28;
	v20 =	vadd.s32 v3, v30;
	s15 =	sadd.s32 $0x4, s15;
	v23 =	vld [tilespmem:s4+$0xFFFFFFD0];
	v25 =	vadd.f32 v33, v5;
	[tilespmem:v34+s30+$0x0] =	vst.idx.msk $0xffff, v27  }
0x194: {  	s15 =	sadd.s32 $0x1, s14;
	v26 =	vand.u32 $0x7F, v26;
	v32 =	vld [tilespmem:s4+$0xFFFFFF10]  }
0x195: {  	v28 =	vld [tilespmem:s4+$0xFFFFFF50];
	v27 =	vmov s15;
	s15 =	sadd.s32 $0x2, s14;
	v29 =	vadd.s32 v0, v26  }
0x196: {  	v31 =	vld [tilespmem:s4+$0xFFFFFF90];
	v46 =	vadd.s32 v0, v13;
	v30 =	vmov s15;
	v27 =	vand.u32 $0x7D, v27  }
0x197: {  	v33 =	vadd.s32 v0, v27;
	v30 =	vand.u32 $0x7E, v30  }
0x198: {  	[tilespmem:v22+s30+$0x0] =	vst.idx.msk $0xffff, v24;
	v34 =	vadd.s32 v0, v30;
	v23 =	vadd.f32 v23, v4  }
0x199: {  	[tilespmem:v21+s30+$0x0] =	vst.idx.msk $0xffff, v25;
	v49 =	vadd.f32 v32, v4  }
0x19a: {  	v47 =	vadd.f32 v28, v4;
	[tilespmem:v29+s30+$0x0] =	vst.idx.msk $0xffff, v23  }
0x19b: {  	v48 =	vadd.f32 v31, v4;
	v50 =	vld [tilespmem:s4+$0xFFFFFFE0];
	[tilespmem:v46+s30+$0x0] =	vst.idx.msk $0xffff, v49  }
0x19c: {  	v17 =	vadd.f32 v17, v5;
	v12 =	vadd.s32 v3, v12;
	[tilespmem:v33+s30+$0x0] =	vst.idx.msk $0xffff, v47;
	v54 =	vld [tilespmem:s4+$0xFFFFFF20]  }
0x19d: {  	v16 =	vadd.f32 v16, v7;
	v52 =	vadd.s32 v1, v26;
	v51 =	vld [tilespmem:s4+$0xFFFFFF60];
	[tilespmem:v34+s30+$0x0] =	vst.idx.msk $0xffff, v48  }
0x19e: {  	v59 =	vadd.s32 v1, v13;
	[tilespmem:v14+s30+$0x0] =	vst.idx.msk $0xffff, v17;
	v53 =	vadd.f32 v15, v7;
	v23 =	vld [tilespmem:s4+$0xFFFFFFA0]  }
0x19f: {  	v56 =	vld [tilespmem:s11+$0xFFFFFFF0];
	v55 =	vadd.s32 v1, v27;
	v18 =	vadd.f32 v18, v7;
	[tilespmem:v19+s30+$0x0] =	vst.idx.msk $0xffff, v16  }
0x1a0: {  	v58 =	vld [tilespmem:s11+$0xFFFFFF70];
	v57 =	vadd.s32 v1, v30;
	[tilespmem:v20+s30+$0x0] =	vst.idx.msk $0xffff, v53;
	v60 =	vadd.f32 v50, v5  }
0x1a1: {  	v61 =	vadd.s32 v2, v8;
	v62 =	vld [tilespmem:s11+$0xFFFFFFB0];
	[tilespmem:v12+s30+$0x0] =	vst.idx.msk $0xffff, v18;
	v15 =	vadd.f32 v54, v5  }
0x1a2: {  	v31 =	vadd.s32 v2, v10;
	v29 =	vld [tilespmem:s11+$0xFFFFFF30];
	v63 =	vadd.f32 v51, v5;
	[tilespmem:v52+s30+$0x0] =	vst.idx.msk $0xffff, v60  }
0x1a3: {  	v33 =	vadd.s32 v2, v11;
	v32 =	vadd.f32 v23, v5;
	v34 =	vld [tilespmem:s4+$0xFFFFFFF0];
	[tilespmem:v59+s30+$0x0] =	vst.idx.msk $0xffff, v15  }
0x1a4: {  	v36 =	vadd.s32 v2, v9;
	v35 =	vadd.f32 v56, v6;
	[tilespmem:v55+s30+$0x0] =	vst.idx.msk $0xffff, v63;
	v41 =	vld [tilespmem:s4+$0xFFFFFF30]  }
0x1a5: {  	v38 =	vadd.s32 v2, v26;
	v19 =	vadd.f32 v58, v6;
	[tilespmem:v57+s30+$0x0] =	vst.idx.msk $0xffff, v32;
	v37 =	vld [tilespmem:s4+$0xFFFFFF70]  }
0x1a6: {  	[tilespmem:v61+s30+$0x0] =	vst.idx.msk $0xffff, v35;
	v46 =	vadd.s32 v2, v13;
	v40 =	vadd.f32 v62, v6;
	v39 =	vld [tilespmem:s4+$0xFFFFFFB0]  }
0x1a7: {  	v42 =	vadd.s32 v2, v27;
	v43 =	vld [tilespmem:s11+$0x0];
	[tilespmem:v31+s30+$0x0] =	vst.idx.msk $0xffff, v19;
	v18 =	vadd.f32 v29, v6  }
0x1a8: {  	v44 =	vadd.s32 v2, v30;
	v25 =	vld [tilespmem:s11+$0xFFFFFF80];
	[tilespmem:v33+s30+$0x0] =	vst.idx.msk $0xffff, v40;
	v45 =	vadd.f32 v34, v6  }
0x1a9: {  	v8 =	vadd.s32 v3, v8;
	[tilespmem:v36+s30+$0x0] =	vst.idx.msk $0xffff, v18;
	v47 =	vld [tilespmem:s11+$0xFFFFFFC0];
	v51 =	vadd.f32 v41, v6  }
0x1aa: {  	v48 =	vadd.s32 v3, v10;
	v18 =	vld [tilespmem:s11+$0xFFFFFF40];
	v16 =	vadd.f32 v37, v6;
	[tilespmem:v38+s30+$0x0] =	vst.idx.msk $0xffff, v45  }
0x1ab: {  	v50 =	vadd.s32 v3, v11;
	v49 =	vadd.f32 v39, v6;
	v14 =	vld [tilespmem:s4+$0x0];
	[tilespmem:v46+s30+$0x0] =	vst.idx.msk $0xffff, v51  }
0x1ac: {  	v53 =	vadd.s32 v3, v9;
	v52 =	vadd.f32 v43, v7;
	[tilespmem:v42+s30+$0x0] =	vst.idx.msk $0xffff, v16;
	v58 =	vld [tilespmem:s4+$0xFFFFFF40]  }
0x1ad: {  	v56 =	vadd.s32 v3, v26;
	v55 =	vadd.f32 v25, v7;
	v54 =	vld [tilespmem:s4+$0xFFFFFF80];
	[tilespmem:v44+s30+$0x0] =	vst.idx.msk $0xffff, v49  }
0x1ae: {  	v61 =	vadd.s32 v3, v13;
	[tilespmem:v8+s30+$0x0] =	vst.idx.msk $0xffff, v52;
	v8 =	vadd.f32 v47, v7;
	v57 =	vld [tilespmem:s4+$0xFFFFFFC0]  }
0x1af: {  	v59 =	vadd.s32 v3, v27;
	[tilespmem:v48+s30+$0x0] =	vst.idx.msk $0xffff, v55;
	v18 =	vadd.f32 v18, v7  }
0x1b0: {  	s16 =	sadd.s32 s3, s12;
	v60 =	vadd.s32 v3, v30;
	[tilespmem:v50+s30+$0x0] =	vst.idx.msk $0xffff, v8;
	v8 =	vadd.f32 v14, v7  }
0x1b1: {  	s17 =	sshll.u32 s16, $0x4;
	[tilespmem:v53+s30+$0x0] =	vst.idx.msk $0xffff, v18;
	v63 =	vadd.f32 v58, v7  }
0x1b2: {  	s11 =	sand.u32 $0x70, s17;
	s4 =	sshll.u32 s16, $0xA;
	v62 =	vadd.f32 v54, v7;
	[tilespmem:v56+s30+$0x0] =	vst.idx.msk $0xffff, v8  }
0x1b3: {  	s11 =	sadd.s32 s6, s11;
	s4 =	sand.u32 $0xFFFE000, s4;
	v8 =	vadd.f32 v57, v7;
	[tilespmem:v61+s30+$0x0] =	vst.idx.msk $0xffff, v63  }
0x1b4: {  	s12 =	simm.s32 $0x80;
	s4 =	sadd.s32 s4, s11;
	[tilespmem:v59+s30+$0x0] =	vst.idx.msk $0xffff, v62  }
0x1b5: {  	s14 =	simm.s32 $0x11FC8;
	s11 =	simm.s32 $0x11F40;
	s15 =	sadd.s32 $0x0, s4;
	[tilespmem:v60+s30+$0x0] =	vst.idx.msk $0xffff, v8  }
.LBB2_25:
0x1b6: {  	[hbm4b:s15+s2] =	stream.linear.scatter [tilespmem:s11], [sflag:$0x9], $0x80, $0x38;
	[tilespmem:$0x16340] =	vst v63  }
0x1b7: {  	s15 =	smov.u32 s12;
	s11 =	smov.u32 s14;
	p2 =	sne.s32 s12, $0x1F80  }
.Ltmp13:
0x1b8: {  	s12 =	sadd.s32 $0x80, s12;
	(pc) =	sbr.rel @p2 .LBB2_25-.Ltmp13, $2  }
0x1b9: {  	_ =	sdelay $0x2  }
0x1ba: {  	s14 =	sadd.s32 $0x88, s14;
	s15 =	sadd.s32 s15, s4  }
.Ltmp14:
0x1bb: {  	(pc) =	sbr.rel @p1 .LBB2_28-.Ltmp14, $2  }
0x1bc: {  	_ =	sdelay $0x2  }
0x1bd: {  	[hbm4b:s15+s2] =	stream.linear.scatter [tilespmem:s11], [sflag:$0x9], $0x80, $0x38;
	[tilespmem:$0x16340] =	vst v63  }
.Ltmp15:
0x1be: {  	(pc) =	sbr.rel .LBB2_29-.Ltmp15, $4  }
0x1bf: {  	_ = 	snop  }
0x1c0: {  	_ =	swait.ge [sflag:s31], $0x2000  }
0x1c1: {  	[sflag:s31] =	ssyncset.done $0x0  }
0x1c2: {  	[sflag:s31] =	ssyncadd.s32 $0xFFFFE000  }
.LBB2_28:
0x1c3: {  	s4 =	smul.u32 $0xA00, s7;
	_ =	sdelay $0x1  }
0x1c4: {  	s4 =	sshra.s32 s4, $0x2  }
.Ltmp16:
0x1c5: {  	s11 =	simm.s32 $0x5940;
	s4 =	sadd.s32 $0x380, s4;
	(pc) =	sbr.rel @p0 .LBB2_30-.Ltmp16, $4  }
0x1c6: {  	[tilespmem:s11], [sflag:$0x3] =	stream.indirect.gather [hbm4b:s5+s13], $0x40, s4, s13, $0xb8;
	[tilespmem:$0x16340] =	vst v63  }
0x1c7: {  	_ =	swait.ge [sflag:s31], $0x2000  }
0x1c8: {  	[sflag:s31] =	ssyncset.done $0x0  }
0x1c9: {  	[sflag:s31] =	ssyncadd.s32 $0xFFFFE000  }
.LBB2_29:
0x1ca: {  	_ =	swait.ge [sflag:s0], $0x2000  }
0x1cb: {  	[sflag:s0] =	ssyncset.done $0x0  }
0x1cc: {  	[sflag:s0] =	ssyncadd.s32 $0xFFFFE000  }
.LBB2_30:
0x1cd: {  	s14 =	simm.s32 $0x9A30;
	s4 =	simm.s32 $0x3  }
0x1ce: {  	v8 =	vmov s4;
	v9 =	vld [tilespmem:s14+$0xFFFFFFD0]  }
0x1cf: {  	v13 =	vand.u32 $0x7F, v8  }
0x1d0: {  	s11 =	simm.s32 $0x0;
	v8 =	vadd.s32 v0, v13  }
0x1d1: {  	s12 =	simm.s32 $0x1;
	v10 =	vmov s11;
	v11 =	vld [tilespmem:s14+$0xFFFFFF10];
	s11 =	simm.s32 $0x2  }
0x1d2: {  	v14 =	vld [tilespmem:s14+$0xFFFFFF50];
	v12 =	vand.u32 $0x7C, v10;
	v10 =	vmov s12;
	v15 =	vmov s11  }
0x1d3: {  	v16 =	vadd.s32 v0, v12;
	v19 =	vand.u32 $0x7D, v10;
	v10 =	vld [tilespmem:s14+$0xFFFFFF90];
	v9 =	vadd.f32 v9, v4  }
0x1d4: {  	v20 =	vand.u32 $0x7E, v15;
	v17 =	vadd.s32 v0, v19  }
0x1d5: {  	v15 =	vadd.s32 v0, v20;
	[tilespmem:v8+s1+$0x0] =	vst.idx.msk $0xffff, v9  }
0x1d6: {  	v8 =	vadd.f32 v11, v4;
	v9 =	vld [tilespmem:s14+$0xFFFFFFE0]  }
0x1d7: {  	v11 =	vadd.f32 v14, v4  }
0x1d8: {  	[tilespmem:v16+s1+$0x0] =	vst.idx.msk $0xffff, v8;
	v8 =	vadd.f32 v10, v4;
	v10 =	vadd.s32 v1, v13  }
0x1d9: {  	[tilespmem:v17+s1+$0x0] =	vst.idx.msk $0xffff, v11;
	v14 =	vld [tilespmem:s14+$0xFFFFFF20]  }
0x1da: {  	v11 =	vld [tilespmem:s14+$0xFFFFFF60];
	[tilespmem:v15+s1+$0x0] =	vst.idx.msk $0xffff, v8  }
0x1db: {  	v15 =	vld [tilespmem:s14+$0xFFFFFFA0];
	v8 =	vadd.f32 v9, v5  }
0x1dc: {  	s12 =	simm.s32 $0x7;
	s11 =	simm.s32 $0x9B30;
	v16 =	vadd.s32 v1, v19  }
0x1dd: {  	s15 =	simm.s32 $0x4;
	v18 =	vld [tilespmem:s11+$0xFFFFFFD0];
	v21 =	vadd.s32 v1, v12;
	v17 =	vadd.s32 v1, v20;
	[tilespmem:v10+s1+$0x0] =	vst.idx.msk $0xffff, v8;
	v8 =	vmov s12  }
0x1de: {  	v26 =	vadd.s32 v2, v13;
	v9 =	vmov s15;
	v8 =	vand.u32 $0x7F, v8;
	v22 =	vld [tilespmem:s14+$0xFFFFFFF0]  }
0x1df: {  	s16 =	simm.s32 $0x5;
	v23 =	vld [tilespmem:s11+$0xFFFFFF10];
	v9 =	vand.u32 $0x7C, v9;
	v10 =	vadd.f32 v11, v5;
	v24 =	vadd.s32 v0, v8  }
0x1e0: {  	s17 =	simm.s32 $0x6;
	v25 =	vld [tilespmem:s11+$0xFFFFFF50];
	v14 =	vadd.f32 v14, v5;
	v11 =	vadd.f32 v15, v5;
	v15 =	vmov s16  }
0x1e1: {  	v27 =	vadd.s32 v0, v9;
	[tilespmem:v16+s1+$0x0] =	vst.idx.msk $0xffff, v10;
	v16 =	vmov s17;
	v10 =	vand.u32 $0x7D, v15;
	v15 =	vld [tilespmem:s11+$0xFFFFFF90]  }
0x1e2: {  	[tilespmem:v17+s1+$0x0] =	vst.idx.msk $0xffff, v11;
	v17 =	vadd.s32 v0, v10;
	v11 =	vand.u32 $0x7E, v16;
	v16 =	vadd.f32 v18, v4;
	v18 =	vld [tilespmem:s14+$0xFFFFFF70]  }
0x1e3: {  	[tilespmem:v21+s1+$0x0] =	vst.idx.msk $0xffff, v14;
	v14 =	vadd.s32 v0, v11;
	v21 =	vld [tilespmem:s14+$0xFFFFFFB0];
	v22 =	vadd.f32 v22, v6  }
0x1e4: {  	v23 =	vadd.f32 v23, v4;
	[tilespmem:v24+s1+$0x0] =	vst.idx.msk $0xffff, v16;
	v16 =	vld [tilespmem:s14+$0xFFFFFF30];
	v24 =	vadd.s32 v2, v19  }
0x1e5: {  	v29 =	vadd.s32 v2, v20;
	v25 =	vadd.f32 v25, v4;
	v28 =	vld [tilespmem:s11+$0xFFFFFFE0];
	[tilespmem:v26+s1+$0x0] =	vst.idx.msk $0xffff, v22  }
0x1e6: {  	[tilespmem:v27+s1+$0x0] =	vst.idx.msk $0xffff, v23;
	v23 =	vadd.s32 v2, v12;
	v15 =	vadd.f32 v15, v4;
	v26 =	vld [tilespmem:s14+$0x0]  }
0x1e7: {  	v27 =	vld [tilespmem:s11+$0xFFFFFF20];
	[tilespmem:v17+s1+$0x0] =	vst.idx.msk $0xffff, v25;
	v25 =	vadd.s32 v1, v8;
	v18 =	vadd.f32 v18, v6  }
0x1e8: {  	v31 =	vadd.s32 v3, v13;
	v30 =	vld [tilespmem:s11+$0xFFFFFF60];
	[tilespmem:v14+s1+$0x0] =	vst.idx.msk $0xffff, v15;
	v14 =	vadd.f32 v21, v6  }
0x1e9: {  	v22 =	vadd.s32 v1, v9;
	v17 =	vld [tilespmem:s11+$0xFFFFFFA0];
	v13 =	vadd.f32 v16, v6;
	[tilespmem:v24+s1+$0x0] =	vst.idx.msk $0xffff, v18  }
0x1ea: {  	s12 =	simm.s32 $0x8;
	v21 =	vadd.s32 v1, v10;
	[tilespmem:v29+s1+$0x0] =	vst.idx.msk $0xffff, v14;
	v18 =	vadd.f32 v28, v5;
	v16 =	vld [tilespmem:s14+$0xFFFFFF80]  }
0x1eb: {  	v24 =	vmov s12;
	v14 =	vadd.s32 v1, v11;
	v15 =	vld [tilespmem:s14+$0xFFFFFFC0];
	[tilespmem:v23+s1+$0x0] =	vst.idx.msk $0xffff, v13;
	v63 =	vadd.f32 v26, v7  }
0x1ec: {  	s4 =	simm.s32 $0x9C30;
	s15 =	simm.s32 $0xB;
	v19 =	vadd.s32 v3, v19;
	v13 =	vand.u32 $0x7C, v24;
	v24 =	vadd.f32 v27, v5;
	[tilespmem:v25+s1+$0x0] =	vst.idx.msk $0xffff, v18;
	v18 =	vld [tilespmem:s14+$0xFFFFFF40]  }
0x1ed: {  	v20 =	vadd.s32 v3, v20;
	v26 =	vmov s15;
	v23 =	vld [tilespmem:s4+$0xFFFFFFD0];
	s14 =	simm.s32 $0xC;
	v25 =	vadd.f32 v30, v5;
	[tilespmem:v31+s1+$0x0] =	vst.idx.msk $0xffff, v63  }
.LBB2_31:
0x1ee: {  	p0 =	slt.u32 s14, $0x7C;
	s15 =	sadd.s32 $0x1, s12;
	v26 =	vand.u32 $0x7F, v26;
	[tilespmem:v22+s1+$0x0] =	vst.idx.msk $0xffff, v24;
	v17 =	vadd.f32 v17, v5;
	v22 =	vld [tilespmem:s11+$0xFFFFFFF0];
	v24 =	vadd.s32 v3, v12  }
0x1ef: {  	v30 =	vmovc v11;
	v27 =	vld [tilespmem:s4+$0xFFFFFF10];
	v28 =	vmov s15;
	s15 =	sadd.s32 $0x2, s12;
	v29 =	vadd.s32 v0, v26;
	[tilespmem:v21+s1+$0x0] =	vst.idx.msk $0xffff, v25;
	v16 =	vadd.f32 v16, v7;
	s12 =	smov.u32 s14  }
0x1f0: {  	v12 =	vmovc v9;
	v21 =	vld [tilespmem:s4+$0xFFFFFF50];
	v11 =	vmov s15;
	[tilespmem:v14+s1+$0x0] =	vst.idx.msk $0xffff, v17;
	v14 =	vadd.s32 v2, v8;
	v15 =	vadd.f32 v15, v7  }
0x1f1: {  	v17 =	vadd.s32 v0, v13;
	v28 =	vand.u32 $0x7D, v28;
	v25 =	vld [tilespmem:s4+$0xFFFFFF90];
	v31 =	vadd.f32 v18, v7;
	[tilespmem:v19+s1+$0x0] =	vst.idx.msk $0xffff, v16  }
0x1f2: {  	v16 =	vadd.s32 v0, v28;
	v11 =	vand.u32 $0x7E, v11;
	v18 =	vadd.f32 v23, v4;
	v19 =	vld [tilespmem:s11+$0xFFFFFF70];
	[tilespmem:v20+s1+$0x0] =	vst.idx.msk $0xffff, v15  }
0x1f3: {  	v9 =	vmov v13;
	v15 =	vadd.s32 v0, v11;
	v20 =	vld [tilespmem:s11+$0xFFFFFFB0];
	v22 =	vadd.f32 v22, v6;
	[tilespmem:v24+s1+$0x0] =	vst.idx.msk $0xffff, v31  }
0x1f4: {  	v23 =	vadd.s32 v2, v10;
	v13 =	vadd.f32 v27, v4;
	[tilespmem:v29+s1+$0x0] =	vst.idx.msk $0xffff, v18;
	v18 =	vld [tilespmem:s11+$0xFFFFFF30]  }
0x1f5: {  	v27 =	vadd.s32 v2, v30;
	v21 =	vadd.f32 v21, v4;
	v24 =	vld [tilespmem:s4+$0xFFFFFFE0];
	[tilespmem:v14+s1+$0x0] =	vst.idx.msk $0xffff, v22  }
0x1f6: {  	[tilespmem:v17+s1+$0x0] =	vst.idx.msk $0xffff, v13;
	v13 =	vadd.f32 v25, v4;
	v25 =	vadd.s32 v2, v12;
	v29 =	vld [tilespmem:s11+$0x0]  }
0x1f7: {  	v32 =	vadd.s32 v1, v26;
	v31 =	vld [tilespmem:s4+$0xFFFFFF20];
	[tilespmem:v16+s1+$0x0] =	vst.idx.msk $0xffff, v21;
	v14 =	vadd.f32 v19, v6  }
0x1f8: {  	v34 =	vadd.s32 v3, v8;
	v8 =	vmov v26;
	v33 =	vld [tilespmem:s4+$0xFFFFFF60];
	[tilespmem:v15+s1+$0x0] =	vst.idx.msk $0xffff, v13;
	v13 =	vadd.f32 v20, v6  }
.Ltmp17:
0x1f9: {  	v22 =	vadd.s32 v1, v9;
	v17 =	vld [tilespmem:s4+$0xFFFFFFA0];
	v15 =	vadd.f32 v18, v6;
	[tilespmem:v23+s1+$0x0] =	vst.idx.msk $0xffff, v14;
	(pc) =	sbr.rel @p0 .LBB2_31-.Ltmp17, $4  }
0x1fa: {  	v21 =	vadd.s32 v1, v28;
	v18 =	vadd.f32 v24, v5;
	v16 =	vld [tilespmem:s11+$0xFFFFFF80];
	[tilespmem:v27+s1+$0x0] =	vst.idx.msk $0xffff, v13  }
0x1fb: {  	v14 =	vadd.s32 v1, v11;
	v13 =	vmov s14;
	[tilespmem:v25+s1+$0x0] =	vst.idx.msk $0xffff, v15;
	v15 =	vld [tilespmem:s11+$0xFFFFFFC0];
	v27 =	vadd.f32 v29, v7  }
0x1fc: {  	s15 =	sadd.s32 $0x3, s14;
	v19 =	vadd.s32 v3, v10;
	v13 =	vand.u32 $0x7C, v13;
	v24 =	vadd.f32 v31, v5;
	[tilespmem:v32+s1+$0x0] =	vst.idx.msk $0xffff, v18;
	v18 =	vld [tilespmem:s11+$0xFFFFFF40];
	s11 =	smov.u32 s4;
	s4 =	sadd.s32 $0x100, s4  }
0x1fd: {  	v26 =	vmov s15;
	v10 =	vmovc v28;
	v20 =	vadd.s32 v3, v30;
	s14 =	sadd.s32 $0x4, s14;
	v23 =	vld [tilespmem:s4+$0xFFFFFFD0];
	v25 =	vadd.f32 v33, v5;
	[tilespmem:v34+s1+$0x0] =	vst.idx.msk $0xffff, v27  }
0x1fe: {  	s14 =	sadd.s32 $0x1, s12;
	v26 =	vand.u32 $0x7F, v26;
	v32 =	vld [tilespmem:s4+$0xFFFFFF10]  }
0x1ff: {  	s16 =	sadd.s32 $0x2, s12;
	v28 =	vld [tilespmem:s4+$0xFFFFFF50];
	v27 =	vmov s14;
	v29 =	vadd.s32 v0, v26  }
0x200: {  	v31 =	vld [tilespmem:s4+$0xFFFFFF90];
	v46 =	vadd.s32 v0, v13;
	v30 =	vmov s16;
	v27 =	vand.u32 $0x7D, v27  }
0x201: {  	v30 =	vand.u32 $0x7E, v30;
	v33 =	vadd.s32 v0, v27  }
0x202: {  	[tilespmem:v22+s1+$0x0] =	vst.idx.msk $0xffff, v24;
	v34 =	vadd.s32 v0, v30;
	v23 =	vadd.f32 v23, v4  }
0x203: {  	[tilespmem:v21+s1+$0x0] =	vst.idx.msk $0xffff, v25;
	v49 =	vadd.f32 v32, v4  }
0x204: {  	v47 =	vadd.f32 v28, v4;
	[tilespmem:v29+s1+$0x0] =	vst.idx.msk $0xffff, v23  }
0x205: {  	v48 =	vadd.f32 v31, v4;
	v50 =	vld [tilespmem:s4+$0xFFFFFFE0];
	[tilespmem:v46+s1+$0x0] =	vst.idx.msk $0xffff, v49  }
0x206: {  	v17 =	vadd.f32 v17, v5;
	v12 =	vadd.s32 v3, v12;
	[tilespmem:v33+s1+$0x0] =	vst.idx.msk $0xffff, v47;
	v54 =	vld [tilespmem:s4+$0xFFFFFF20]  }
0x207: {  	v16 =	vadd.f32 v16, v7;
	v52 =	vadd.s32 v1, v26;
	[tilespmem:v34+s1+$0x0] =	vst.idx.msk $0xffff, v48;
	v51 =	vld [tilespmem:s4+$0xFFFFFF60]  }
0x208: {  	v59 =	vadd.s32 v1, v13;
	[tilespmem:v14+s1+$0x0] =	vst.idx.msk $0xffff, v17;
	v53 =	vadd.f32 v15, v7;
	v23 =	vld [tilespmem:s4+$0xFFFFFFA0]  }
0x209: {  	v56 =	vld [tilespmem:s11+$0xFFFFFFF0];
	v55 =	vadd.s32 v1, v27;
	v18 =	vadd.f32 v18, v7;
	[tilespmem:v19+s1+$0x0] =	vst.idx.msk $0xffff, v16  }
0x20a: {  	v58 =	vld [tilespmem:s11+$0xFFFFFF70];
	v57 =	vadd.s32 v1, v30;
	[tilespmem:v20+s1+$0x0] =	vst.idx.msk $0xffff, v53;
	v60 =	vadd.f32 v50, v5  }
0x20b: {  	v61 =	vadd.s32 v2, v8;
	v62 =	vld [tilespmem:s11+$0xFFFFFFB0];
	[tilespmem:v12+s1+$0x0] =	vst.idx.msk $0xffff, v18;
	v15 =	vadd.f32 v54, v5  }
0x20c: {  	v31 =	vadd.s32 v2, v10;
	v29 =	vld [tilespmem:s11+$0xFFFFFF30];
	v63 =	vadd.f32 v51, v5;
	[tilespmem:v52+s1+$0x0] =	vst.idx.msk $0xffff, v60  }
0x20d: {  	v33 =	vadd.s32 v2, v11;
	v32 =	vadd.f32 v23, v5;
	v34 =	vld [tilespmem:s4+$0xFFFFFFF0];
	[tilespmem:v59+s1+$0x0] =	vst.idx.msk $0xffff, v15  }
0x20e: {  	v36 =	vadd.s32 v2, v9;
	v35 =	vadd.f32 v56, v6;
	[tilespmem:v55+s1+$0x0] =	vst.idx.msk $0xffff, v63;
	v41 =	vld [tilespmem:s4+$0xFFFFFF30]  }
0x20f: {  	v38 =	vadd.s32 v2, v26;
	v19 =	vadd.f32 v58, v6;
	[tilespmem:v57+s1+$0x0] =	vst.idx.msk $0xffff, v32;
	v37 =	vld [tilespmem:s4+$0xFFFFFF70]  }
0x210: {  	[tilespmem:v61+s1+$0x0] =	vst.idx.msk $0xffff, v35;
	v46 =	vadd.s32 v2, v13;
	v40 =	vadd.f32 v62, v6;
	v39 =	vld [tilespmem:s4+$0xFFFFFFB0]  }
0x211: {  	v42 =	vadd.s32 v2, v27;
	v43 =	vld [tilespmem:s11+$0x0];
	[tilespmem:v31+s1+$0x0] =	vst.idx.msk $0xffff, v19;
	v18 =	vadd.f32 v29, v6  }
0x212: {  	v44 =	vadd.s32 v2, v30;
	v25 =	vld [tilespmem:s11+$0xFFFFFF80];
	[tilespmem:v33+s1+$0x0] =	vst.idx.msk $0xffff, v40;
	v45 =	vadd.f32 v34, v6  }
0x213: {  	v8 =	vadd.s32 v3, v8;
	[tilespmem:v36+s1+$0x0] =	vst.idx.msk $0xffff, v18;
	v47 =	vld [tilespmem:s11+$0xFFFFFFC0];
	v51 =	vadd.f32 v41, v6  }
0x214: {  	v48 =	vadd.s32 v3, v10;
	v18 =	vld [tilespmem:s11+$0xFFFFFF40];
	v16 =	vadd.f32 v37, v6;
	[tilespmem:v38+s1+$0x0] =	vst.idx.msk $0xffff, v45  }
0x215: {  	v50 =	vadd.s32 v3, v11;
	v49 =	vadd.f32 v39, v6;
	v14 =	vld [tilespmem:s4+$0x0];
	[tilespmem:v46+s1+$0x0] =	vst.idx.msk $0xffff, v51  }
0x216: {  	v53 =	vadd.s32 v3, v9;
	v52 =	vadd.f32 v43, v7;
	[tilespmem:v42+s1+$0x0] =	vst.idx.msk $0xffff, v16;
	v58 =	vld [tilespmem:s4+$0xFFFFFF40]  }
0x217: {  	v56 =	vadd.s32 v3, v26;
	v55 =	vadd.f32 v25, v7;
	[tilespmem:v44+s1+$0x0] =	vst.idx.msk $0xffff, v49;
	v54 =	vld [tilespmem:s4+$0xFFFFFF80]  }
0x218: {  	v61 =	vadd.s32 v3, v13;
	[tilespmem:v8+s1+$0x0] =	vst.idx.msk $0xffff, v52;
	v8 =	vadd.f32 v47, v7;
	v57 =	vld [tilespmem:s4+$0xFFFFFFC0]  }
0x219: {  	v59 =	vadd.s32 v3, v27;
	[tilespmem:v48+s1+$0x0] =	vst.idx.msk $0xffff, v55;
	v18 =	vadd.f32 v18, v7  }
0x21a: {  	s17 =	sadd.s32 s3, s10;
	v60 =	vadd.s32 v3, v30;
	[tilespmem:v50+s1+$0x0] =	vst.idx.msk $0xffff, v8;
	v8 =	vadd.f32 v14, v7  }
0x21b: {  	s10 =	sshll.u32 s17, $0x4;
	[tilespmem:v53+s1+$0x0] =	vst.idx.msk $0xffff, v18;
	v63 =	vadd.f32 v58, v7  }
0x21c: {  	s10 =	sand.u32 $0x70, s10;
	s4 =	sshll.u32 s17, $0xA;
	v62 =	vadd.f32 v54, v7;
	[tilespmem:v56+s1+$0x0] =	vst.idx.msk $0xffff, v8  }
0x21d: {  	s10 =	sadd.s32 s6, s10;
	s4 =	sand.u32 $0xFFFE000, s4;
	v8 =	vadd.f32 v57, v7;
	[tilespmem:v61+s1+$0x0] =	vst.idx.msk $0xffff, v63  }
0x21e: {  	s12 =	simm.s32 $0x141C8;
	s4 =	sadd.s32 s4, s10;
	[tilespmem:v59+s1+$0x0] =	vst.idx.msk $0xffff, v62  }
0x21f: {  	s11 =	simm.s32 $0x80;
	s10 =	simm.s32 $0x14140;
	s14 =	sadd.s32 $0x0, s4;
	[tilespmem:v60+s1+$0x0] =	vst.idx.msk $0xffff, v8  }
.LBB2_33:
0x220: {  	[hbm4b:s14+s2] =	stream.linear.scatter [tilespmem:s10], [sflag:$0xA], $0x80, $0x38;
	[tilespmem:$0x16340] =	vst v63  }
0x221: {  	s14 =	smov.u32 s11;
	s10 =	smov.u32 s12;
	p0 =	sne.s32 s11, $0x1F80  }
.Ltmp18:
0x222: {  	s11 =	sadd.s32 $0x80, s11;
	(pc) =	sbr.rel @p0 .LBB2_33-.Ltmp18, $2  }
0x223: {  	_ =	sdelay $0x2  }
0x224: {  	s12 =	sadd.s32 $0x88, s12;
	s14 =	sadd.s32 s14, s4  }
0x225: {  	s7 =	sadd.s32 $0x1, s7  }
0x226: {  	p0 =	sne.s32 s7, $0xA  }
.Ltmp19:
0x227: {  	_ = 	snop;
	(pc) =	sbr.rel @p0 .LBB2_2-.Ltmp19, $2  }
0x228: {  	_ =	sdelay $0x2  }
0x229: {  	[hbm4b:s14+s2] =	stream.linear.scatter [tilespmem:s10], [sflag:$0xA], $0x80, $0x38;
	[tilespmem:$0x16340] =	vst v63  }
0x22a: {  	s4 =	simm.s32 $0x6  }
0x22b: {  	_ =	swait.ge [sflag:s4], $0x2000  }
0x22c: {  	[sflag:s4] =	ssyncset.done $0x0  }
0x22d: {  	s16 =	simm.s32 $0x7;
	[sflag:s4] =	ssyncadd.s32 $0xFFFFE000  }
0x22e: {  	_ =	swait.ge [sflag:s16], $0x2000  }
0x22f: {  	[sflag:s16] =	ssyncset.done $0x0  }
0x230: {  	[sflag:s16] =	ssyncadd.s32 $0xFFFFE000  }
0x231: {  	_ =	swait.ge [sflag:s25], $0x2000  }
0x232: {  	[sflag:s25] =	ssyncset.done $0x0  }
0x233: {  	[sflag:s25] =	ssyncadd.s32 $0xFFFFE000  }
0x234: {  	_ =	swait.ge [sflag:s29], $0x2000  }
0x235: {  	[sflag:s29] =	ssyncset.done $0x0  }
0x236: {  	[sflag:s29] =	ssyncadd.s32 $0xFFFFE000  }
0x237: {  	_ =	swait.ge [sflag:s0], $0x2000  }
0x238: {  	s7 =	rddreg [dreg:$0x6]  }
0x239: {  	s17 =	rddreg [dreg:$0x5];
	s7 =	sadd.s32 $0x1, s7  }
0x23a: {  	p0 =	sne.s32 s7, s17  }
.Ltmp20:
0x23b: {  	_ = 	snop;
	(pc) =	sbr.rel @p0 .LBB2_1-.Ltmp20, $3  }
0x23c: {  	_ =	sdelay $0x1  }
0x23d: {  	[sflag:s0] =	ssyncset.done $0x0  }
0x23e: {  	[sflag:s0] =	ssyncadd.s32 $0xFFFFE000  }
0x23f: {  	_ =	sfence.sel $0x180000  }
0x240: {  	[bflag:$0x0] =	sbarrier.arrive $0xFFFF  }
0x241: {  	_ =	strace $0x90000047  }
0x242: {  	s0 =	stileid.u32;
	[bflag:$0x2] =	sbarrier.arrive $0xFFFF  }
0x243: {  	p0 =	sne.s32 s0, $0x0;
	s0 =	rddreg [dreg:$0x2]  }
0x244: {  	s0 =	sadd.s32 @!p0 $0x100000, s0  }
0x245: {  	[sflag:s0] =	ssyncadd.tile.s32 @!p0 $0x1;
	_ =	shalt  }
.Lfunc_end2:
_tile_overlayer_lowered:
.L_overlay_start_2:
0x246: {  	(tag) =	ssettag $0x2  }
0x247: {  	s0 =	rddreg [dreg:$0x0];
	s2 =	stileid.u32  }
0x248: {  	s1 =	rddreg [dreg:$0x1];
	p0 =	sne.s32 s2, $0x0  }
0x249: {  	s3 =	rddreg [dreg:$0x2];
	[bflag:$0x3] =	sbarrier.arrive $0xFFFF;
	s2 =	simm.s32 @!p0 $0x1C0B  }
0x24a: {  	[timem:s3], [sflag:s2] =	dma.local @!p0 [hbm:s0], s1  }
0x24b: {  	s0 =	simm.s32 @!p0 $0xB  }
0x24c: {  	_ =	swait.ge @!p0 [sflag:s0], s1  }
0x24d: {  	s1 =	ssub.s32 @!p0 $0x0, s1;
	[sflag:s0] =	ssyncset.done @!p0 $0x0  }
0x24e: {  	[sflag:s0] =	ssyncadd.s32 @!p0 s1  }
0x24f: {  	[bflag:$0x3] =	sbarrier.arrive $0xFFFF  }
0x250: {  	_ =	shalt  }

</sc_bundles>
